<compile_context>
chip_gen: v7x
topology: tpu7x:2x2x1
jax: 0.10.2.dev20260603
libtpu: 0.0.44.dev20260713+nightly
codegen_flags: <defaults>
</compile_context>

<pallas_src>
import functools
import jax
import jax.numpy as jnp
from jax import lax
from jax.experimental import pallas as pl
from jax.experimental.pallas import tpu as pltpu
from jax.experimental.pallas import tpu_sc as plsc

_N = 10000
_E = 320000
_DIN = 128
_H = 64
_G = 16
_NC = 2
_NS = 16
_CH = 128
_NCH = 157
_NB = 2
_EPT = _CH * _NCH
_EPAD = _EPT * _NS
_NPAD = 10240
_RPT = _NPAD // _NS



def _seg_body(with_cnt, *refs):
    if with_cnt:
        (y_hbm, src_hbm, dst_hbm, agg_hbm, cnt_hbm,
         src_v, dst_v, rowbufs, zbuf, gsems, csem,
         onesbuf, czbuf, acc, cnt_acc) = refs
    else:
        (y_hbm, src_hbm, dst_hbm, agg_hbm,
         src_v, dst_v, rowbufs, zbuf, gsems, acc) = refs

    c = lax.axis_index("c")
    s = lax.axis_index("s")

    cp_src = pltpu.async_copy(src_hbm.at[c, s], src_v, gsems[0])
    cp_dst = pltpu.async_copy(dst_hbm.at[c, s], dst_v, gsems[1])

    z16 = jnp.zeros((16,), jnp.float32)

    @pl.loop(0, 32)
    def _zb(i):
        for k in range(4):
            zbuf[i, pl.ds(k * 16, 16)] = z16

    cp_src.wait()
    cp_dst.wait()

    pltpu.async_copy(y_hbm.at[src_v.at[0]], rowbufs[0], gsems[0])

    @pl.loop(0, _RPT // 32)
    def _za(i):
        pltpu.sync_copy(zbuf, acc.at[pl.ds(s * _RPT + i * 32, 32)])

    if with_cnt:
        ones16 = jnp.ones((16,), jnp.float32)

        @pl.loop(0, _CH)
        def _ob(i):
            onesbuf[i, :] = ones16

        @pl.loop(0, 32)
        def _cz(i):
            czbuf[i, :] = z16

        @pl.loop(0, _RPT // 32)
        def _zca(i):
            pltpu.sync_copy(czbuf, cnt_acc.at[pl.ds(s * _RPT + i * 32, 32)])

    plsc.subcore_barrier()

    def _scat(buf, j):
        if with_cnt:
            cp = pltpu.async_copy(onesbuf, cnt_acc.at[dst_v.at[j]], csem,
                                  add=True)
            pltpu.sync_copy(buf, acc.at[dst_v.at[j]], add=True)
            cp.wait()
        else:
            pltpu.sync_copy(buf, acc.at[dst_v.at[j]], add=True)

    @pl.loop(0, (_NCH - 1) // 2)
    def _main(t):
        j = 2 * t
        pltpu.async_copy(y_hbm.at[src_v.at[j + 1]], rowbufs[1], gsems[1])
        pltpu.make_async_copy(y_hbm.at[src_v.at[j]], rowbufs[0], gsems[0]).wait()
        _scat(rowbufs[0], j)
        pltpu.async_copy(y_hbm.at[src_v.at[j + 2]], rowbufs[0], gsems[0])
        pltpu.make_async_copy(y_hbm.at[src_v.at[j + 1]], rowbufs[1], gsems[1]).wait()
        _scat(rowbufs[1], j + 1)

    pltpu.make_async_copy(y_hbm.at[src_v.at[_NCH - 1]], rowbufs[0], gsems[0]).wait()
    _scat(rowbufs[0], _NCH - 1)

    plsc.subcore_barrier()

    if with_cnt:
        pltpu.sync_copy(cnt_acc.at[pl.ds(s * _RPT, _RPT)],
                        cnt_hbm.at[c, pl.ds(s * _RPT, _RPT)])

    pltpu.sync_copy(acc.at[pl.ds(s * _RPT, _RPT)],
                    agg_hbm.at[c, pl.ds(s * _RPT, _RPT)])


def _make_seg(with_cnt):
    mesh = plsc.VectorSubcoreMesh(core_axis_name="c", subcore_axis_name="s",
                                  num_cores=_NC, num_subcores=_NS)
    out_type = [jax.ShapeDtypeStruct((_NC, _NPAD, _H), jnp.float32)]
    scratch = [
        pltpu.VMEM((_NCH, _CH), jnp.int32),
        pltpu.VMEM((_NCH, _CH), jnp.int32),
        [pltpu.VMEM((_CH, _H), jnp.float32) for _ in range(_NB)],
        pltpu.VMEM((32, 64), jnp.float32),
        [pltpu.SemaphoreType.DMA for _ in range(_NB)],
    ]
    if with_cnt:
        out_type.append(jax.ShapeDtypeStruct((_NC, _NPAD, 16), jnp.float32))
        scratch += [
            pltpu.SemaphoreType.DMA,
            pltpu.VMEM((_CH, 16), jnp.float32),
            pltpu.VMEM((32, 16), jnp.float32),
        ]
    scratch += [pltpu.VMEM_SHARED((_NPAD, _H), jnp.float32)]
    if with_cnt:
        scratch += [pltpu.VMEM_SHARED((_NPAD, 16), jnp.float32)]
    return pl.kernel(functools.partial(_seg_body, with_cnt),
                     out_type=out_type, mesh=mesh, scratch_types=scratch,
                     compiler_params=pltpu.CompilerParams(
                         use_tc_tiling_on_sc=False))


@functools.lru_cache(maxsize=None)
def _seg_built(with_cnt):
    return _make_seg(with_cnt)


def _seg_cnt(*args):
    return _seg_built(True)(*args)


def _seg(*args):
    return _seg_built(False)(*args)



def _ln_relu(h, g, b):
    mu = jnp.mean(h, axis=-1, keepdims=True)
    d = h - mu
    var = jnp.mean(d * d, axis=-1, keepdims=True)
    return jnp.maximum(d * lax.rsqrt(var + 1e-5) * g + b, 0.0)


_BR = 5000

_GI = lambda g, i: (g, i, 0)
_G0 = lambda g, i: (g, 0, 0)


def _pre_body(x_ref, w_ref, y_ref):
    for g in range(_NC):
        y_ref[g] = jnp.dot(x_ref[g], w_ref[g],
                           preferred_element_type=jnp.float32,
                           precision=lax.Precision.HIGHEST)


def _pre(x2, wl1):
    return pl.pallas_call(
        _pre_body,
        out_shape=jax.ShapeDtypeStruct((_NC, _N, _H), jnp.float32),
    )(x2, wl1)


def _post_body(agg_ref, cnt_ref, x_ref, wr_ref, bl_ref, lng_ref, lnb_ref,
               wl_ref, xn_ref, yn_ref):
    mean = agg_ref[0] / jnp.maximum(cnt_ref[0][:, 0:1], 1.0)
    h = mean + bl_ref[0] + jnp.dot(x_ref[0], wr_ref[0],
                                   preferred_element_type=jnp.float32,
                                   precision=lax.Precision.HIGHEST)
    xn = _ln_relu(h, lng_ref[0], lnb_ref[0])
    xn_ref[0] = xn
    yn_ref[0] = jnp.dot(xn, wl_ref[0], preferred_element_type=jnp.float32,
                        precision=lax.Precision.HIGHEST)


def _post(agg2, cnt2, x2, wr, bl, lng, lnb, wl_next):
    din = x2.shape[-1]
    return pl.pallas_call(
        _post_body,
        grid=(_NC, _N // _BR),
        in_specs=[
            pl.BlockSpec((1, _BR, _H), _GI),
            pl.BlockSpec((1, _BR, 16), _GI),
            pl.BlockSpec((1, _BR, din), _GI),
            pl.BlockSpec((1, din, _H), _G0),
            pl.BlockSpec((1, 1, _H), _G0),
            pl.BlockSpec((1, 1, _H), _G0),
            pl.BlockSpec((1, 1, _H), _G0),
            pl.BlockSpec((1, _H, _H), _G0),
        ],
        out_specs=[pl.BlockSpec((1, _BR, _H), _GI),
                   pl.BlockSpec((1, _BR, _H), _GI)],
        out_shape=[jax.ShapeDtypeStruct((_NC, _N, _H), jnp.float32),
                   jax.ShapeDtypeStruct((_NC, _N, _H), jnp.float32)],
        compiler_params=pltpu.CompilerParams(
            dimension_semantics=("parallel", "parallel")),
    )(agg2, cnt2, x2, wr, bl, lng, lnb, wl_next)


def _final_body(x_ref, batch_ref, wk_ref, bk_ref, q_ref, w1_ref, b1_ref,
                w2_ref, b2_ref, logits_ref, fused_ref, attn_ref, za_ref,
                zv_ref):
    zs = []
    for g in range(_NC):
        onehot = (lax.broadcasted_iota(jnp.int32, (_G, _N), 0)
                  == batch_ref[g]).astype(jnp.float32)
        ssum = jnp.dot(onehot, x_ref[g], preferred_element_type=jnp.float32,
                       precision=lax.Precision.HIGHEST)
        cg = jnp.sum(onehot, axis=1, keepdims=True)
        zs.append(ssum / jnp.maximum(cg, 1.0))
    za, zv = zs
    za_ref[...] = za
    zv_ref[...] = zv
    scale = 1.0 / (float(_H) ** 0.5)
    s_a = jnp.sum((jnp.dot(za, wk_ref[...], preferred_element_type=jnp.float32,
                   precision=lax.Precision.HIGHEST)
                   + bk_ref[...]) * q_ref[...], axis=-1, keepdims=True) * scale
    s_v = jnp.sum((jnp.dot(zv, wk_ref[...], preferred_element_type=jnp.float32,
                   precision=lax.Precision.HIGHEST)
                   + bk_ref[...]) * q_ref[...], axis=-1, keepdims=True) * scale
    m = jnp.maximum(s_a, s_v)
    e_a = jnp.exp(s_a - m)
    e_v = jnp.exp(s_v - m)
    den = e_a + e_v
    a_a = e_a / den
    a_v = e_v / den
    attn_ref[...] = jnp.concatenate([a_a, a_v], axis=1)
    fused = a_a * za + a_v * zv
    fused_ref[...] = fused
    h1 = jnp.maximum(jnp.dot(fused, w1_ref[...],
                             preferred_element_type=jnp.float32,
                   precision=lax.Precision.HIGHEST)
                     + b1_ref[...], 0.0)
    logits_ref[...] = jnp.dot(h1, w2_ref[...],
                              preferred_element_type=jnp.float32,
                   precision=lax.Precision.HIGHEST) + b2_ref[...]


def _final(x2, batch2, wk, bk, q, w1, b1, w2, b2):
    return pl.pallas_call(
        _final_body,
        out_shape=[jax.ShapeDtypeStruct((_G, 2), jnp.float32),
                   jax.ShapeDtypeStruct((_G, _H), jnp.float32),
                   jax.ShapeDtypeStruct((_G, 2), jnp.float32),
                   jax.ShapeDtypeStruct((_G, _H), jnp.float32),
                   jax.ShapeDtypeStruct((_G, _H), jnp.float32)],
    )(x2, batch2, wk, bk, q, w1, b1, w2, b2)



def _prep_edges(edge_index, src_bias):
    src, dst = edge_index[0], edge_index[1]
    pad = _EPAD - _E
    src_p = jnp.concatenate(
        [src + src_bias, jnp.full((pad,), src_bias, jnp.int32)])
    junk = _N + jnp.arange(pad, dtype=jnp.int32) % (_NPAD - _N)
    dst_p = jnp.concatenate([dst, junk])
    return (src_p.reshape(_NS, _NCH, _CH), dst_p.reshape(_NS, _NCH, _CH))


def _stackp(pa, pv, name, shape):
    return jnp.stack([pa[name], pv[name]]).reshape((_NC,) + shape)


def kernel(artery_x, artery_edge_index, artery_batch,
           vein_x, vein_edge_index, vein_batch, params):
    pa, pv = params['enc_a'], params['enc_v']

    x2 = jnp.stack([artery_x, vein_x])
    batch2 = jnp.stack([artery_batch, vein_batch]).reshape(_NC, 1, _N)

    sa = _prep_edges(artery_edge_index, 0)
    sv = _prep_edges(vein_edge_index, _N)
    src2 = jnp.stack([sa[0], sv[0]])
    dst2 = jnp.stack([sa[1], sv[1]])

    wl = [_stackp(pa[i], pv[i], 'Wl', (pa[i]['Wl'].shape[0], _H))
          for i in range(3)]
    wr = [_stackp(pa[i], pv[i], 'Wr', (pa[i]['Wr'].shape[0], _H))
          for i in range(3)]
    bl = [_stackp(pa[i], pv[i], 'bl', (1, _H)) for i in range(3)]
    lng = [_stackp(pa[i], pv[i], 'ln_g', (1, _H)) for i in range(3)]
    lnb = [_stackp(pa[i], pv[i], 'ln_b', (1, _H)) for i in range(3)]

    y = _pre(x2, wl[0])
    agg, cnt2 = _seg_cnt(y.reshape(_NC * _N, _H), src2, dst2)
    x2b, y = _post(agg, cnt2, x2, wr[0], bl[0], lng[0], lnb[0], wl[1])
    agg = _seg(y.reshape(_NC * _N, _H), src2, dst2)[0]
    x2c, y = _post(agg, cnt2, x2b, wr[1], bl[1], lng[1], lnb[1], wl[2])
    agg = _seg(y.reshape(_NC * _N, _H), src2, dst2)[0]
    x3, _ = _post(agg, cnt2, x2c, wr[2], bl[2], lng[2], lnb[2], wr[2])
    logits, fused, attn, z_a, z_v = _final(
        x3, batch2,
        params['Wk'], params['bk'].reshape(1, _H), params['q'],
        params['W1'], params['b1'].reshape(1, _H // 2),
        params['W2'], params['b2'].reshape(1, 2))
    return (logits, fused, attn, z_a, z_v)

# --- scband reference (transcript-rebuilt; emitter-appended) ---
"""Pipeline reference for scband-dual-structure-gcn-62766652064158 (READ-ONLY COPY).

The authoritative reference and input builder live on the scoring server;
editing this copy changes nothing except your own understanding.
"""

import jax, jax.numpy as jnp
import numpy as np

N = 10000
E = 320000
D_IN = 128
H = 64
G = 16
N_LAYERS = 3


def _make_encoder_params(key):
    layers = []
    dims = [D_IN] + [H] * (N_LAYERS - 1)
    for i, din in enumerate(dims):
        kk = jax.random.fold_in(key, i)
        k1, k2 = jax.random.split(kk)
        layers.append({
            'Wl': jax.random.normal(k1, (din, H), jnp.float32) * 0.05,
            'bl': jnp.zeros((H,), jnp.float32),
            'Wr': jax.random.normal(k2, (din, H), jnp.float32) * 0.05,
            'ln_g': jnp.ones((H,), jnp.float32),
            'ln_b': jnp.zeros((H,), jnp.float32),
        })
    return layers


def setup_inputs(seed: int = 0):
    key = jax.random.key(seed)
    ks = jax.random.split(key, 10)
    artery_x = jax.random.normal(ks[0], (N, D_IN), jnp.float32)
    vein_x = jax.random.normal(ks[1], (N, D_IN), jnp.float32)
    artery_edge_index = jax.random.randint(ks[2], (2, E), 0, N, dtype=jnp.int32)
    vein_edge_index = jax.random.randint(ks[3], (2, E), 0, N, dtype=jnp.int32)
    artery_batch = jnp.sort(jax.random.randint(ks[4], (N,), 0, G, dtype=jnp.int32))
    vein_batch = jnp.sort(jax.random.randint(ks[5], (N,), 0, G, dtype=jnp.int32))
    params = {
        'enc_a': _make_encoder_params(ks[6]),
        'enc_v': _make_encoder_params(ks[7]),
        'Wk': jax.random.normal(ks[8], (H, H), jnp.float32) * 0.05,
        'bk': jnp.zeros((H,), jnp.float32),
        'q': jax.random.normal(jax.random.fold_in(ks[8], 1), (1, H), jnp.float32) * 0.02,
        'W1': jax.random.normal(ks[9], (H, H // 2), jnp.float32) * 0.05,
        'b1': jnp.zeros((H // 2,), jnp.float32),
        'W2': jax.random.normal(jax.random.fold_in(ks[9], 1), (H // 2, 2), jnp.float32) * 0.05,
        'b2': jnp.zeros((2,), jnp.float32),
    }
    return {'artery_x': artery_x, 'artery_edge_index': artery_edge_index, 'artery_batch': artery_batch,
            'vein_x': vein_x, 'vein_edge_index': vein_edge_index, 'vein_batch': vein_batch, 'params': params}


def _sage(x, src, dst, p):
    msg = x[src]
    agg = jax.ops.segment_sum(msg, dst, num_segments=N)
    cnt = jax.ops.segment_sum(jnp.ones((src.shape[0],), jnp.float32), dst, num_segments=N)
    mean = agg / jnp.maximum(cnt, 1.0)[:, None]
    return mean @ p['Wl'] + p['bl'] + x @ p['Wr']


def _ln(x, g, b):
    mu = x.mean(axis=-1, keepdims=True)
    var = x.var(axis=-1, keepdims=True)
    return (x - mu) / jnp.sqrt(var + 1e-5) * g + b


def _encode(x, edge_index, batch, layers):
    src, dst = edge_index[0], edge_index[1]
    for p in layers:
        x = _sage(x, src, dst, p)
        x = _ln(x, p['ln_g'], p['ln_b'])
        x = jax.nn.relu(x)
    s = jax.ops.segment_sum(x, batch, num_segments=G)
    c = jax.ops.segment_sum(jnp.ones((x.shape[0],), jnp.float32), batch, num_segments=G)
    return s / jnp.maximum(c, 1.0)[:, None]


def reference(artery_x, artery_edge_index, artery_batch, vein_x, vein_edge_index, vein_batch, params):
    z_a = _encode(artery_x, artery_edge_index, artery_batch, params['enc_a'])
    z_v = _encode(vein_x, vein_edge_index, vein_batch, params['enc_v'])
    stacked = jnp.stack([z_a, z_v], axis=1)  # (G, 2, H)
    keys = stacked @ params['Wk'] + params['bk']
    scores = jnp.einsum('gkh,h->gk', keys, params['q'][0]) / jnp.sqrt(float(H))
    attn = jax.nn.softmax(scores, axis=-1)
    fused = jnp.einsum('gk,gkh->gh', attn, stacked)
    h1 = jax.nn.relu(fused @ params['W1'] + params['b1'])
    logits = h1 @ params['W2'] + params['b2']
    return (logits, fused, attn, z_a, z_v)

if __name__ == "__main__":
    import jax
    _d = setup_inputs()
    print(jax.jit(kernel)(*tuple(_d.values())))

</pallas_src>

<mosaic_0001>
#map = affine_map<(d0, d1) -> (0, 0)>
#map1 = affine_map<(d0, d1) -> (0, 0, 0, 0)>
#map2 = affine_map<(d0, d1) -> (0, 0, 0)>
module attributes {stable_mosaic.version = 14 : i64} {
  func.func @_seg_body(%arg0: i32, %arg1: i32, %arg2: memref<20000x64xf32, #tpu.memory_space<hbm>>, %arg3: memref<2x16x157x128xi32, #tpu.memory_space<hbm>>, %arg4: memref<2x16x157x128xi32, #tpu.memory_space<hbm>>, %arg5: memref<2x10240x64xf32, #tpu.memory_space<hbm>>, %arg6: memref<2x10240x16xf32, #tpu.memory_space<hbm>>, %arg7: memref<157x128xi32, #tpu.memory_space<vmem>>, %arg8: memref<157x128xi32, #tpu.memory_space<vmem>>, %arg9: memref<128x64xf32, #tpu.memory_space<vmem>>, %arg10: memref<128x64xf32, #tpu.memory_space<vmem>>, %arg11: memref<32x64xf32, #tpu.memory_space<vmem>>, %arg12: memref<!tpu.dma_semaphore, #tpu.memory_space<semaphore_mem>>, %arg13: memref<!tpu.dma_semaphore, #tpu.memory_space<semaphore_mem>>, %arg14: memref<!tpu.dma_semaphore, #tpu.memory_space<semaphore_mem>>, %arg15: memref<128x16xf32, #tpu.memory_space<vmem>>, %arg16: memref<32x16xf32, #tpu.memory_space<vmem>>, %arg17: memref<10240x64xf32, #tpu.memory_space<vmem_shared>>, %arg18: memref<10240x16xf32, #tpu.memory_space<vmem_shared>>) attributes {dimension_semantics = [#tpu.dimension_semantics<core_parallel>, #tpu.dimension_semantics<subcore_parallel>], iteration_bounds = array<i64: 2, 16>, scalar_prefetch = 0 : i64, scratch_operands = 12 : i64, tpu.core_type = #tpu.core_type<sc_vector_subcore>, window_params = [{transform_indices = #map}, {transform_indices = #map1}, {transform_indices = #map1}, {transform_indices = #map2}, {transform_indices = #map2}]} {
    %dma_start3A = arith.constant 0 : i32
    %dma_start3A_0 = arith.constant 0 : i32
    %dma_start3A_1 = tpu.memref_slice %arg3[%arg0, %arg1, %dma_start3A, %dma_start3A_0] : memref<2x16x157x128xi32, #tpu.memory_space<hbm>> -> memref<1x1x157x128xi32, #tpu.memory_space<hbm>>
    %dma_start3A_2 = tpu.memref_squeeze %dma_start3A_1 : memref<1x1x157x128xi32, #tpu.memory_space<hbm>> -> memref<157x128xi32, #tpu.memory_space<hbm>>
    %dma_start3A_3 = arith.constant 0 : i32
    %dma_start3A_4 = arith.constant 0 : i32
    %dma_start3A_5 = tpu.memref_slice %arg3[%arg0, %arg1, %dma_start3A_3, %dma_start3A_4] : memref<2x16x157x128xi32, #tpu.memory_space<hbm>> -> memref<1x1x157x128xi32, #tpu.memory_space<hbm>>
    %dma_start3A_6 = tpu.memref_squeeze %dma_start3A_5 : memref<1x1x157x128xi32, #tpu.memory_space<hbm>> -> memref<157x128xi32, #tpu.memory_space<hbm>>
    tpu.enqueue_dma source(%dma_start3A_6 : memref<157x128xi32, #tpu.memory_space<hbm>>) target(%arg7 : memref<157x128xi32, #tpu.memory_space<vmem>>) target_semaphore(%arg12 : memref<!tpu.dma_semaphore, #tpu.memory_space<semaphore_mem>>)
    %dma_start3A_7 = arith.constant 0 : i32
    %dma_start3A_8 = arith.constant 0 : i32
    %dma_start3A_9 = tpu.memref_slice %arg4[%arg0, %arg1, %dma_start3A_7, %dma_start3A_8] : memref<2x16x157x128xi32, #tpu.memory_space<hbm>> -> memref<1x1x157x128xi32, #tpu.memory_space<hbm>>
    %dma_start3A_10 = tpu.memref_squeeze %dma_start3A_9 : memref<1x1x157x128xi32, #tpu.memory_space<hbm>> -> memref<157x128xi32, #tpu.memory_space<hbm>>
    %dma_start3A_11 = arith.constant 0 : i32
    %dma_start3A_12 = arith.constant 0 : i32
    %dma_start3A_13 = tpu.memref_slice %arg4[%arg0, %arg1, %dma_start3A_11, %dma_start3A_12] : memref<2x16x157x128xi32, #tpu.memory_space<hbm>> -> memref<1x1x157x128xi32, #tpu.memory_space<hbm>>
    %dma_start3A_14 = tpu.memref_squeeze %dma_start3A_13 : memref<1x1x157x128xi32, #tpu.memory_space<hbm>> -> memref<157x128xi32, #tpu.memory_space<hbm>>
    tpu.enqueue_dma source(%dma_start3A_14 : memref<157x128xi32, #tpu.memory_space<hbm>>) target(%arg8 : memref<157x128xi32, #tpu.memory_space<vmem>>) target_semaphore(%arg13 : memref<!tpu.dma_semaphore, #tpu.memory_space<semaphore_mem>>)
    %broadcast_in_dim3A = arith.constant 0.000000e+00 : f32
    %broadcast_in_dim3A_15 = vector.broadcast %broadcast_in_dim3A : f32 to vector<16xf32>
    %scan3A = arith.constant 0 : i32
    %scan3A_16 = arith.constant 32 : i32
    %scan3A_17 = arith.addi %scan3A, %scan3A_16 : i32
    %scan3A_18 = arith.constant 1 : i32
    scf.for %scan3A_98 = %scan3A to %scan3A_17 step %scan3A_18  : i32 {
      %mul3A_99 = arith.constant 1 : i32
      %mul3A_100 = arith.muli %scan3A_98, %mul3A_99 : i32
      %add3A = arith.constant 0 : i32
      %add3A_101 = arith.addi %add3A, %mul3A_100 : i32
      %swap3A = arith.index_cast %add3A_101 : i32 to index
      %swap3A_102 = arith.constant 0 : index
      %swap3A_103 = tpu.vector_load %arg11[%swap3A, %swap3A_102] {strides = array<i32>} : memref<32x64xf32, #tpu.memory_space<vmem>>, vector<1x16xf32>,
      %swap3A_104 = vector.shape_cast %swap3A_103 : vector<1x16xf32> to vector<16xf32>
      %swap3A_105 = vector.shape_cast %broadcast_in_dim3A_15 : vector<16xf32> to vector<1x16xf32>
      tpu.vector_store %arg11[%swap3A, %swap3A_102], %swap3A_105 {strides = array<i32>} : memref<32x64xf32, #tpu.memory_space<vmem>>, vector<1x16xf32>,
      %swap3A_106 = arith.index_cast %add3A_101 : i32 to index
      %swap3A_107 = arith.constant 16 : index
      %swap3A_108 = tpu.vector_load %arg11[%swap3A_106, %swap3A_107] {strides = array<i32>} : memref<32x64xf32, #tpu.memory_space<vmem>>, vector<1x16xf32>,
      %swap3A_109 = vector.shape_cast %swap3A_108 : vector<1x16xf32> to vector<16xf32>
      %swap3A_110 = vector.shape_cast %broadcast_in_dim3A_15 : vector<16xf32> to vector<1x16xf32>
      tpu.vector_store %arg11[%swap3A_106, %swap3A_107], %swap3A_110 {strides = array<i32>} : memref<32x64xf32, #tpu.memory_space<vmem>>, vector<1x16xf32>,
      %swap3A_111 = arith.index_cast %add3A_101 : i32 to index
      %swap3A_112 = arith.constant 32 : index
      %swap3A_113 = tpu.vector_load %arg11[%swap3A_111, %swap3A_112] {strides = array<i32>} : memref<32x64xf32, #tpu.memory_space<vmem>>, vector<1x16xf32>,
      %swap3A_114 = vector.shape_cast %swap3A_113 : vector<1x16xf32> to vector<16xf32>
      %swap3A_115 = vector.shape_cast %broadcast_in_dim3A_15 : vector<16xf32> to vector<1x16xf32>
      tpu.vector_store %arg11[%swap3A_111, %swap3A_112], %swap3A_115 {strides = array<i32>} : memref<32x64xf32, #tpu.memory_space<vmem>>, vector<1x16xf32>,
      %swap3A_116 = arith.index_cast %add3A_101 : i32 to index
      %swap3A_117 = arith.constant 48 : index
      %swap3A_118 = tpu.vector_load %arg11[%swap3A_116, %swap3A_117] {strides = array<i32>} : memref<32x64xf32, #tpu.memory_space<vmem>>, vector<1x16xf32>,
      %swap3A_119 = vector.shape_cast %swap3A_118 : vector<1x16xf32> to vector<16xf32>
      %swap3A_120 = vector.shape_cast %broadcast_in_dim3A_15 : vector<16xf32> to vector<1x16xf32>
      tpu.vector_store %arg11[%swap3A_116, %swap3A_117], %swap3A_120 {strides = array<i32>} : memref<32x64xf32, #tpu.memory_space<vmem>>, vector<1x16xf32>,
    }
    %scan3A_19 = arith.constant 32 : i32
    %dma_wait3A = arith.constant 0 : i32
    %dma_wait3A_20 = arith.constant 0 : i32
    %dma_wait3A_21 = tpu.memref_slice %arg3[%arg0, %arg1, %dma_wait3A, %dma_wait3A_20] : memref<2x16x157x128xi32, #tpu.memory_space<hbm>> -> memref<1x1x157x128xi32, #tpu.memory_space<hbm>>
    %dma_wait3A_22 = tpu.memref_squeeze %dma_wait3A_21 : memref<1x1x157x128xi32, #tpu.memory_space<hbm>> -> memref<157x128xi32, #tpu.memory_space<hbm>>
    %dma_wait3A_23 = arith.constant 0 : i32
    %dma_wait3A_24 = arith.constant 0 : i32
    %dma_wait3A_25 = tpu.memref_slice %arg3[%arg0, %arg1, %dma_wait3A_23, %dma_wait3A_24] : memref<2x16x157x128xi32, #tpu.memory_space<hbm>> -> memref<1x1x157x128xi32, #tpu.memory_space<hbm>>
    %dma_wait3A_26 = tpu.memref_squeeze %dma_wait3A_25 : memref<1x1x157x128xi32, #tpu.memory_space<hbm>> -> memref<157x128xi32, #tpu.memory_space<hbm>>
    tpu.wait_dma2 semaphore(%arg12 : memref<!tpu.dma_semaphore, #tpu.memory_space<semaphore_mem>>) src(%dma_wait3A_26 : memref<157x128xi32, #tpu.memory_space<hbm>>) dst(%arg7 : memref<157x128xi32, #tpu.memory_space<vmem>>)
    %dma_wait3A_27 = arith.constant 0 : i32
    %dma_wait3A_28 = arith.constant 0 : i32
    %dma_wait3A_29 = tpu.memref_slice %arg4[%arg0, %arg1, %dma_wait3A_27, %dma_wait3A_28] : memref<2x16x157x128xi32, #tpu.memory_space<hbm>> -> memref<1x1x157x128xi32, #tpu.memory_space<hbm>>
    %dma_wait3A_30 = tpu.memref_squeeze %dma_wait3A_29 : memref<1x1x157x128xi32, #tpu.memory_space<hbm>> -> memref<157x128xi32, #tpu.memory_space<hbm>>
    %dma_wait3A_31 = arith.constant 0 : i32
    %dma_wait3A_32 = arith.constant 0 : i32
    %dma_wait3A_33 = tpu.memref_slice %arg4[%arg0, %arg1, %dma_wait3A_31, %dma_wait3A_32] : memref<2x16x157x128xi32, #tpu.memory_space<hbm>> -> memref<1x1x157x128xi32, #tpu.memory_space<hbm>>
    %dma_wait3A_34 = tpu.memref_squeeze %dma_wait3A_33 : memref<1x1x157x128xi32, #tpu.memory_space<hbm>> -> memref<157x128xi32, #tpu.memory_space<hbm>>
    tpu.wait_dma2 semaphore(%arg13 : memref<!tpu.dma_semaphore, #tpu.memory_space<semaphore_mem>>) src(%dma_wait3A_34 : memref<157x128xi32, #tpu.memory_space<hbm>>) dst(%arg8 : memref<157x128xi32, #tpu.memory_space<vmem>>)
    %dma_start3A_35 = arith.constant 0 : i32
    %dma_start3A_36 = arith.constant 0 : i32
    %dma_start3A_37 = tpu.memref_slice %arg7[%dma_start3A_35, %dma_start3A_36] : memref<157x128xi32, #tpu.memory_space<vmem>> -> memref<1x128xi32, #tpu.memory_space<vmem>>
    %dma_start3A_38 = tpu.memref_squeeze %dma_start3A_37 : memref<1x128xi32, #tpu.memory_space<vmem>> -> memref<128xi32, #tpu.memory_space<vmem>>
    %dma_start3A_39 = arith.constant 0 : i32
    %dma_start3A_40 = arith.constant 0 : i32
    %dma_start3A_41 = tpu.memref_slice %arg2[%dma_start3A_39, %dma_start3A_40] : memref<20000x64xf32, #tpu.memory_space<hbm>> -> memref<20000x64xf32, #tpu.memory_space<hbm>>
    tpu.enqueue_indirect_dma source(%dma_start3A_41 : memref<20000x64xf32, #tpu.memory_space<hbm>>) target(%arg9 : memref<128x64xf32, #tpu.memory_space<vmem>>) offsets(%dma_start3A_38 : memref<128xi32, #tpu.memory_space<vmem>>) semaphore(%arg12 : memref<!tpu.dma_semaphore, #tpu.memory_space<semaphore_mem>>)
    %scan3A_42 = arith.constant 0 : i32
    %scan3A_43 = arith.constant 20 : i32
    %scan3A_44 = arith.addi %scan3A_42, %scan3A_43 : i32
    %scan3A_45 = arith.constant 1 : i32
    scf.for %scan3A_98 = %scan3A_42 to %scan3A_44 step %scan3A_45  : i32 {
      %mul3A_99 = arith.constant 1 : i32
      %mul3A_100 = arith.muli %scan3A_98, %mul3A_99 : i32
      %add3A = arith.constant 0 : i32
      %add3A_101 = arith.addi %add3A, %mul3A_100 : i32
      %mul3A_102 = arith.constant 640 : i32
      %mul3A_103 = arith.muli %arg1, %mul3A_102 : i32
      %mul3A_104 = arith.constant 32 : i32
      %mul3A_105 = arith.muli %add3A_101, %mul3A_104 : i32
      %add3A_106 = arith.addi %mul3A_103, %mul3A_105 : i32
      "tpu.region"() ({
        %run_scoped3A_107 = tpu.sem_alloc : memref<!tpu.dma_semaphore, #tpu.memory_space<semaphore_mem>>
        %dma_start3A_108 = arith.constant 0 : i32
        %dma_start3A_109 = tpu.memref_slice %arg17[%add3A_106, %dma_start3A_108] : memref<10240x64xf32, #tpu.memory_space<vmem_shared>> -> memref<32x64xf32, #tpu.memory_space<vmem_shared>>
        %dma_start3A_110 = arith.constant 0 : i32
        %dma_start3A_111 = tpu.memref_slice %arg17[%add3A_106, %dma_start3A_110] : memref<10240x64xf32, #tpu.memory_space<vmem_shared>> -> memref<32x64xf32, #tpu.memory_space<vmem_shared>>
        tpu.enqueue_dma source(%arg11 : memref<32x64xf32, #tpu.memory_space<vmem>>) target(%dma_start3A_111 : memref<32x64xf32, #tpu.memory_space<vmem_shared>>) target_semaphore(%run_scoped3A_107 : memref<!tpu.dma_semaphore, #tpu.memory_space<semaphore_mem>>)
        %dma_wait3A_112 = arith.constant 0 : i32
        %dma_wait3A_113 = tpu.memref_slice %arg17[%add3A_106, %dma_wait3A_112] : memref<10240x64xf32, #tpu.memory_space<vmem_shared>> -> memref<32x64xf32, #tpu.memory_space<vmem_shared>>
        %dma_wait3A_114 = arith.constant 0 : i32
        %dma_wait3A_115 = tpu.memref_slice %arg17[%add3A_106, %dma_wait3A_114] : memref<10240x64xf32, #tpu.memory_space<vmem_shared>> -> memref<32x64xf32, #tpu.memory_space<vmem_shared>>
        tpu.wait_dma2 semaphore(%run_scoped3A_107 : memref<!tpu.dma_semaphore, #tpu.memory_space<semaphore_mem>>) src(%arg11 : memref<32x64xf32, #tpu.memory_space<vmem>>) dst(%dma_wait3A_115 : memref<32x64xf32, #tpu.memory_space<vmem_shared>>)
        tpu.yield
      }) : () -> ()
    }
    %scan3A_46 = arith.constant 20 : i32
    %broadcast_in_dim3A_47 = arith.constant 1.000000e+00 : f32
    %broadcast_in_dim3A_48 = vector.broadcast %broadcast_in_dim3A_47 : f32 to vector<16xf32>
    %scan3A_49 = arith.constant 0 : i32
    %scan3A_50 = arith.constant 128 : i32
    %scan3A_51 = arith.addi %scan3A_49, %scan3A_50 : i32
    %scan3A_52 = arith.constant 1 : i32
    scf.for %scan3A_98 = %scan3A_49 to %scan3A_51 step %scan3A_52  : i32 {
      %mul3A_99 = arith.constant 1 : i32
      %mul3A_100 = arith.muli %scan3A_98, %mul3A_99 : i32
      %add3A = arith.constant 0 : i32
      %add3A_101 = arith.addi %add3A, %mul3A_100 : i32
      %swap3A = arith.index_cast %add3A_101 : i32 to index
      %swap3A_102 = arith.constant 0 : index
      %swap3A_103 = tpu.vector_load %arg15[%swap3A, %swap3A_102] {strides = array<i32>} : memref<128x16xf32, #tpu.memory_space<vmem>>, vector<1x16xf32>,
      %swap3A_104 = vector.shape_cast %swap3A_103 : vector<1x16xf32> to vector<16xf32>
      %swap3A_105 = vector.shape_cast %broadcast_in_dim3A_48 : vector<16xf32> to vector<1x16xf32>
      tpu.vector_store %arg15[%swap3A, %swap3A_102], %swap3A_105 {strides = array<i32>} : memref<128x16xf32, #tpu.memory_space<vmem>>, vector<1x16xf32>,
    }
    %scan3A_53 = arith.constant 128 : i32
    %scan3A_54 = arith.constant 0 : i32
    %scan3A_55 = arith.constant 32 : i32
    %scan3A_56 = arith.addi %scan3A_54, %scan3A_55 : i32
    %scan3A_57 = arith.constant 1 : i32
    scf.for %scan3A_98 = %scan3A_54 to %scan3A_56 step %scan3A_57  : i32 {
      %mul3A_99 = arith.constant 1 : i32
      %mul3A_100 = arith.muli %scan3A_98, %mul3A_99 : i32
      %add3A = arith.constant 0 : i32
      %add3A_101 = arith.addi %add3A, %mul3A_100 : i32
      %swap3A = arith.index_cast %add3A_101 : i32 to index
      %swap3A_102 = arith.constant 0 : index
      %swap3A_103 = tpu.vector_load %arg16[%swap3A, %swap3A_102] {strides = array<i32>} : memref<32x16xf32, #tpu.memory_space<vmem>>, vector<1x16xf32>,
      %swap3A_104 = vector.shape_cast %swap3A_103 : vector<1x16xf32> to vector<16xf32>
      %swap3A_105 = vector.shape_cast %broadcast_in_dim3A_15 : vector<16xf32> to vector<1x16xf32>
      tpu.vector_store %arg16[%swap3A, %swap3A_102], %swap3A_105 {strides = array<i32>} : memref<32x16xf32, #tpu.memory_space<vmem>>, vector<1x16xf32>,
    }
    %scan3A_58 = arith.constant 32 : i32
    %scan3A_59 = arith.constant 0 : i32
    %scan3A_60 = arith.constant 20 : i32
    %scan3A_61 = arith.addi %scan3A_59, %scan3A_60 : i32
    %scan3A_62 = arith.constant 1 : i32
    scf.for %scan3A_98 = %scan3A_59 to %scan3A_61 step %scan3A_62  : i32 {
      %mul3A_99 = arith.constant 1 : i32
      %mul3A_100 = arith.muli %scan3A_98, %mul3A_99 : i32
      %add3A = arith.constant 0 : i32
      %add3A_101 = arith.addi %add3A, %mul3A_100 : i32
      %mul3A_102 = arith.constant 640 : i32
      %mul3A_103 = arith.muli %arg1, %mul3A_102 : i32
      %mul3A_104 = arith.constant 32 : i32
      %mul3A_105 = arith.muli %add3A_101, %mul3A_104 : i32
      %add3A_106 = arith.addi %mul3A_103, %mul3A_105 : i32
      "tpu.region"() ({
        %run_scoped3A_107 = tpu.sem_alloc : memref<!tpu.dma_semaphore, #tpu.memory_space<semaphore_mem>>
        %dma_start3A_108 = arith.constant 0 : i32
        %dma_start3A_109 = tpu.memref_slice %arg18[%add3A_106, %dma_start3A_108] : memref<10240x16xf32, #tpu.memory_space<vmem_shared>> -> memref<32x16xf32, #tpu.memory_space<vmem_shared>>
        %dma_start3A_110 = arith.constant 0 : i32
        %dma_start3A_111 = tpu.memref_slice %arg18[%add3A_106, %dma_start3A_110] : memref<10240x16xf32, #tpu.memory_space<vmem_shared>> -> memref<32x16xf32, #tpu.memory_space<vmem_shared>>
        tpu.enqueue_dma source(%arg16 : memref<32x16xf32, #tpu.memory_space<vmem>>) target(%dma_start3A_111 : memref<32x16xf32, #tpu.memory_space<vmem_shared>>) target_semaphore(%run_scoped3A_107 : memref<!tpu.dma_semaphore, #tpu.memory_space<semaphore_mem>>)
        %dma_wait3A_112 = arith.constant 0 : i32
        %dma_wait3A_113 = tpu.memref_slice %arg18[%add3A_106, %dma_wait3A_112] : memref<10240x16xf32, #tpu.memory_space<vmem_shared>> -> memref<32x16xf32, #tpu.memory_space<vmem_shared>>
        %dma_wait3A_114 = arith.constant 0 : i32
        %dma_wait3A_115 = tpu.memref_slice %arg18[%add3A_106, %dma_wait3A_114] : memref<10240x16xf32, #tpu.memory_space<vmem_shared>> -> memref<32x16xf32, #tpu.memory_space<vmem_shared>>
        tpu.wait_dma2 semaphore(%run_scoped3A_107 : memref<!tpu.dma_semaphore, #tpu.memory_space<semaphore_mem>>) src(%arg16 : memref<32x16xf32, #tpu.memory_space<vmem>>) dst(%dma_wait3A_115 : memref<32x16xf32, #tpu.memory_space<vmem_shared>>)
        tpu.yield
      }) : () -> ()
    }
    %scan3A_63 = arith.constant 20 : i32
    %barrier3A = arith.constant 0 : index
    tpu.barrier barrier_id(%barrier3A)
    %scan3A_64 = arith.constant 0 : i32
    %scan3A_65 = arith.constant 78 : i32
    %scan3A_66 = arith.addi %scan3A_64, %scan3A_65 : i32
    %scan3A_67 = arith.constant 1 : i32
    scf.for %scan3A_98 = %scan3A_64 to %scan3A_66 step %scan3A_67  : i32 {
      %mul3A_99 = arith.constant 1 : i32
      %mul3A_100 = arith.muli %scan3A_98, %mul3A_99 : i32
      %add3A = arith.constant 0 : i32
      %add3A_101 = arith.addi %add3A, %mul3A_100 : i32
      %mul3A_102 = arith.constant 2 : i32
      %mul3A_103 = arith.muli %mul3A_102, %add3A_101 : i32
      %add3A_104 = arith.constant 1 : i32
      %add3A_105 = arith.addi %mul3A_103, %add3A_104 : i32
      %dma_start3A_106 = arith.constant 0 : i32
      %dma_start3A_107 = tpu.memref_slice %arg7[%add3A_105, %dma_start3A_106] : memref<157x128xi32, #tpu.memory_space<vmem>> -> memref<1x128xi32, #tpu.memory_space<vmem>>
      %dma_start3A_108 = tpu.memref_squeeze %dma_start3A_107 : memref<1x128xi32, #tpu.memory_space<vmem>> -> memref<128xi32, #tpu.memory_space<vmem>>
      %dma_start3A_109 = arith.constant 0 : i32
      %dma_start3A_110 = arith.constant 0 : i32
      %dma_start3A_111 = tpu.memref_slice %arg2[%dma_start3A_109, %dma_start3A_110] : memref<20000x64xf32, #tpu.memory_space<hbm>> -> memref<20000x64xf32, #tpu.memory_space<hbm>>
      tpu.enqueue_indirect_dma source(%dma_start3A_111 : memref<20000x64xf32, #tpu.memory_space<hbm>>) target(%arg10 : memref<128x64xf32, #tpu.memory_space<vmem>>) offsets(%dma_start3A_108 : memref<128xi32, #tpu.memory_space<vmem>>) semaphore(%arg13 : memref<!tpu.dma_semaphore, #tpu.memory_space<semaphore_mem>>)
      %dma_wait3A_112 = arith.constant 0 : i32
      %dma_wait3A_113 = tpu.memref_slice %arg7[%mul3A_103, %dma_wait3A_112] : memref<157x128xi32, #tpu.memory_space<vmem>> -> memref<1x128xi32, #tpu.memory_space<vmem>>
      %dma_wait3A_114 = tpu.memref_squeeze %dma_wait3A_113 : memref<1x128xi32, #tpu.memory_space<vmem>> -> memref<128xi32, #tpu.memory_space<vmem>>
      %dma_wait3A_115 = arith.constant 0 : i32
      %dma_wait3A_116 = arith.constant 0 : i32
      %dma_wait3A_117 = tpu.memref_slice %arg2[%dma_wait3A_115, %dma_wait3A_116] : memref<20000x64xf32, #tpu.memory_space<hbm>> -> memref<20000x64xf32, #tpu.memory_space<hbm>>
      tpu.wait_indirect_dma semaphore(%arg12 : memref<!tpu.dma_semaphore, #tpu.memory_space<semaphore_mem>>) src(%dma_wait3A_117 : memref<20000x64xf32, #tpu.memory_space<hbm>>) dst(%arg9 : memref<128x64xf32, #tpu.memory_space<vmem>>)
      %dma_start3A_118 = arith.constant 0 : i32
      %dma_start3A_119 = tpu.memref_slice %arg8[%mul3A_103, %dma_start3A_118] : memref<157x128xi32, #tpu.memory_space<vmem>> -> memref<1x128xi32, #tpu.memory_space<vmem>>
      %dma_start3A_120 = tpu.memref_squeeze %dma_start3A_119 : memref<1x128xi32, #tpu.memory_space<vmem>> -> memref<128xi32, #tpu.memory_space<vmem>>
      %dma_start3A_121 = arith.constant 0 : i32
      %dma_start3A_122 = arith.constant 0 : i32
      %dma_start3A_123 = tpu.memref_slice %arg18[%dma_start3A_121, %dma_start3A_122] : memref<10240x16xf32, #tpu.memory_space<vmem_shared>> -> memref<10240x16xf32, #tpu.memory_space<vmem_shared>>
      tpu.enqueue_indirect_dma source(%arg15 : memref<128x16xf32, #tpu.memory_space<vmem>>) target(%dma_start3A_123 : memref<10240x16xf32, #tpu.memory_space<vmem_shared>>) offsets(%dma_start3A_120 : memref<128xi32, #tpu.memory_space<vmem>>) semaphore(%arg14 : memref<!tpu.dma_semaphore, #tpu.memory_space<semaphore_mem>>) {add = true}
      "tpu.region"() ({
        %run_scoped3A_160 = tpu.sem_alloc : memref<!tpu.dma_semaphore, #tpu.memory_space<semaphore_mem>>
        %dma_start3A_161 = arith.constant 0 : i32
        %dma_start3A_162 = tpu.memref_slice %arg8[%mul3A_103, %dma_start3A_161] : memref<157x128xi32, #tpu.memory_space<vmem>> -> memref<1x128xi32, #tpu.memory_space<vmem>>
        %dma_start3A_163 = tpu.memref_squeeze %dma_start3A_162 : memref<1x128xi32, #tpu.memory_space<vmem>> -> memref<128xi32, #tpu.memory_space<vmem>>
        %dma_start3A_164 = arith.constant 0 : i32
        %dma_start3A_165 = arith.constant 0 : i32
        %dma_start3A_166 = tpu.memref_slice %arg17[%dma_start3A_164, %dma_start3A_165] : memref<10240x64xf32, #tpu.memory_space<vmem_shared>> -> memref<10240x64xf32, #tpu.memory_space<vmem_shared>>
        tpu.enqueue_indirect_dma source(%arg9 : memref<128x64xf32, #tpu.memory_space<vmem>>) target(%dma_start3A_166 : memref<10240x64xf32, #tpu.memory_space<vmem_shared>>) offsets(%dma_start3A_163 : memref<128xi32, #tpu.memory_space<vmem>>) semaphore(%run_scoped3A_160 : memref<!tpu.dma_semaphore, #tpu.memory_space<semaphore_mem>>) {add = true}
        %dma_wait3A_167 = arith.constant 0 : i32
        %dma_wait3A_168 = tpu.memref_slice %arg8[%mul3A_103, %dma_wait3A_167] : memref<157x128xi32, #tpu.memory_space<vmem>> -> memref<1x128xi32, #tpu.memory_space<vmem>>
        %dma_wait3A_169 = tpu.memref_squeeze %dma_wait3A_168 : memref<1x128xi32, #tpu.memory_space<vmem>> -> memref<128xi32, #tpu.memory_space<vmem>>
        %dma_wait3A_170 = arith.constant 0 : i32
        %dma_wait3A_171 = arith.constant 0 : i32
        %dma_wait3A_172 = tpu.memref_slice %arg17[%dma_wait3A_170, %dma_wait3A_171] : memref<10240x64xf32, #tpu.memory_space<vmem_shared>> -> memref<10240x64xf32, #tpu.memory_space<vmem_shared>>
        tpu.wait_indirect_dma semaphore(%run_scoped3A_160 : memref<!tpu.dma_semaphore, #tpu.memory_space<semaphore_mem>>) src(%arg9 : memref<128x64xf32, #tpu.memory_space<vmem>>) dst(%dma_wait3A_172 : memref<10240x64xf32, #tpu.memory_space<vmem_shared>>)
        tpu.yield
      }) : () -> ()
      %dma_wait3A_124 = arith.constant 0 : i32
      %dma_wait3A_125 = tpu.memref_slice %arg8[%mul3A_103, %dma_wait3A_124] : memref<157x128xi32, #tpu.memory_space<vmem>> -> memref<1x128xi32, #tpu.memory_space<vmem>>
      %dma_wait3A_126 = tpu.memref_squeeze %dma_wait3A_125 : memref<1x128xi32, #tpu.memory_space<vmem>> -> memref<128xi32, #tpu.memory_space<vmem>>
      %dma_wait3A_127 = arith.constant 0 : i32
      %dma_wait3A_128 = arith.constant 0 : i32
      %dma_wait3A_129 = tpu.memref_slice %arg18[%dma_wait3A_127, %dma_wait3A_128] : memref<10240x16xf32, #tpu.memory_space<vmem_shared>> -> memref<10240x16xf32, #tpu.memory_space<vmem_shared>>
      tpu.wait_indirect_dma semaphore(%arg14 : memref<!tpu.dma_semaphore, #tpu.memory_space<semaphore_mem>>) src(%arg15 : memref<128x16xf32, #tpu.memory_space<vmem>>) dst(%dma_wait3A_129 : memref<10240x16xf32, #tpu.memory_space<vmem_shared>>)
      %add3A_130 = arith.constant 2 : i32
      %add3A_131 = arith.addi %mul3A_103, %add3A_130 : i32
      %dma_start3A_132 = arith.constant 0 : i32
      %dma_start3A_133 = tpu.memref_slice %arg7[%add3A_131, %dma_start3A_132] : memref<157x128xi32, #tpu.memory_space<vmem>> -> memref<1x128xi32, #tpu.memory_space<vmem>>
      %dma_start3A_134 = tpu.memref_squeeze %dma_start3A_133 : memref<1x128xi32, #tpu.memory_space<vmem>> -> memref<128xi32, #tpu.memory_space<vmem>>
      %dma_start3A_135 = arith.constant 0 : i32
      %dma_start3A_136 = arith.constant 0 : i32
      %dma_start3A_137 = tpu.memref_slice %arg2[%dma_start3A_135, %dma_start3A_136] : memref<20000x64xf32, #tpu.memory_space<hbm>> -> memref<20000x64xf32, #tpu.memory_space<hbm>>
      tpu.enqueue_indirect_dma source(%dma_start3A_137 : memref<20000x64xf32, #tpu.memory_space<hbm>>) target(%arg9 : memref<128x64xf32, #tpu.memory_space<vmem>>) offsets(%dma_start3A_134 : memref<128xi32, #tpu.memory_space<vmem>>) semaphore(%arg12 : memref<!tpu.dma_semaphore, #tpu.memory_space<semaphore_mem>>)
      %add3A_138 = arith.constant 1 : i32
      %add3A_139 = arith.addi %mul3A_103, %add3A_138 : i32
      %dma_wait3A_140 = arith.constant 0 : i32
      %dma_wait3A_141 = tpu.memref_slice %arg7[%add3A_139, %dma_wait3A_140] : memref<157x128xi32, #tpu.memory_space<vmem>> -> memref<1x128xi32, #tpu.memory_space<vmem>>
      %dma_wait3A_142 = tpu.memref_squeeze %dma_wait3A_141 : memref<1x128xi32, #tpu.memory_space<vmem>> -> memref<128xi32, #tpu.memory_space<vmem>>
      %dma_wait3A_143 = arith.constant 0 : i32
      %dma_wait3A_144 = arith.constant 0 : i32
      %dma_wait3A_145 = tpu.memref_slice %arg2[%dma_wait3A_143, %dma_wait3A_144] : memref<20000x64xf32, #tpu.memory_space<hbm>> -> memref<20000x64xf32, #tpu.memory_space<hbm>>
      tpu.wait_indirect_dma semaphore(%arg13 : memref<!tpu.dma_semaphore, #tpu.memory_space<semaphore_mem>>) src(%dma_wait3A_145 : memref<20000x64xf32, #tpu.memory_space<hbm>>) dst(%arg10 : memref<128x64xf32, #tpu.memory_space<vmem>>)
      %add3A_146 = arith.constant 1 : i32
      %add3A_147 = arith.addi %mul3A_103, %add3A_146 : i32
      %dma_start3A_148 = arith.constant 0 : i32
      %dma_start3A_149 = tpu.memref_slice %arg8[%add3A_147, %dma_start3A_148] : memref<157x128xi32, #tpu.memory_space<vmem>> -> memref<1x128xi32, #tpu.memory_space<vmem>>
      %dma_start3A_150 = tpu.memref_squeeze %dma_start3A_149 : memref<1x128xi32, #tpu.memory_space<vmem>> -> memref<128xi32, #tpu.memory_space<vmem>>
      %dma_start3A_151 = arith.constant 0 : i32
      %dma_start3A_152 = arith.constant 0 : i32
      %dma_start3A_153 = tpu.memref_slice %arg18[%dma_start3A_151, %dma_start3A_152] : memref<10240x16xf32, #tpu.memory_space<vmem_shared>> -> memref<10240x16xf32, #tpu.memory_space<vmem_shared>>
      tpu.enqueue_indirect_dma source(%arg15 : memref<128x16xf32, #tpu.memory_space<vmem>>) target(%dma_start3A_153 : memref<10240x16xf32, #tpu.memory_space<vmem_shared>>) offsets(%dma_start3A_150 : memref<128xi32, #tpu.memory_space<vmem>>) semaphore(%arg14 : memref<!tpu.dma_semaphore, #tpu.memory_space<semaphore_mem>>) {add = true}
      "tpu.region"() ({
        %run_scoped3A_160 = tpu.sem_alloc : memref<!tpu.dma_semaphore, #tpu.memory_space<semaphore_mem>>
        %dma_start3A_161 = arith.constant 0 : i32
        %dma_start3A_162 = tpu.memref_slice %arg8[%add3A_147, %dma_start3A_161] : memref<157x128xi32, #tpu.memory_space<vmem>> -> memref<1x128xi32, #tpu.memory_space<vmem>>
        %dma_start3A_163 = tpu.memref_squeeze %dma_start3A_162 : memref<1x128xi32, #tpu.memory_space<vmem>> -> memref<128xi32, #tpu.memory_space<vmem>>
        %dma_start3A_164 = arith.constant 0 : i32
        %dma_start3A_165 = arith.constant 0 : i32
        %dma_start3A_166 = tpu.memref_slice %arg17[%dma_start3A_164, %dma_start3A_165] : memref<10240x64xf32, #tpu.memory_space<vmem_shared>> -> memref<10240x64xf32, #tpu.memory_space<vmem_shared>>
        tpu.enqueue_indirect_dma source(%arg10 : memref<128x64xf32, #tpu.memory_space<vmem>>) target(%dma_start3A_166 : memref<10240x64xf32, #tpu.memory_space<vmem_shared>>) offsets(%dma_start3A_163 : memref<128xi32, #tpu.memory_space<vmem>>) semaphore(%run_scoped3A_160 : memref<!tpu.dma_semaphore, #tpu.memory_space<semaphore_mem>>) {add = true}
        %dma_wait3A_167 = arith.constant 0 : i32
        %dma_wait3A_168 = tpu.memref_slice %arg8[%add3A_147, %dma_wait3A_167] : memref<157x128xi32, #tpu.memory_space<vmem>> -> memref<1x128xi32, #tpu.memory_space<vmem>>
        %dma_wait3A_169 = tpu.memref_squeeze %dma_wait3A_168 : memref<1x128xi32, #tpu.memory_space<vmem>> -> memref<128xi32, #tpu.memory_space<vmem>>
        %dma_wait3A_170 = arith.constant 0 : i32
        %dma_wait3A_171 = arith.constant 0 : i32
        %dma_wait3A_172 = tpu.memref_slice %arg17[%dma_wait3A_170, %dma_wait3A_171] : memref<10240x64xf32, #tpu.memory_space<vmem_shared>> -> memref<10240x64xf32, #tpu.memory_space<vmem_shared>>
        tpu.wait_indirect_dma semaphore(%run_scoped3A_160 : memref<!tpu.dma_semaphore, #tpu.memory_space<semaphore_mem>>) src(%arg10 : memref<128x64xf32, #tpu.memory_space<vmem>>) dst(%dma_wait3A_172 : memref<10240x64xf32, #tpu.memory_space<vmem_shared>>)
        tpu.yield
      }) : () -> ()
      %dma_wait3A_154 = arith.constant 0 : i32
      %dma_wait3A_155 = tpu.memref_slice %arg8[%add3A_147, %dma_wait3A_154] : memref<157x128xi32, #tpu.memory_space<vmem>> -> memref<1x128xi32, #tpu.memory_space<vmem>>
      %dma_wait3A_156 = tpu.memref_squeeze %dma_wait3A_155 : memref<1x128xi32, #tpu.memory_space<vmem>> -> memref<128xi32, #tpu.memory_space<vmem>>
      %dma_wait3A_157 = arith.constant 0 : i32
      %dma_wait3A_158 = arith.constant 0 : i32
      %dma_wait3A_159 = tpu.memref_slice %arg18[%dma_wait3A_157, %dma_wait3A_158] : memref<10240x16xf32, #tpu.memory_space<vmem_shared>> -> memref<10240x16xf32, #tpu.memory_space<vmem_shared>>
      tpu.wait_indirect_dma semaphore(%arg14 : memref<!tpu.dma_semaphore, #tpu.memory_space<semaphore_mem>>) src(%arg15 : memref<128x16xf32, #tpu.memory_space<vmem>>) dst(%dma_wait3A_159 : memref<10240x16xf32, #tpu.memory_space<vmem_shared>>)
    }
    %scan3A_68 = arith.constant 78 : i32
    %dma_wait3A_69 = arith.constant 156 : i32
    %dma_wait3A_70 = arith.constant 0 : i32
    %dma_wait3A_71 = tpu.memref_slice %arg7[%dma_wait3A_69, %dma_wait3A_70] : memref<157x128xi32, #tpu.memory_space<vmem>> -> memref<1x128xi32, #tpu.memory_space<vmem>>
    %dma_wait3A_72 = tpu.memref_squeeze %dma_wait3A_71 : memref<1x128xi32, #tpu.memory_space<vmem>> -> memref<128xi32, #tpu.memory_space<vmem>>
    %dma_wait3A_73 = arith.constant 0 : i32
    %dma_wait3A_74 = arith.constant 0 : i32
    %dma_wait3A_75 = tpu.memref_slice %arg2[%dma_wait3A_73, %dma_wait3A_74] : memref<20000x64xf32, #tpu.memory_space<hbm>> -> memref<20000x64xf32, #tpu.memory_space<hbm>>
    tpu.wait_indirect_dma semaphore(%arg12 : memref<!tpu.dma_semaphore, #tpu.memory_space<semaphore_mem>>) src(%dma_wait3A_75 : memref<20000x64xf32, #tpu.memory_space<hbm>>) dst(%arg9 : memref<128x64xf32, #tpu.memory_space<vmem>>)
    %dma_start3A_76 = arith.constant 156 : i32
    %dma_start3A_77 = arith.constant 0 : i32
    %dma_start3A_78 = tpu.memref_slice %arg8[%dma_start3A_76, %dma_start3A_77] : memref<157x128xi32, #tpu.memory_space<vmem>> -> memref<1x128xi32, #tpu.memory_space<vmem>>
    %dma_start3A_79 = tpu.memref_squeeze %dma_start3A_78 : memref<1x128xi32, #tpu.memory_space<vmem>> -> memref<128xi32, #tpu.memory_space<vmem>>
    %dma_start3A_80 = arith.constant 0 : i32
    %dma_start3A_81 = arith.constant 0 : i32
    %dma_start3A_82 = tpu.memref_slice %arg18[%dma_start3A_80, %dma_start3A_81] : memref<10240x16xf32, #tpu.memory_space<vmem_shared>> -> memref<10240x16xf32, #tpu.memory_space<vmem_shared>>
    tpu.enqueue_indirect_dma source(%arg15 : memref<128x16xf32, #tpu.memory_space<vmem>>) target(%dma_start3A_82 : memref<10240x16xf32, #tpu.memory_space<vmem_shared>>) offsets(%dma_start3A_79 : memref<128xi32, #tpu.memory_space<vmem>>) semaphore(%arg14 : memref<!tpu.dma_semaphore, #tpu.memory_space<semaphore_mem>>) {add = true}
    %run_scoped3A = arith.constant 156 : i32
    "tpu.region"() ({
      %run_scoped3A_98 = tpu.sem_alloc : memref<!tpu.dma_semaphore, #tpu.memory_space<semaphore_mem>>
      %dma_start3A_99 = arith.constant 0 : i32
      %dma_start3A_100 = tpu.memref_slice %arg8[%run_scoped3A, %dma_start3A_99] : memref<157x128xi32, #tpu.memory_space<vmem>> -> memref<1x128xi32, #tpu.memory_space<vmem>>
      %dma_start3A_101 = tpu.memref_squeeze %dma_start3A_100 : memref<1x128xi32, #tpu.memory_space<vmem>> -> memref<128xi32, #tpu.memory_space<vmem>>
      %dma_start3A_102 = arith.constant 0 : i32
      %dma_start3A_103 = arith.constant 0 : i32
      %dma_start3A_104 = tpu.memref_slice %arg17[%dma_start3A_102, %dma_start3A_103] : memref<10240x64xf32, #tpu.memory_space<vmem_shared>> -> memref<10240x64xf32, #tpu.memory_space<vmem_shared>>
      tpu.enqueue_indirect_dma source(%arg9 : memref<128x64xf32, #tpu.memory_space<vmem>>) target(%dma_start3A_104 : memref<10240x64xf32, #tpu.memory_space<vmem_shared>>) offsets(%dma_start3A_101 : memref<128xi32, #tpu.memory_space<vmem>>) semaphore(%run_scoped3A_98 : memref<!tpu.dma_semaphore, #tpu.memory_space<semaphore_mem>>) {add = true}
      %dma_wait3A_105 = arith.constant 0 : i32
      %dma_wait3A_106 = tpu.memref_slice %arg8[%run_scoped3A, %dma_wait3A_105] : memref<157x128xi32, #tpu.memory_space<vmem>> -> memref<1x128xi32, #tpu.memory_space<vmem>>
      %dma_wait3A_107 = tpu.memref_squeeze %dma_wait3A_106 : memref<1x128xi32, #tpu.memory_space<vmem>> -> memref<128xi32, #tpu.memory_space<vmem>>
      %dma_wait3A_108 = arith.constant 0 : i32
      %dma_wait3A_109 = arith.constant 0 : i32
      %dma_wait3A_110 = tpu.memref_slice %arg17[%dma_wait3A_108, %dma_wait3A_109] : memref<10240x64xf32, #tpu.memory_space<vmem_shared>> -> memref<10240x64xf32, #tpu.memory_space<vmem_shared>>
      tpu.wait_indirect_dma semaphore(%run_scoped3A_98 : memref<!tpu.dma_semaphore, #tpu.memory_space<semaphore_mem>>) src(%arg9 : memref<128x64xf32, #tpu.memory_space<vmem>>) dst(%dma_wait3A_110 : memref<10240x64xf32, #tpu.memory_space<vmem_shared>>)
      tpu.yield
    }) : () -> ()
    %dma_wait3A_83 = arith.constant 156 : i32
    %dma_wait3A_84 = arith.constant 0 : i32
    %dma_wait3A_85 = tpu.memref_slice %arg8[%dma_wait3A_83, %dma_wait3A_84] : memref<157x128xi32, #tpu.memory_space<vmem>> -> memref<1x128xi32, #tpu.memory_space<vmem>>
    %dma_wait3A_86 = tpu.memref_squeeze %dma_wait3A_85 : memref<1x128xi32, #tpu.memory_space<vmem>> -> memref<128xi32, #tpu.memory_space<vmem>>
    %dma_wait3A_87 = arith.constant 0 : i32
    %dma_wait3A_88 = arith.constant 0 : i32
    %dma_wait3A_89 = tpu.memref_slice %arg18[%dma_wait3A_87, %dma_wait3A_88] : memref<10240x16xf32, #tpu.memory_space<vmem_shared>> -> memref<10240x16xf32, #tpu.memory_space<vmem_shared>>
    tpu.wait_indirect_dma semaphore(%arg14 : memref<!tpu.dma_semaphore, #tpu.memory_space<semaphore_mem>>) src(%arg15 : memref<128x16xf32, #tpu.memory_space<vmem>>) dst(%dma_wait3A_89 : memref<10240x16xf32, #tpu.memory_space<vmem_shared>>)
    %barrier3A_90 = arith.constant 0 : index
    tpu.barrier barrier_id(%barrier3A_90)
    %mul3A = arith.constant 640 : i32
    %mul3A_91 = arith.muli %arg1, %mul3A : i32
    %mul3A_92 = arith.constant 640 : i32
    %mul3A_93 = arith.muli %arg1, %mul3A_92 : i32
    "tpu.region"() ({
      %run_scoped3A_98 = tpu.sem_alloc : memref<!tpu.dma_semaphore, #tpu.memory_space<semaphore_mem>>
      %dma_start3A_99 = arith.constant 0 : i32
      %dma_start3A_100 = tpu.memref_slice %arg6[%arg0, %mul3A_93, %dma_start3A_99] : memref<2x10240x16xf32, #tpu.memory_space<hbm>> -> memref<1x640x16xf32, #tpu.memory_space<hbm>>
      %dma_start3A_101 = tpu.memref_squeeze %dma_start3A_100 : memref<1x640x16xf32, #tpu.memory_space<hbm>> -> memref<640x16xf32, #tpu.memory_space<hbm>>
      %dma_start3A_102 = arith.constant 0 : i32
      %dma_start3A_103 = tpu.memref_slice %arg18[%mul3A_91, %dma_start3A_102] : memref<10240x16xf32, #tpu.memory_space<vmem_shared>> -> memref<640x16xf32, #tpu.memory_space<vmem_shared>>
      tpu.enqueue_dma source(%dma_start3A_103 : memref<640x16xf32, #tpu.memory_space<vmem_shared>>) target(%dma_start3A_101 : memref<640x16xf32, #tpu.memory_space<hbm>>) target_semaphore(%run_scoped3A_98 : memref<!tpu.dma_semaphore, #tpu.memory_space<semaphore_mem>>)
      %dma_wait3A_104 = arith.constant 0 : i32
      %dma_wait3A_105 = tpu.memref_slice %arg6[%arg0, %mul3A_93, %dma_wait3A_104] : memref<2x10240x16xf32, #tpu.memory_space<hbm>> -> memref<1x640x16xf32, #tpu.memory_space<hbm>>
      %dma_wait3A_106 = tpu.memref_squeeze %dma_wait3A_105 : memref<1x640x16xf32, #tpu.memory_space<hbm>> -> memref<640x16xf32, #tpu.memory_space<hbm>>
      %dma_wait3A_107 = arith.constant 0 : i32
      %dma_wait3A_108 = tpu.memref_slice %arg18[%mul3A_91, %dma_wait3A_107] : memref<10240x16xf32, #tpu.memory_space<vmem_shared>> -> memref<640x16xf32, #tpu.memory_space<vmem_shared>>
      tpu.wait_dma2 semaphore(%run_scoped3A_98 : memref<!tpu.dma_semaphore, #tpu.memory_space<semaphore_mem>>) src(%dma_wait3A_108 : memref<640x16xf32, #tpu.memory_space<vmem_shared>>) dst(%dma_wait3A_106 : memref<640x16xf32, #tpu.memory_space<hbm>>)
      tpu.yield
    }) : () -> ()
    %mul3A_94 = arith.constant 640 : i32
    %mul3A_95 = arith.muli %arg1, %mul3A_94 : i32
    %mul3A_96 = arith.constant 640 : i32
    %mul3A_97 = arith.muli %arg1, %mul3A_96 : i32
    "tpu.region"() ({
      %run_scoped3A_98 = tpu.sem_alloc : memref<!tpu.dma_semaphore, #tpu.memory_space<semaphore_mem>>
      %dma_start3A_99 = arith.constant 0 : i32
      %dma_start3A_100 = tpu.memref_slice %arg5[%arg0, %mul3A_97, %dma_start3A_99] : memref<2x10240x64xf32, #tpu.memory_space<hbm>> -> memref<1x640x64xf32, #tpu.memory_space<hbm>>
      %dma_start3A_101 = tpu.memref_squeeze %dma_start3A_100 : memref<1x640x64xf32, #tpu.memory_space<hbm>> -> memref<640x64xf32, #tpu.memory_space<hbm>>
      %dma_start3A_102 = arith.constant 0 : i32
      %dma_start3A_103 = tpu.memref_slice %arg17[%mul3A_95, %dma_start3A_102] : memref<10240x64xf32, #tpu.memory_space<vmem_shared>> -> memref<640x64xf32, #tpu.memory_space<vmem_shared>>
      tpu.enqueue_dma source(%dma_start3A_103 : memref<640x64xf32, #tpu.memory_space<vmem_shared>>) target(%dma_start3A_101 : memref<640x64xf32, #tpu.memory_space<hbm>>) target_semaphore(%run_scoped3A_98 : memref<!tpu.dma_semaphore, #tpu.memory_space<semaphore_mem>>)
      %dma_wait3A_104 = arith.constant 0 : i32
      %dma_wait3A_105 = tpu.memref_slice %arg5[%arg0, %mul3A_97, %dma_wait3A_104] : memref<2x10240x64xf32, #tpu.memory_space<hbm>> -> memref<1x640x64xf32, #tpu.memory_space<hbm>>
      %dma_wait3A_106 = tpu.memref_squeeze %dma_wait3A_105 : memref<1x640x64xf32, #tpu.memory_space<hbm>> -> memref<640x64xf32, #tpu.memory_space<hbm>>
      %dma_wait3A_107 = arith.constant 0 : i32
      %dma_wait3A_108 = tpu.memref_slice %arg17[%mul3A_95, %dma_wait3A_107] : memref<10240x64xf32, #tpu.memory_space<vmem_shared>> -> memref<640x64xf32, #tpu.memory_space<vmem_shared>>
      tpu.wait_dma2 semaphore(%run_scoped3A_98 : memref<!tpu.dma_semaphore, #tpu.memory_space<semaphore_mem>>) src(%dma_wait3A_108 : memref<640x64xf32, #tpu.memory_space<vmem_shared>>) dst(%dma_wait3A_106 : memref<640x64xf32, #tpu.memory_space<hbm>>)
      tpu.yield
    }) : () -> ()
    return
  }
}

#map = affine_map<(d0, d1) -> (0, 0)>
#map1 = affine_map<(d0, d1) -> (0, 0, 0, 0)>
#map2 = affine_map<(d0, d1) -> (0, 0, 0)>
module attributes {stable_mosaic.version = 14 : i64} {
  func.func @_seg_body(%arg0: i32, %arg1: i32, %arg2: memref<20000x64xf32, #tpu.memory_space<hbm>>, %arg3: memref<2x16x157x128xi32, #tpu.memory_space<hbm>>, %arg4: memref<2x16x157x128xi32, #tpu.memory_space<hbm>>, %arg5: memref<2x10240x64xf32, #tpu.memory_space<hbm>>, %arg6: memref<157x128xi32, #tpu.memory_space<vmem>>, %arg7: memref<157x128xi32, #tpu.memory_space<vmem>>, %arg8: memref<128x64xf32, #tpu.memory_space<vmem>>, %arg9: memref<128x64xf32, #tpu.memory_space<vmem>>, %arg10: memref<32x64xf32, #tpu.memory_space<vmem>>, %arg11: memref<!tpu.dma_semaphore, #tpu.memory_space<semaphore_mem>>, %arg12: memref<!tpu.dma_semaphore, #tpu.memory_space<semaphore_mem>>, %arg13: memref<10240x64xf32, #tpu.memory_space<vmem_shared>>) attributes {dimension_semantics = [#tpu.dimension_semantics<core_parallel>, #tpu.dimension_semantics<subcore_parallel>], iteration_bounds = array<i64: 2, 16>, scalar_prefetch = 0 : i64, scratch_operands = 8 : i64, tpu.core_type = #tpu.core_type<sc_vector_subcore>, window_params = [{transform_indices = #map}, {transform_indices = #map1}, {transform_indices = #map1}, {transform_indices = #map2}]} {
    %dma_start3A = arith.constant 0 : i32
    %dma_start3A_0 = arith.constant 0 : i32
    %dma_start3A_1 = tpu.memref_slice %arg3[%arg0, %arg1, %dma_start3A, %dma_start3A_0] : memref<2x16x157x128xi32, #tpu.memory_space<hbm>> -> memref<1x1x157x128xi32, #tpu.memory_space<hbm>>
    %dma_start3A_2 = tpu.memref_squeeze %dma_start3A_1 : memref<1x1x157x128xi32, #tpu.memory_space<hbm>> -> memref<157x128xi32, #tpu.memory_space<hbm>>
    %dma_start3A_3 = arith.constant 0 : i32
    %dma_start3A_4 = arith.constant 0 : i32
    %dma_start3A_5 = tpu.memref_slice %arg3[%arg0, %arg1, %dma_start3A_3, %dma_start3A_4] : memref<2x16x157x128xi32, #tpu.memory_space<hbm>> -> memref<1x1x157x128xi32, #tpu.memory_space<hbm>>
    %dma_start3A_6 = tpu.memref_squeeze %dma_start3A_5 : memref<1x1x157x128xi32, #tpu.memory_space<hbm>> -> memref<157x128xi32, #tpu.memory_space<hbm>>
    tpu.enqueue_dma source(%dma_start3A_6 : memref<157x128xi32, #tpu.memory_space<hbm>>) target(%arg6 : memref<157x128xi32, #tpu.memory_space<vmem>>) target_semaphore(%arg11 : memref<!tpu.dma_semaphore, #tpu.memory_space<semaphore_mem>>)
    %dma_start3A_7 = arith.constant 0 : i32
    %dma_start3A_8 = arith.constant 0 : i32
    %dma_start3A_9 = tpu.memref_slice %arg4[%arg0, %arg1, %dma_start3A_7, %dma_start3A_8] : memref<2x16x157x128xi32, #tpu.memory_space<hbm>> -> memref<1x1x157x128xi32, #tpu.memory_space<hbm>>
    %dma_start3A_10 = tpu.memref_squeeze %dma_start3A_9 : memref<1x1x157x128xi32, #tpu.memory_space<hbm>> -> memref<157x128xi32, #tpu.memory_space<hbm>>
    %dma_start3A_11 = arith.constant 0 : i32
    %dma_start3A_12 = arith.constant 0 : i32
    %dma_start3A_13 = tpu.memref_slice %arg4[%arg0, %arg1, %dma_start3A_11, %dma_start3A_12] : memref<2x16x157x128xi32, #tpu.memory_space<hbm>> -> memref<1x1x157x128xi32, #tpu.memory_space<hbm>>
    %dma_start3A_14 = tpu.memref_squeeze %dma_start3A_13 : memref<1x1x157x128xi32, #tpu.memory_space<hbm>> -> memref<157x128xi32, #tpu.memory_space<hbm>>
    tpu.enqueue_dma source(%dma_start3A_14 : memref<157x128xi32, #tpu.memory_space<hbm>>) target(%arg7 : memref<157x128xi32, #tpu.memory_space<vmem>>) target_semaphore(%arg12 : memref<!tpu.dma_semaphore, #tpu.memory_space<semaphore_mem>>)
    %broadcast_in_dim3A = arith.constant 0.000000e+00 : f32
    %broadcast_in_dim3A_15 = vector.broadcast %broadcast_in_dim3A : f32 to vector<16xf32>
    %scan3A = arith.constant 0 : i32
    %scan3A_16 = arith.constant 32 : i32
    %scan3A_17 = arith.addi %scan3A, %scan3A_16 : i32
    %scan3A_18 = arith.constant 1 : i32
    scf.for %scan3A_63 = %scan3A to %scan3A_17 step %scan3A_18  : i32 {
      %mul3A_64 = arith.constant 1 : i32
      %mul3A_65 = arith.muli %scan3A_63, %mul3A_64 : i32
      %add3A = arith.constant 0 : i32
      %add3A_66 = arith.addi %add3A, %mul3A_65 : i32
      %swap3A = arith.index_cast %add3A_66 : i32 to index
      %swap3A_67 = arith.constant 0 : index
      %swap3A_68 = tpu.vector_load %arg10[%swap3A, %swap3A_67] {strides = array<i32>} : memref<32x64xf32, #tpu.memory_space<vmem>>, vector<1x16xf32>,
      %swap3A_69 = vector.shape_cast %swap3A_68 : vector<1x16xf32> to vector<16xf32>
      %swap3A_70 = vector.shape_cast %broadcast_in_dim3A_15 : vector<16xf32> to vector<1x16xf32>
      tpu.vector_store %arg10[%swap3A, %swap3A_67], %swap3A_70 {strides = array<i32>} : memref<32x64xf32, #tpu.memory_space<vmem>>, vector<1x16xf32>,
      %swap3A_71 = arith.index_cast %add3A_66 : i32 to index
      %swap3A_72 = arith.constant 16 : index
      %swap3A_73 = tpu.vector_load %arg10[%swap3A_71, %swap3A_72] {strides = array<i32>} : memref<32x64xf32, #tpu.memory_space<vmem>>, vector<1x16xf32>,
      %swap3A_74 = vector.shape_cast %swap3A_73 : vector<1x16xf32> to vector<16xf32>
      %swap3A_75 = vector.shape_cast %broadcast_in_dim3A_15 : vector<16xf32> to vector<1x16xf32>
      tpu.vector_store %arg10[%swap3A_71, %swap3A_72], %swap3A_75 {strides = array<i32>} : memref<32x64xf32, #tpu.memory_space<vmem>>, vector<1x16xf32>,
      %swap3A_76 = arith.index_cast %add3A_66 : i32 to index
      %swap3A_77 = arith.constant 32 : index
      %swap3A_78 = tpu.vector_load %arg10[%swap3A_76, %swap3A_77] {strides = array<i32>} : memref<32x64xf32, #tpu.memory_space<vmem>>, vector<1x16xf32>,
      %swap3A_79 = vector.shape_cast %swap3A_78 : vector<1x16xf32> to vector<16xf32>
      %swap3A_80 = vector.shape_cast %broadcast_in_dim3A_15 : vector<16xf32> to vector<1x16xf32>
      tpu.vector_store %arg10[%swap3A_76, %swap3A_77], %swap3A_80 {strides = array<i32>} : memref<32x64xf32, #tpu.memory_space<vmem>>, vector<1x16xf32>,
      %swap3A_81 = arith.index_cast %add3A_66 : i32 to index
      %swap3A_82 = arith.constant 48 : index
      %swap3A_83 = tpu.vector_load %arg10[%swap3A_81, %swap3A_82] {strides = array<i32>} : memref<32x64xf32, #tpu.memory_space<vmem>>, vector<1x16xf32>,
      %swap3A_84 = vector.shape_cast %swap3A_83 : vector<1x16xf32> to vector<16xf32>
      %swap3A_85 = vector.shape_cast %broadcast_in_dim3A_15 : vector<16xf32> to vector<1x16xf32>
      tpu.vector_store %arg10[%swap3A_81, %swap3A_82], %swap3A_85 {strides = array<i32>} : memref<32x64xf32, #tpu.memory_space<vmem>>, vector<1x16xf32>,
    }
    %scan3A_19 = arith.constant 32 : i32
    %dma_wait3A = arith.constant 0 : i32
    %dma_wait3A_20 = arith.constant 0 : i32
    %dma_wait3A_21 = tpu.memref_slice %arg3[%arg0, %arg1, %dma_wait3A, %dma_wait3A_20] : memref<2x16x157x128xi32, #tpu.memory_space<hbm>> -> memref<1x1x157x128xi32, #tpu.memory_space<hbm>>
    %dma_wait3A_22 = tpu.memref_squeeze %dma_wait3A_21 : memref<1x1x157x128xi32, #tpu.memory_space<hbm>> -> memref<157x128xi32, #tpu.memory_space<hbm>>
    %dma_wait3A_23 = arith.constant 0 : i32
    %dma_wait3A_24 = arith.constant 0 : i32
    %dma_wait3A_25 = tpu.memref_slice %arg3[%arg0, %arg1, %dma_wait3A_23, %dma_wait3A_24] : memref<2x16x157x128xi32, #tpu.memory_space<hbm>> -> memref<1x1x157x128xi32, #tpu.memory_space<hbm>>
    %dma_wait3A_26 = tpu.memref_squeeze %dma_wait3A_25 : memref<1x1x157x128xi32, #tpu.memory_space<hbm>> -> memref<157x128xi32, #tpu.memory_space<hbm>>
    tpu.wait_dma2 semaphore(%arg11 : memref<!tpu.dma_semaphore, #tpu.memory_space<semaphore_mem>>) src(%dma_wait3A_26 : memref<157x128xi32, #tpu.memory_space<hbm>>) dst(%arg6 : memref<157x128xi32, #tpu.memory_space<vmem>>)
    %dma_wait3A_27 = arith.constant 0 : i32
    %dma_wait3A_28 = arith.constant 0 : i32
    %dma_wait3A_29 = tpu.memref_slice %arg4[%arg0, %arg1, %dma_wait3A_27, %dma_wait3A_28] : memref<2x16x157x128xi32, #tpu.memory_space<hbm>> -> memref<1x1x157x128xi32, #tpu.memory_space<hbm>>
    %dma_wait3A_30 = tpu.memref_squeeze %dma_wait3A_29 : memref<1x1x157x128xi32, #tpu.memory_space<hbm>> -> memref<157x128xi32, #tpu.memory_space<hbm>>
    %dma_wait3A_31 = arith.constant 0 : i32
    %dma_wait3A_32 = arith.constant 0 : i32
    %dma_wait3A_33 = tpu.memref_slice %arg4[%arg0, %arg1, %dma_wait3A_31, %dma_wait3A_32] : memref<2x16x157x128xi32, #tpu.memory_space<hbm>> -> memref<1x1x157x128xi32, #tpu.memory_space<hbm>>
    %dma_wait3A_34 = tpu.memref_squeeze %dma_wait3A_33 : memref<1x1x157x128xi32, #tpu.memory_space<hbm>> -> memref<157x128xi32, #tpu.memory_space<hbm>>
    tpu.wait_dma2 semaphore(%arg12 : memref<!tpu.dma_semaphore, #tpu.memory_space<semaphore_mem>>) src(%dma_wait3A_34 : memref<157x128xi32, #tpu.memory_space<hbm>>) dst(%arg7 : memref<157x128xi32, #tpu.memory_space<vmem>>)
    %dma_start3A_35 = arith.constant 0 : i32
    %dma_start3A_36 = arith.constant 0 : i32
    %dma_start3A_37 = tpu.memref_slice %arg6[%dma_start3A_35, %dma_start3A_36] : memref<157x128xi32, #tpu.memory_space<vmem>> -> memref<1x128xi32, #tpu.memory_space<vmem>>
    %dma_start3A_38 = tpu.memref_squeeze %dma_start3A_37 : memref<1x128xi32, #tpu.memory_space<vmem>> -> memref<128xi32, #tpu.memory_space<vmem>>
    %dma_start3A_39 = arith.constant 0 : i32
    %dma_start3A_40 = arith.constant 0 : i32
    %dma_start3A_41 = tpu.memref_slice %arg2[%dma_start3A_39, %dma_start3A_40] : memref<20000x64xf32, #tpu.memory_space<hbm>> -> memref<20000x64xf32, #tpu.memory_space<hbm>>
    tpu.enqueue_indirect_dma source(%dma_start3A_41 : memref<20000x64xf32, #tpu.memory_space<hbm>>) target(%arg8 : memref<128x64xf32, #tpu.memory_space<vmem>>) offsets(%dma_start3A_38 : memref<128xi32, #tpu.memory_space<vmem>>) semaphore(%arg11 : memref<!tpu.dma_semaphore, #tpu.memory_space<semaphore_mem>>)
    %scan3A_42 = arith.constant 0 : i32
    %scan3A_43 = arith.constant 20 : i32
    %scan3A_44 = arith.addi %scan3A_42, %scan3A_43 : i32
    %scan3A_45 = arith.constant 1 : i32
    scf.for %scan3A_63 = %scan3A_42 to %scan3A_44 step %scan3A_45  : i32 {
      %mul3A_64 = arith.constant 1 : i32
      %mul3A_65 = arith.muli %scan3A_63, %mul3A_64 : i32
      %add3A = arith.constant 0 : i32
      %add3A_66 = arith.addi %add3A, %mul3A_65 : i32
      %mul3A_67 = arith.constant 640 : i32
      %mul3A_68 = arith.muli %arg1, %mul3A_67 : i32
      %mul3A_69 = arith.constant 32 : i32
      %mul3A_70 = arith.muli %add3A_66, %mul3A_69 : i32
      %add3A_71 = arith.addi %mul3A_68, %mul3A_70 : i32
      "tpu.region"() ({
        %run_scoped3A_72 = tpu.sem_alloc : memref<!tpu.dma_semaphore, #tpu.memory_space<semaphore_mem>>
        %dma_start3A_73 = arith.constant 0 : i32
        %dma_start3A_74 = tpu.memref_slice %arg13[%add3A_71, %dma_start3A_73] : memref<10240x64xf32, #tpu.memory_space<vmem_shared>> -> memref<32x64xf32, #tpu.memory_space<vmem_shared>>
        %dma_start3A_75 = arith.constant 0 : i32
        %dma_start3A_76 = tpu.memref_slice %arg13[%add3A_71, %dma_start3A_75] : memref<10240x64xf32, #tpu.memory_space<vmem_shared>> -> memref<32x64xf32, #tpu.memory_space<vmem_shared>>
        tpu.enqueue_dma source(%arg10 : memref<32x64xf32, #tpu.memory_space<vmem>>) target(%dma_start3A_76 : memref<32x64xf32, #tpu.memory_space<vmem_shared>>) target_semaphore(%run_scoped3A_72 : memref<!tpu.dma_semaphore, #tpu.memory_space<semaphore_mem>>)
        %dma_wait3A_77 = arith.constant 0 : i32
        %dma_wait3A_78 = tpu.memref_slice %arg13[%add3A_71, %dma_wait3A_77] : memref<10240x64xf32, #tpu.memory_space<vmem_shared>> -> memref<32x64xf32, #tpu.memory_space<vmem_shared>>
        %dma_wait3A_79 = arith.constant 0 : i32
        %dma_wait3A_80 = tpu.memref_slice %arg13[%add3A_71, %dma_wait3A_79] : memref<10240x64xf32, #tpu.memory_space<vmem_shared>> -> memref<32x64xf32, #tpu.memory_space<vmem_shared>>
        tpu.wait_dma2 semaphore(%run_scoped3A_72 : memref<!tpu.dma_semaphore, #tpu.memory_space<semaphore_mem>>) src(%arg10 : memref<32x64xf32, #tpu.memory_space<vmem>>) dst(%dma_wait3A_80 : memref<32x64xf32, #tpu.memory_space<vmem_shared>>)
        tpu.yield
      }) : () -> ()
    }
    %scan3A_46 = arith.constant 20 : i32
    %barrier3A = arith.constant 0 : index
    tpu.barrier barrier_id(%barrier3A)
    %scan3A_47 = arith.constant 0 : i32
    %scan3A_48 = arith.constant 78 : i32
    %scan3A_49 = arith.addi %scan3A_47, %scan3A_48 : i32
    %scan3A_50 = arith.constant 1 : i32
    scf.for %scan3A_63 = %scan3A_47 to %scan3A_49 step %scan3A_50  : i32 {
      %mul3A_64 = arith.constant 1 : i32
      %mul3A_65 = arith.muli %scan3A_63, %mul3A_64 : i32
      %add3A = arith.constant 0 : i32
      %add3A_66 = arith.addi %add3A, %mul3A_65 : i32
      %mul3A_67 = arith.constant 2 : i32
      %mul3A_68 = arith.muli %mul3A_67, %add3A_66 : i32
      %add3A_69 = arith.constant 1 : i32
      %add3A_70 = arith.addi %mul3A_68, %add3A_69 : i32
      %dma_start3A_71 = arith.constant 0 : i32
      %dma_start3A_72 = tpu.memref_slice %arg6[%add3A_70, %dma_start3A_71] : memref<157x128xi32, #tpu.memory_space<vmem>> -> memref<1x128xi32, #tpu.memory_space<vmem>>
      %dma_start3A_73 = tpu.memref_squeeze %dma_start3A_72 : memref<1x128xi32, #tpu.memory_space<vmem>> -> memref<128xi32, #tpu.memory_space<vmem>>
      %dma_start3A_74 = arith.constant 0 : i32
      %dma_start3A_75 = arith.constant 0 : i32
      %dma_start3A_76 = tpu.memref_slice %arg2[%dma_start3A_74, %dma_start3A_75] : memref<20000x64xf32, #tpu.memory_space<hbm>> -> memref<20000x64xf32, #tpu.memory_space<hbm>>
      tpu.enqueue_indirect_dma source(%dma_start3A_76 : memref<20000x64xf32, #tpu.memory_space<hbm>>) target(%arg9 : memref<128x64xf32, #tpu.memory_space<vmem>>) offsets(%dma_start3A_73 : memref<128xi32, #tpu.memory_space<vmem>>) semaphore(%arg12 : memref<!tpu.dma_semaphore, #tpu.memory_space<semaphore_mem>>)
      %dma_wait3A_77 = arith.constant 0 : i32
      %dma_wait3A_78 = tpu.memref_slice %arg6[%mul3A_68, %dma_wait3A_77] : memref<157x128xi32, #tpu.memory_space<vmem>> -> memref<1x128xi32, #tpu.memory_space<vmem>>
      %dma_wait3A_79 = tpu.memref_squeeze %dma_wait3A_78 : memref<1x128xi32, #tpu.memory_space<vmem>> -> memref<128xi32, #tpu.memory_space<vmem>>
      %dma_wait3A_80 = arith.constant 0 : i32
      %dma_wait3A_81 = arith.constant 0 : i32
      %dma_wait3A_82 = tpu.memref_slice %arg2[%dma_wait3A_80, %dma_wait3A_81] : memref<20000x64xf32, #tpu.memory_space<hbm>> -> memref<20000x64xf32, #tpu.memory_space<hbm>>
      tpu.wait_indirect_dma semaphore(%arg11 : memref<!tpu.dma_semaphore, #tpu.memory_space<semaphore_mem>>) src(%dma_wait3A_82 : memref<20000x64xf32, #tpu.memory_space<hbm>>) dst(%arg8 : memref<128x64xf32, #tpu.memory_space<vmem>>)
      "tpu.region"() ({
        %run_scoped3A_101 = tpu.sem_alloc : memref<!tpu.dma_semaphore, #tpu.memory_space<semaphore_mem>>
        %dma_start3A_102 = arith.constant 0 : i32
        %dma_start3A_103 = tpu.memref_slice %arg7[%mul3A_68, %dma_start3A_102] : memref<157x128xi32, #tpu.memory_space<vmem>> -> memref<1x128xi32, #tpu.memory_space<vmem>>
        %dma_start3A_104 = tpu.memref_squeeze %dma_start3A_103 : memref<1x128xi32, #tpu.memory_space<vmem>> -> memref<128xi32, #tpu.memory_space<vmem>>
        %dma_start3A_105 = arith.constant 0 : i32
        %dma_start3A_106 = arith.constant 0 : i32
        %dma_start3A_107 = tpu.memref_slice %arg13[%dma_start3A_105, %dma_start3A_106] : memref<10240x64xf32, #tpu.memory_space<vmem_shared>> -> memref<10240x64xf32, #tpu.memory_space<vmem_shared>>
        tpu.enqueue_indirect_dma source(%arg8 : memref<128x64xf32, #tpu.memory_space<vmem>>) target(%dma_start3A_107 : memref<10240x64xf32, #tpu.memory_space<vmem_shared>>) offsets(%dma_start3A_104 : memref<128xi32, #tpu.memory_space<vmem>>) semaphore(%run_scoped3A_101 : memref<!tpu.dma_semaphore, #tpu.memory_space<semaphore_mem>>) {add = true}
        %dma_wait3A_108 = arith.constant 0 : i32
        %dma_wait3A_109 = tpu.memref_slice %arg7[%mul3A_68, %dma_wait3A_108] : memref<157x128xi32, #tpu.memory_space<vmem>> -> memref<1x128xi32, #tpu.memory_space<vmem>>
        %dma_wait3A_110 = tpu.memref_squeeze %dma_wait3A_109 : memref<1x128xi32, #tpu.memory_space<vmem>> -> memref<128xi32, #tpu.memory_space<vmem>>
        %dma_wait3A_111 = arith.constant 0 : i32
        %dma_wait3A_112 = arith.constant 0 : i32
        %dma_wait3A_113 = tpu.memref_slice %arg13[%dma_wait3A_111, %dma_wait3A_112] : memref<10240x64xf32, #tpu.memory_space<vmem_shared>> -> memref<10240x64xf32, #tpu.memory_space<vmem_shared>>
        tpu.wait_indirect_dma semaphore(%run_scoped3A_101 : memref<!tpu.dma_semaphore, #tpu.memory_space<semaphore_mem>>) src(%arg8 : memref<128x64xf32, #tpu.memory_space<vmem>>) dst(%dma_wait3A_113 : memref<10240x64xf32, #tpu.memory_space<vmem_shared>>)
        tpu.yield
      }) : () -> ()
      %add3A_83 = arith.constant 2 : i32
      %add3A_84 = arith.addi %mul3A_68, %add3A_83 : i32
      %dma_start3A_85 = arith.constant 0 : i32
      %dma_start3A_86 = tpu.memref_slice %arg6[%add3A_84, %dma_start3A_85] : memref<157x128xi32, #tpu.memory_space<vmem>> -> memref<1x128xi32, #tpu.memory_space<vmem>>
      %dma_start3A_87 = tpu.memref_squeeze %dma_start3A_86 : memref<1x128xi32, #tpu.memory_space<vmem>> -> memref<128xi32, #tpu.memory_space<vmem>>
      %dma_start3A_88 = arith.constant 0 : i32
      %dma_start3A_89 = arith.constant 0 : i32
      %dma_start3A_90 = tpu.memref_slice %arg2[%dma_start3A_88, %dma_start3A_89] : memref<20000x64xf32, #tpu.memory_space<hbm>> -> memref<20000x64xf32, #tpu.memory_space<hbm>>
      tpu.enqueue_indirect_dma source(%dma_start3A_90 : memref<20000x64xf32, #tpu.memory_space<hbm>>) target(%arg8 : memref<128x64xf32, #tpu.memory_space<vmem>>) offsets(%dma_start3A_87 : memref<128xi32, #tpu.memory_space<vmem>>) semaphore(%arg11 : memref<!tpu.dma_semaphore, #tpu.memory_space<semaphore_mem>>)
      %add3A_91 = arith.constant 1 : i32
      %add3A_92 = arith.addi %mul3A_68, %add3A_91 : i32
      %dma_wait3A_93 = arith.constant 0 : i32
      %dma_wait3A_94 = tpu.memref_slice %arg6[%add3A_92, %dma_wait3A_93] : memref<157x128xi32, #tpu.memory_space<vmem>> -> memref<1x128xi32, #tpu.memory_space<vmem>>
      %dma_wait3A_95 = tpu.memref_squeeze %dma_wait3A_94 : memref<1x128xi32, #tpu.memory_space<vmem>> -> memref<128xi32, #tpu.memory_space<vmem>>
      %dma_wait3A_96 = arith.constant 0 : i32
      %dma_wait3A_97 = arith.constant 0 : i32
      %dma_wait3A_98 = tpu.memref_slice %arg2[%dma_wait3A_96, %dma_wait3A_97] : memref<20000x64xf32, #tpu.memory_space<hbm>> -> memref<20000x64xf32, #tpu.memory_space<hbm>>
      tpu.wait_indirect_dma semaphore(%arg12 : memref<!tpu.dma_semaphore, #tpu.memory_space<semaphore_mem>>) src(%dma_wait3A_98 : memref<20000x64xf32, #tpu.memory_space<hbm>>) dst(%arg9 : memref<128x64xf32, #tpu.memory_space<vmem>>)
      %add3A_99 = arith.constant 1 : i32
      %add3A_100 = arith.addi %mul3A_68, %add3A_99 : i32
      "tpu.region"() ({
        %run_scoped3A_101 = tpu.sem_alloc : memref<!tpu.dma_semaphore, #tpu.memory_space<semaphore_mem>>
        %dma_start3A_102 = arith.constant 0 : i32
        %dma_start3A_103 = tpu.memref_slice %arg7[%add3A_100, %dma_start3A_102] : memref<157x128xi32, #tpu.memory_space<vmem>> -> memref<1x128xi32, #tpu.memory_space<vmem>>
        %dma_start3A_104 = tpu.memref_squeeze %dma_start3A_103 : memref<1x128xi32, #tpu.memory_space<vmem>> -> memref<128xi32, #tpu.memory_space<vmem>>
        %dma_start3A_105 = arith.constant 0 : i32
        %dma_start3A_106 = arith.constant 0 : i32
        %dma_start3A_107 = tpu.memref_slice %arg13[%dma_start3A_105, %dma_start3A_106] : memref<10240x64xf32, #tpu.memory_space<vmem_shared>> -> memref<10240x64xf32, #tpu.memory_space<vmem_shared>>
        tpu.enqueue_indirect_dma source(%arg9 : memref<128x64xf32, #tpu.memory_space<vmem>>) target(%dma_start3A_107 : memref<10240x64xf32, #tpu.memory_space<vmem_shared>>) offsets(%dma_start3A_104 : memref<128xi32, #tpu.memory_space<vmem>>) semaphore(%run_scoped3A_101 : memref<!tpu.dma_semaphore, #tpu.memory_space<semaphore_mem>>) {add = true}
        %dma_wait3A_108 = arith.constant 0 : i32
        %dma_wait3A_109 = tpu.memref_slice %arg7[%add3A_100, %dma_wait3A_108] : memref<157x128xi32, #tpu.memory_space<vmem>> -> memref<1x128xi32, #tpu.memory_space<vmem>>
        %dma_wait3A_110 = tpu.memref_squeeze %dma_wait3A_109 : memref<1x128xi32, #tpu.memory_space<vmem>> -> memref<128xi32, #tpu.memory_space<vmem>>
        %dma_wait3A_111 = arith.constant 0 : i32
        %dma_wait3A_112 = arith.constant 0 : i32
        %dma_wait3A_113 = tpu.memref_slice %arg13[%dma_wait3A_111, %dma_wait3A_112] : memref<10240x64xf32, #tpu.memory_space<vmem_shared>> -> memref<10240x64xf32, #tpu.memory_space<vmem_shared>>
        tpu.wait_indirect_dma semaphore(%run_scoped3A_101 : memref<!tpu.dma_semaphore, #tpu.memory_space<semaphore_mem>>) src(%arg9 : memref<128x64xf32, #tpu.memory_space<vmem>>) dst(%dma_wait3A_113 : memref<10240x64xf32, #tpu.memory_space<vmem_shared>>)
        tpu.yield
      }) : () -> ()
    }
    %scan3A_51 = arith.constant 78 : i32
    %dma_wait3A_52 = arith.constant 156 : i32
    %dma_wait3A_53 = arith.constant 0 : i32
    %dma_wait3A_54 = tpu.memref_slice %arg6[%dma_wait3A_52, %dma_wait3A_53] : memref<157x128xi32, #tpu.memory_space<vmem>> -> memref<1x128xi32, #tpu.memory_space<vmem>>
    %dma_wait3A_55 = tpu.memref_squeeze %dma_wait3A_54 : memref<1x128xi32, #tpu.memory_space<vmem>> -> memref<128xi32, #tpu.memory_space<vmem>>
    %dma_wait3A_56 = arith.constant 0 : i32
    %dma_wait3A_57 = arith.constant 0 : i32
    %dma_wait3A_58 = tpu.memref_slice %arg2[%dma_wait3A_56, %dma_wait3A_57] : memref<20000x64xf32, #tpu.memory_space<hbm>> -> memref<20000x64xf32, #tpu.memory_space<hbm>>
    tpu.wait_indirect_dma semaphore(%arg11 : memref<!tpu.dma_semaphore, #tpu.memory_space<semaphore_mem>>) src(%dma_wait3A_58 : memref<20000x64xf32, #tpu.memory_space<hbm>>) dst(%arg8 : memref<128x64xf32, #tpu.memory_space<vmem>>)
    %run_scoped3A = arith.constant 156 : i32
    "tpu.region"() ({
      %run_scoped3A_63 = tpu.sem_alloc : memref<!tpu.dma_semaphore, #tpu.memory_space<semaphore_mem>>
      %dma_start3A_64 = arith.constant 0 : i32
      %dma_start3A_65 = tpu.memref_slice %arg7[%run_scoped3A, %dma_start3A_64] : memref<157x128xi32, #tpu.memory_space<vmem>> -> memref<1x128xi32, #tpu.memory_space<vmem>>
      %dma_start3A_66 = tpu.memref_squeeze %dma_start3A_65 : memref<1x128xi32, #tpu.memory_space<vmem>> -> memref<128xi32, #tpu.memory_space<vmem>>
      %dma_start3A_67 = arith.constant 0 : i32
      %dma_start3A_68 = arith.constant 0 : i32
      %dma_start3A_69 = tpu.memref_slice %arg13[%dma_start3A_67, %dma_start3A_68] : memref<10240x64xf32, #tpu.memory_space<vmem_shared>> -> memref<10240x64xf32, #tpu.memory_space<vmem_shared>>
      tpu.enqueue_indirect_dma source(%arg8 : memref<128x64xf32, #tpu.memory_space<vmem>>) target(%dma_start3A_69 : memref<10240x64xf32, #tpu.memory_space<vmem_shared>>) offsets(%dma_start3A_66 : memref<128xi32, #tpu.memory_space<vmem>>) semaphore(%run_scoped3A_63 : memref<!tpu.dma_semaphore, #tpu.memory_space<semaphore_mem>>) {add = true}
      %dma_wait3A_70 = arith.constant 0 : i32
      %dma_wait3A_71 = tpu.memref_slice %arg7[%run_scoped3A, %dma_wait3A_70] : memref<157x128xi32, #tpu.memory_space<vmem>> -> memref<1x128xi32, #tpu.memory_space<vmem>>
      %dma_wait3A_72 = tpu.memref_squeeze %dma_wait3A_71 : memref<1x128xi32, #tpu.memory_space<vmem>> -> memref<128xi32, #tpu.memory_space<vmem>>
      %dma_wait3A_73 = arith.constant 0 : i32
      %dma_wait3A_74 = arith.constant 0 : i32
      %dma_wait3A_75 = tpu.memref_slice %arg13[%dma_wait3A_73, %dma_wait3A_74] : memref<10240x64xf32, #tpu.memory_space<vmem_shared>> -> memref<10240x64xf32, #tpu.memory_space<vmem_shared>>
      tpu.wait_indirect_dma semaphore(%run_scoped3A_63 : memref<!tpu.dma_semaphore, #tpu.memory_space<semaphore_mem>>) src(%arg8 : memref<128x64xf32, #tpu.memory_space<vmem>>) dst(%dma_wait3A_75 : memref<10240x64xf32, #tpu.memory_space<vmem_shared>>)
      tpu.yield
    }) : () -> ()
    %barrier3A_59 = arith.constant 0 : index
    tpu.barrier barrier_id(%barrier3A_59)
    %mul3A = arith.constant 640 : i32
    %mul3A_60 = arith.muli %arg1, %mul3A : i32
    %mul3A_61 = arith.constant 640 : i32
    %mul3A_62 = arith.muli %arg1, %mul3A_61 : i32
    "tpu.region"() ({
      %run_scoped3A_63 = tpu.sem_alloc : memref<!tpu.dma_semaphore, #tpu.memory_space<semaphore_mem>>
      %dma_start3A_64 = arith.constant 0 : i32
      %dma_start3A_65 = tpu.memref_slice %arg5[%arg0, %mul3A_62, %dma_start3A_64] : memref<2x10240x64xf32, #tpu.memory_space<hbm>> -> memref<1x640x64xf32, #tpu.memory_space<hbm>>
      %dma_start3A_66 = tpu.memref_squeeze %dma_start3A_65 : memref<1x640x64xf32, #tpu.memory_space<hbm>> -> memref<640x64xf32, #tpu.memory_space<hbm>>
      %dma_start3A_67 = arith.constant 0 : i32
      %dma_start3A_68 = tpu.memref_slice %arg13[%mul3A_60, %dma_start3A_67] : memref<10240x64xf32, #tpu.memory_space<vmem_shared>> -> memref<640x64xf32, #tpu.memory_space<vmem_shared>>
      tpu.enqueue_dma source(%dma_start3A_68 : memref<640x64xf32, #tpu.memory_space<vmem_shared>>) target(%dma_start3A_66 : memref<640x64xf32, #tpu.memory_space<hbm>>) target_semaphore(%run_scoped3A_63 : memref<!tpu.dma_semaphore, #tpu.memory_space<semaphore_mem>>)
      %dma_wait3A_69 = arith.constant 0 : i32
      %dma_wait3A_70 = tpu.memref_slice %arg5[%arg0, %mul3A_62, %dma_wait3A_69] : memref<2x10240x64xf32, #tpu.memory_space<hbm>> -> memref<1x640x64xf32, #tpu.memory_space<hbm>>
      %dma_wait3A_71 = tpu.memref_squeeze %dma_wait3A_70 : memref<1x640x64xf32, #tpu.memory_space<hbm>> -> memref<640x64xf32, #tpu.memory_space<hbm>>
      %dma_wait3A_72 = arith.constant 0 : i32
      %dma_wait3A_73 = tpu.memref_slice %arg13[%mul3A_60, %dma_wait3A_72] : memref<10240x64xf32, #tpu.memory_space<vmem_shared>> -> memref<640x64xf32, #tpu.memory_space<vmem_shared>>
      tpu.wait_dma2 semaphore(%run_scoped3A_63 : memref<!tpu.dma_semaphore, #tpu.memory_space<semaphore_mem>>) src(%dma_wait3A_73 : memref<640x64xf32, #tpu.memory_space<vmem_shared>>) dst(%dma_wait3A_71 : memref<640x64xf32, #tpu.memory_space<hbm>>)
      tpu.yield
    }) : () -> ()
    return
  }
}

#map = affine_map<(d0, d1) -> (0, 0)>
#map1 = affine_map<(d0, d1) -> (0, 0, 0, 0)>
#map2 = affine_map<(d0, d1) -> (0, 0, 0)>
module attributes {stable_mosaic.version = 14 : i64} {
  func.func @_seg_body(%arg0: i32, %arg1: i32, %arg2: memref<20000x64xf32, #tpu.memory_space<hbm>>, %arg3: memref<2x16x157x128xi32, #tpu.memory_space<hbm>>, %arg4: memref<2x16x157x128xi32, #tpu.memory_space<hbm>>, %arg5: memref<2x10240x64xf32, #tpu.memory_space<hbm>>, %arg6: memref<157x128xi32, #tpu.memory_space<vmem>>, %arg7: memref<157x128xi32, #tpu.memory_space<vmem>>, %arg8: memref<128x64xf32, #tpu.memory_space<vmem>>, %arg9: memref<128x64xf32, #tpu.memory_space<vmem>>, %arg10: memref<32x64xf32, #tpu.memory_space<vmem>>, %arg11: memref<!tpu.dma_semaphore, #tpu.memory_space<semaphore_mem>>, %arg12: memref<!tpu.dma_semaphore, #tpu.memory_space<semaphore_mem>>, %arg13: memref<10240x64xf32, #tpu.memory_space<vmem_shared>>) attributes {dimension_semantics = [#tpu.dimension_semantics<core_parallel>, #tpu.dimension_semantics<subcore_parallel>], iteration_bounds = array<i64: 2, 16>, scalar_prefetch = 0 : i64, scratch_operands = 8 : i64, tpu.core_type = #tpu.core_type<sc_vector_subcore>, window_params = [{transform_indices = #map}, {transform_indices = #map1}, {transform_indices = #map1}, {transform_indices = #map2}]} {
    %dma_start3A = arith.constant 0 : i32
    %dma_start3A_0 = arith.constant 0 : i32
    %dma_start3A_1 = tpu.memref_slice %arg3[%arg0, %arg1, %dma_start3A, %dma_start3A_0] : memref<2x16x157x128xi32, #tpu.memory_space<hbm>> -> memref<1x1x157x128xi32, #tpu.memory_space<hbm>>
    %dma_start3A_2 = tpu.memref_squeeze %dma_start3A_1 : memref<1x1x157x128xi32, #tpu.memory_space<hbm>> -> memref<157x128xi32, #tpu.memory_space<hbm>>
    %dma_start3A_3 = arith.constant 0 : i32
    %dma_start3A_4 = arith.constant 0 : i32
    %dma_start3A_5 = tpu.memref_slice %arg3[%arg0, %arg1, %dma_start3A_3, %dma_start3A_4] : memref<2x16x157x128xi32, #tpu.memory_space<hbm>> -> memref<1x1x157x128xi32, #tpu.memory_space<hbm>>
    %dma_start3A_6 = tpu.memref_squeeze %dma_start3A_5 : memref<1x1x157x128xi32, #tpu.memory_space<hbm>> -> memref<157x128xi32, #tpu.memory_space<hbm>>
    tpu.enqueue_dma source(%dma_start3A_6 : memref<157x128xi32, #tpu.memory_space<hbm>>) target(%arg6 : memref<157x128xi32, #tpu.memory_space<vmem>>) target_semaphore(%arg11 : memref<!tpu.dma_semaphore, #tpu.memory_space<semaphore_mem>>)
    %dma_start3A_7 = arith.constant 0 : i32
    %dma_start3A_8 = arith.constant 0 : i32
    %dma_start3A_9 = tpu.memref_slice %arg4[%arg0, %arg1, %dma_start3A_7, %dma_start3A_8] : memref<2x16x157x128xi32, #tpu.memory_space<hbm>> -> memref<1x1x157x128xi32, #tpu.memory_space<hbm>>
    %dma_start3A_10 = tpu.memref_squeeze %dma_start3A_9 : memref<1x1x157x128xi32, #tpu.memory_space<hbm>> -> memref<157x128xi32, #tpu.memory_space<hbm>>
    %dma_start3A_11 = arith.constant 0 : i32
    %dma_start3A_12 = arith.constant 0 : i32
    %dma_start3A_13 = tpu.memref_slice %arg4[%arg0, %arg1, %dma_start3A_11, %dma_start3A_12] : memref<2x16x157x128xi32, #tpu.memory_space<hbm>> -> memref<1x1x157x128xi32, #tpu.memory_space<hbm>>
    %dma_start3A_14 = tpu.memref_squeeze %dma_start3A_13 : memref<1x1x157x128xi32, #tpu.memory_space<hbm>> -> memref<157x128xi32, #tpu.memory_space<hbm>>
    tpu.enqueue_dma source(%dma_start3A_14 : memref<157x128xi32, #tpu.memory_space<hbm>>) target(%arg7 : memref<157x128xi32, #tpu.memory_space<vmem>>) target_semaphore(%arg12 : memref<!tpu.dma_semaphore, #tpu.memory_space<semaphore_mem>>)
    %broadcast_in_dim3A = arith.constant 0.000000e+00 : f32
    %broadcast_in_dim3A_15 = vector.broadcast %broadcast_in_dim3A : f32 to vector<16xf32>
    %scan3A = arith.constant 0 : i32
    %scan3A_16 = arith.constant 32 : i32
    %scan3A_17 = arith.addi %scan3A, %scan3A_16 : i32
    %scan3A_18 = arith.constant 1 : i32
    scf.for %scan3A_63 = %scan3A to %scan3A_17 step %scan3A_18  : i32 {
      %mul3A_64 = arith.constant 1 : i32
      %mul3A_65 = arith.muli %scan3A_63, %mul3A_64 : i32
      %add3A = arith.constant 0 : i32
      %add3A_66 = arith.addi %add3A, %mul3A_65 : i32
      %swap3A = arith.index_cast %add3A_66 : i32 to index
      %swap3A_67 = arith.constant 0 : index
      %swap3A_68 = tpu.vector_load %arg10[%swap3A, %swap3A_67] {strides = array<i32>} : memref<32x64xf32, #tpu.memory_space<vmem>>, vector<1x16xf32>,
      %swap3A_69 = vector.shape_cast %swap3A_68 : vector<1x16xf32> to vector<16xf32>
      %swap3A_70 = vector.shape_cast %broadcast_in_dim3A_15 : vector<16xf32> to vector<1x16xf32>
      tpu.vector_store %arg10[%swap3A, %swap3A_67], %swap3A_70 {strides = array<i32>} : memref<32x64xf32, #tpu.memory_space<vmem>>, vector<1x16xf32>,
      %swap3A_71 = arith.index_cast %add3A_66 : i32 to index
      %swap3A_72 = arith.constant 16 : index
      %swap3A_73 = tpu.vector_load %arg10[%swap3A_71, %swap3A_72] {strides = array<i32>} : memref<32x64xf32, #tpu.memory_space<vmem>>, vector<1x16xf32>,
      %swap3A_74 = vector.shape_cast %swap3A_73 : vector<1x16xf32> to vector<16xf32>
      %swap3A_75 = vector.shape_cast %broadcast_in_dim3A_15 : vector<16xf32> to vector<1x16xf32>
      tpu.vector_store %arg10[%swap3A_71, %swap3A_72], %swap3A_75 {strides = array<i32>} : memref<32x64xf32, #tpu.memory_space<vmem>>, vector<1x16xf32>,
      %swap3A_76 = arith.index_cast %add3A_66 : i32 to index
      %swap3A_77 = arith.constant 32 : index
      %swap3A_78 = tpu.vector_load %arg10[%swap3A_76, %swap3A_77] {strides = array<i32>} : memref<32x64xf32, #tpu.memory_space<vmem>>, vector<1x16xf32>,
      %swap3A_79 = vector.shape_cast %swap3A_78 : vector<1x16xf32> to vector<16xf32>
      %swap3A_80 = vector.shape_cast %broadcast_in_dim3A_15 : vector<16xf32> to vector<1x16xf32>
      tpu.vector_store %arg10[%swap3A_76, %swap3A_77], %swap3A_80 {strides = array<i32>} : memref<32x64xf32, #tpu.memory_space<vmem>>, vector<1x16xf32>,
      %swap3A_81 = arith.index_cast %add3A_66 : i32 to index
      %swap3A_82 = arith.constant 48 : index
      %swap3A_83 = tpu.vector_load %arg10[%swap3A_81, %swap3A_82] {strides = array<i32>} : memref<32x64xf32, #tpu.memory_space<vmem>>, vector<1x16xf32>,
      %swap3A_84 = vector.shape_cast %swap3A_83 : vector<1x16xf32> to vector<16xf32>
      %swap3A_85 = vector.shape_cast %broadcast_in_dim3A_15 : vector<16xf32> to vector<1x16xf32>
      tpu.vector_store %arg10[%swap3A_81, %swap3A_82], %swap3A_85 {strides = array<i32>} : memref<32x64xf32, #tpu.memory_space<vmem>>, vector<1x16xf32>,
    }
    %scan3A_19 = arith.constant 32 : i32
    %dma_wait3A = arith.constant 0 : i32
    %dma_wait3A_20 = arith.constant 0 : i32
    %dma_wait3A_21 = tpu.memref_slice %arg3[%arg0, %arg1, %dma_wait3A, %dma_wait3A_20] : memref<2x16x157x128xi32, #tpu.memory_space<hbm>> -> memref<1x1x157x128xi32, #tpu.memory_space<hbm>>
    %dma_wait3A_22 = tpu.memref_squeeze %dma_wait3A_21 : memref<1x1x157x128xi32, #tpu.memory_space<hbm>> -> memref<157x128xi32, #tpu.memory_space<hbm>>
    %dma_wait3A_23 = arith.constant 0 : i32
    %dma_wait3A_24 = arith.constant 0 : i32
    %dma_wait3A_25 = tpu.memref_slice %arg3[%arg0, %arg1, %dma_wait3A_23, %dma_wait3A_24] : memref<2x16x157x128xi32, #tpu.memory_space<hbm>> -> memref<1x1x157x128xi32, #tpu.memory_space<hbm>>
    %dma_wait3A_26 = tpu.memref_squeeze %dma_wait3A_25 : memref<1x1x157x128xi32, #tpu.memory_space<hbm>> -> memref<157x128xi32, #tpu.memory_space<hbm>>
    tpu.wait_dma2 semaphore(%arg11 : memref<!tpu.dma_semaphore, #tpu.memory_space<semaphore_mem>>) src(%dma_wait3A_26 : memref<157x128xi32, #tpu.memory_space<hbm>>) dst(%arg6 : memref<157x128xi32, #tpu.memory_space<vmem>>)
    %dma_wait3A_27 = arith.constant 0 : i32
    %dma_wait3A_28 = arith.constant 0 : i32
    %dma_wait3A_29 = tpu.memref_slice %arg4[%arg0, %arg1, %dma_wait3A_27, %dma_wait3A_28] : memref<2x16x157x128xi32, #tpu.memory_space<hbm>> -> memref<1x1x157x128xi32, #tpu.memory_space<hbm>>
    %dma_wait3A_30 = tpu.memref_squeeze %dma_wait3A_29 : memref<1x1x157x128xi32, #tpu.memory_space<hbm>> -> memref<157x128xi32, #tpu.memory_space<hbm>>
    %dma_wait3A_31 = arith.constant 0 : i32
    %dma_wait3A_32 = arith.constant 0 : i32
    %dma_wait3A_33 = tpu.memref_slice %arg4[%arg0, %arg1, %dma_wait3A_31, %dma_wait3A_32] : memref<2x16x157x128xi32, #tpu.memory_space<hbm>> -> memref<1x1x157x128xi32, #tpu.memory_space<hbm>>
    %dma_wait3A_34 = tpu.memref_squeeze %dma_wait3A_33 : memref<1x1x157x128xi32, #tpu.memory_space<hbm>> -> memref<157x128xi32, #tpu.memory_space<hbm>>
    tpu.wait_dma2 semaphore(%arg12 : memref<!tpu.dma_semaphore, #tpu.memory_space<semaphore_mem>>) src(%dma_wait3A_34 : memref<157x128xi32, #tpu.memory_space<hbm>>) dst(%arg7 : memref<157x128xi32, #tpu.memory_space<vmem>>)
    %dma_start3A_35 = arith.constant 0 : i32
    %dma_start3A_36 = arith.constant 0 : i32
    %dma_start3A_37 = tpu.memref_slice %arg6[%dma_start3A_35, %dma_start3A_36] : memref<157x128xi32, #tpu.memory_space<vmem>> -> memref<1x128xi32, #tpu.memory_space<vmem>>
    %dma_start3A_38 = tpu.memref_squeeze %dma_start3A_37 : memref<1x128xi32, #tpu.memory_space<vmem>> -> memref<128xi32, #tpu.memory_space<vmem>>
    %dma_start3A_39 = arith.constant 0 : i32
    %dma_start3A_40 = arith.constant 0 : i32
    %dma_start3A_41 = tpu.memref_slice %arg2[%dma_start3A_39, %dma_start3A_40] : memref<20000x64xf32, #tpu.memory_space<hbm>> -> memref<20000x64xf32, #tpu.memory_space<hbm>>
    tpu.enqueue_indirect_dma source(%dma_start3A_41 : memref<20000x64xf32, #tpu.memory_space<hbm>>) target(%arg8 : memref<128x64xf32, #tpu.memory_space<vmem>>) offsets(%dma_start3A_38 : memref<128xi32, #tpu.memory_space<vmem>>) semaphore(%arg11 : memref<!tpu.dma_semaphore, #tpu.memory_space<semaphore_mem>>)
    %scan3A_42 = arith.constant 0 : i32
    %scan3A_43 = arith.constant 20 : i32
    %scan3A_44 = arith.addi %scan3A_42, %scan3A_43 : i32
    %scan3A_45 = arith.constant 1 : i32
    scf.for %scan3A_63 = %scan3A_42 to %scan3A_44 step %scan3A_45  : i32 {
      %mul3A_64 = arith.constant 1 : i32
      %mul3A_65 = arith.muli %scan3A_63, %mul3A_64 : i32
      %add3A = arith.constant 0 : i32
      %add3A_66 = arith.addi %add3A, %mul3A_65 : i32
      %mul3A_67 = arith.constant 640 : i32
      %mul3A_68 = arith.muli %arg1, %mul3A_67 : i32
      %mul3A_69 = arith.constant 32 : i32
      %mul3A_70 = arith.muli %add3A_66, %mul3A_69 : i32
      %add3A_71 = arith.addi %mul3A_68, %mul3A_70 : i32
      "tpu.region"() ({
        %run_scoped3A_72 = tpu.sem_alloc : memref<!tpu.dma_semaphore, #tpu.memory_space<semaphore_mem>>
        %dma_start3A_73 = arith.constant 0 : i32
        %dma_start3A_74 = tpu.memref_slice %arg13[%add3A_71, %dma_start3A_73] : memref<10240x64xf32, #tpu.memory_space<vmem_shared>> -> memref<32x64xf32, #tpu.memory_space<vmem_shared>>
        %dma_start3A_75 = arith.constant 0 : i32
        %dma_start3A_76 = tpu.memref_slice %arg13[%add3A_71, %dma_start3A_75] : memref<10240x64xf32, #tpu.memory_space<vmem_shared>> -> memref<32x64xf32, #tpu.memory_space<vmem_shared>>
        tpu.enqueue_dma source(%arg10 : memref<32x64xf32, #tpu.memory_space<vmem>>) target(%dma_start3A_76 : memref<32x64xf32, #tpu.memory_space<vmem_shared>>) target_semaphore(%run_scoped3A_72 : memref<!tpu.dma_semaphore, #tpu.memory_space<semaphore_mem>>)
        %dma_wait3A_77 = arith.constant 0 : i32
        %dma_wait3A_78 = tpu.memref_slice %arg13[%add3A_71, %dma_wait3A_77] : memref<10240x64xf32, #tpu.memory_space<vmem_shared>> -> memref<32x64xf32, #tpu.memory_space<vmem_shared>>
        %dma_wait3A_79 = arith.constant 0 : i32
        %dma_wait3A_80 = tpu.memref_slice %arg13[%add3A_71, %dma_wait3A_79] : memref<10240x64xf32, #tpu.memory_space<vmem_shared>> -> memref<32x64xf32, #tpu.memory_space<vmem_shared>>
        tpu.wait_dma2 semaphore(%run_scoped3A_72 : memref<!tpu.dma_semaphore, #tpu.memory_space<semaphore_mem>>) src(%arg10 : memref<32x64xf32, #tpu.memory_space<vmem>>) dst(%dma_wait3A_80 : memref<32x64xf32, #tpu.memory_space<vmem_shared>>)
        tpu.yield
      }) : () -> ()
    }
    %scan3A_46 = arith.constant 20 : i32
    %barrier3A = arith.constant 0 : index
    tpu.barrier barrier_id(%barrier3A)
    %scan3A_47 = arith.constant 0 : i32
    %scan3A_48 = arith.constant 78 : i32
    %scan3A_49 = arith.addi %scan3A_47, %scan3A_48 : i32
    %scan3A_50 = arith.constant 1 : i32
    scf.for %scan3A_63 = %scan3A_47 to %scan3A_49 step %scan3A_50  : i32 {
      %mul3A_64 = arith.constant 1 : i32
      %mul3A_65 = arith.muli %scan3A_63, %mul3A_64 : i32
      %add3A = arith.constant 0 : i32
      %add3A_66 = arith.addi %add3A, %mul3A_65 : i32
      %mul3A_67 = arith.constant 2 : i32
      %mul3A_68 = arith.muli %mul3A_67, %add3A_66 : i32
      %add3A_69 = arith.constant 1 : i32
      %add3A_70 = arith.addi %mul3A_68, %add3A_69 : i32
      %dma_start3A_71 = arith.constant 0 : i32
      %dma_start3A_72 = tpu.memref_slice %arg6[%add3A_70, %dma_start3A_71] : memref<157x128xi32, #tpu.memory_space<vmem>> -> memref<1x128xi32, #tpu.memory_space<vmem>>
      %dma_start3A_73 = tpu.memref_squeeze %dma_start3A_72 : memref<1x128xi32, #tpu.memory_space<vmem>> -> memref<128xi32, #tpu.memory_space<vmem>>
      %dma_start3A_74 = arith.constant 0 : i32
      %dma_start3A_75 = arith.constant 0 : i32
      %dma_start3A_76 = tpu.memref_slice %arg2[%dma_start3A_74, %dma_start3A_75] : memref<20000x64xf32, #tpu.memory_space<hbm>> -> memref<20000x64xf32, #tpu.memory_space<hbm>>
      tpu.enqueue_indirect_dma source(%dma_start3A_76 : memref<20000x64xf32, #tpu.memory_space<hbm>>) target(%arg9 : memref<128x64xf32, #tpu.memory_space<vmem>>) offsets(%dma_start3A_73 : memref<128xi32, #tpu.memory_space<vmem>>) semaphore(%arg12 : memref<!tpu.dma_semaphore, #tpu.memory_space<semaphore_mem>>)
      %dma_wait3A_77 = arith.constant 0 : i32
      %dma_wait3A_78 = tpu.memref_slice %arg6[%mul3A_68, %dma_wait3A_77] : memref<157x128xi32, #tpu.memory_space<vmem>> -> memref<1x128xi32, #tpu.memory_space<vmem>>
      %dma_wait3A_79 = tpu.memref_squeeze %dma_wait3A_78 : memref<1x128xi32, #tpu.memory_space<vmem>> -> memref<128xi32, #tpu.memory_space<vmem>>
      %dma_wait3A_80 = arith.constant 0 : i32
      %dma_wait3A_81 = arith.constant 0 : i32
      %dma_wait3A_82 = tpu.memref_slice %arg2[%dma_wait3A_80, %dma_wait3A_81] : memref<20000x64xf32, #tpu.memory_space<hbm>> -> memref<20000x64xf32, #tpu.memory_space<hbm>>
      tpu.wait_indirect_dma semaphore(%arg11 : memref<!tpu.dma_semaphore, #tpu.memory_space<semaphore_mem>>) src(%dma_wait3A_82 : memref<20000x64xf32, #tpu.memory_space<hbm>>) dst(%arg8 : memref<128x64xf32, #tpu.memory_space<vmem>>)
      "tpu.region"() ({
        %run_scoped3A_101 = tpu.sem_alloc : memref<!tpu.dma_semaphore, #tpu.memory_space<semaphore_mem>>
        %dma_start3A_102 = arith.constant 0 : i32
        %dma_start3A_103 = tpu.memref_slice %arg7[%mul3A_68, %dma_start3A_102] : memref<157x128xi32, #tpu.memory_space<vmem>> -> memref<1x128xi32, #tpu.memory_space<vmem>>
        %dma_start3A_104 = tpu.memref_squeeze %dma_start3A_103 : memref<1x128xi32, #tpu.memory_space<vmem>> -> memref<128xi32, #tpu.memory_space<vmem>>
        %dma_start3A_105 = arith.constant 0 : i32
        %dma_start3A_106 = arith.constant 0 : i32
        %dma_start3A_107 = tpu.memref_slice %arg13[%dma_start3A_105, %dma_start3A_106] : memref<10240x64xf32, #tpu.memory_space<vmem_shared>> -> memref<10240x64xf32, #tpu.memory_space<vmem_shared>>
        tpu.enqueue_indirect_dma source(%arg8 : memref<128x64xf32, #tpu.memory_space<vmem>>) target(%dma_start3A_107 : memref<10240x64xf32, #tpu.memory_space<vmem_shared>>) offsets(%dma_start3A_104 : memref<128xi32, #tpu.memory_space<vmem>>) semaphore(%run_scoped3A_101 : memref<!tpu.dma_semaphore, #tpu.memory_space<semaphore_mem>>) {add = true}
        %dma_wait3A_108 = arith.constant 0 : i32
        %dma_wait3A_109 = tpu.memref_slice %arg7[%mul3A_68, %dma_wait3A_108] : memref<157x128xi32, #tpu.memory_space<vmem>> -> memref<1x128xi32, #tpu.memory_space<vmem>>
        %dma_wait3A_110 = tpu.memref_squeeze %dma_wait3A_109 : memref<1x128xi32, #tpu.memory_space<vmem>> -> memref<128xi32, #tpu.memory_space<vmem>>
        %dma_wait3A_111 = arith.constant 0 : i32
        %dma_wait3A_112 = arith.constant 0 : i32
        %dma_wait3A_113 = tpu.memref_slice %arg13[%dma_wait3A_111, %dma_wait3A_112] : memref<10240x64xf32, #tpu.memory_space<vmem_shared>> -> memref<10240x64xf32, #tpu.memory_space<vmem_shared>>
        tpu.wait_indirect_dma semaphore(%run_scoped3A_101 : memref<!tpu.dma_semaphore, #tpu.memory_space<semaphore_mem>>) src(%arg8 : memref<128x64xf32, #tpu.memory_space<vmem>>) dst(%dma_wait3A_113 : memref<10240x64xf32, #tpu.memory_space<vmem_shared>>)
        tpu.yield
      }) : () -> ()
      %add3A_83 = arith.constant 2 : i32
      %add3A_84 = arith.addi %mul3A_68, %add3A_83 : i32
      %dma_start3A_85 = arith.constant 0 : i32
      %dma_start3A_86 = tpu.memref_slice %arg6[%add3A_84, %dma_start3A_85] : memref<157x128xi32, #tpu.memory_space<vmem>> -> memref<1x128xi32, #tpu.memory_space<vmem>>
      %dma_start3A_87 = tpu.memref_squeeze %dma_start3A_86 : memref<1x128xi32, #tpu.memory_space<vmem>> -> memref<128xi32, #tpu.memory_space<vmem>>
      %dma_start3A_88 = arith.constant 0 : i32
      %dma_start3A_89 = arith.constant 0 : i32
      %dma_start3A_90 = tpu.memref_slice %arg2[%dma_start3A_88, %dma_start3A_89] : memref<20000x64xf32, #tpu.memory_space<hbm>> -> memref<20000x64xf32, #tpu.memory_space<hbm>>
      tpu.enqueue_indirect_dma source(%dma_start3A_90 : memref<20000x64xf32, #tpu.memory_space<hbm>>) target(%arg8 : memref<128x64xf32, #tpu.memory_space<vmem>>) offsets(%dma_start3A_87 : memref<128xi32, #tpu.memory_space<vmem>>) semaphore(%arg11 : memref<!tpu.dma_semaphore, #tpu.memory_space<semaphore_mem>>)
      %add3A_91 = arith.constant 1 : i32
      %add3A_92 = arith.addi %mul3A_68, %add3A_91 : i32
      %dma_wait3A_93 = arith.constant 0 : i32
      %dma_wait3A_94 = tpu.memref_slice %arg6[%add3A_92, %dma_wait3A_93] : memref<157x128xi32, #tpu.memory_space<vmem>> -> memref<1x128xi32, #tpu.memory_space<vmem>>
      %dma_wait3A_95 = tpu.memref_squeeze %dma_wait3A_94 : memref<1x128xi32, #tpu.memory_space<vmem>> -> memref<128xi32, #tpu.memory_space<vmem>>
      %dma_wait3A_96 = arith.constant 0 : i32
      %dma_wait3A_97 = arith.constant 0 : i32
      %dma_wait3A_98 = tpu.memref_slice %arg2[%dma_wait3A_96, %dma_wait3A_97] : memref<20000x64xf32, #tpu.memory_space<hbm>> -> memref<20000x64xf32, #tpu.memory_space<hbm>>
      tpu.wait_indirect_dma semaphore(%arg12 : memref<!tpu.dma_semaphore, #tpu.memory_space<semaphore_mem>>) src(%dma_wait3A_98 : memref<20000x64xf32, #tpu.memory_space<hbm>>) dst(%arg9 : memref<128x64xf32, #tpu.memory_space<vmem>>)
      %add3A_99 = arith.constant 1 : i32
      %add3A_100 = arith.addi %mul3A_68, %add3A_99 : i32
      "tpu.region"() ({
        %run_scoped3A_101 = tpu.sem_alloc : memref<!tpu.dma_semaphore, #tpu.memory_space<semaphore_mem>>
        %dma_start3A_102 = arith.constant 0 : i32
        %dma_start3A_103 = tpu.memref_slice %arg7[%add3A_100, %dma_start3A_102] : memref<157x128xi32, #tpu.memory_space<vmem>> -> memref<1x128xi32, #tpu.memory_space<vmem>>
        %dma_start3A_104 = tpu.memref_squeeze %dma_start3A_103 : memref<1x128xi32, #tpu.memory_space<vmem>> -> memref<128xi32, #tpu.memory_space<vmem>>
        %dma_start3A_105 = arith.constant 0 : i32
        %dma_start3A_106 = arith.constant 0 : i32
        %dma_start3A_107 = tpu.memref_slice %arg13[%dma_start3A_105, %dma_start3A_106] : memref<10240x64xf32, #tpu.memory_space<vmem_shared>> -> memref<10240x64xf32, #tpu.memory_space<vmem_shared>>
        tpu.enqueue_indirect_dma source(%arg9 : memref<128x64xf32, #tpu.memory_space<vmem>>) target(%dma_start3A_107 : memref<10240x64xf32, #tpu.memory_space<vmem_shared>>) offsets(%dma_start3A_104 : memref<128xi32, #tpu.memory_space<vmem>>) semaphore(%run_scoped3A_101 : memref<!tpu.dma_semaphore, #tpu.memory_space<semaphore_mem>>) {add = true}
        %dma_wait3A_108 = arith.constant 0 : i32
        %dma_wait3A_109 = tpu.memref_slice %arg7[%add3A_100, %dma_wait3A_108] : memref<157x128xi32, #tpu.memory_space<vmem>> -> memref<1x128xi32, #tpu.memory_space<vmem>>
        %dma_wait3A_110 = tpu.memref_squeeze %dma_wait3A_109 : memref<1x128xi32, #tpu.memory_space<vmem>> -> memref<128xi32, #tpu.memory_space<vmem>>
        %dma_wait3A_111 = arith.constant 0 : i32
        %dma_wait3A_112 = arith.constant 0 : i32
        %dma_wait3A_113 = tpu.memref_slice %arg13[%dma_wait3A_111, %dma_wait3A_112] : memref<10240x64xf32, #tpu.memory_space<vmem_shared>> -> memref<10240x64xf32, #tpu.memory_space<vmem_shared>>
        tpu.wait_indirect_dma semaphore(%run_scoped3A_101 : memref<!tpu.dma_semaphore, #tpu.memory_space<semaphore_mem>>) src(%arg9 : memref<128x64xf32, #tpu.memory_space<vmem>>) dst(%dma_wait3A_113 : memref<10240x64xf32, #tpu.memory_space<vmem_shared>>)
        tpu.yield
      }) : () -> ()
    }
    %scan3A_51 = arith.constant 78 : i32
    %dma_wait3A_52 = arith.constant 156 : i32
    %dma_wait3A_53 = arith.constant 0 : i32
    %dma_wait3A_54 = tpu.memref_slice %arg6[%dma_wait3A_52, %dma_wait3A_53] : memref<157x128xi32, #tpu.memory_space<vmem>> -> memref<1x128xi32, #tpu.memory_space<vmem>>
    %dma_wait3A_55 = tpu.memref_squeeze %dma_wait3A_54 : memref<1x128xi32, #tpu.memory_space<vmem>> -> memref<128xi32, #tpu.memory_space<vmem>>
    %dma_wait3A_56 = arith.constant 0 : i32
    %dma_wait3A_57 = arith.constant 0 : i32
    %dma_wait3A_58 = tpu.memref_slice %arg2[%dma_wait3A_56, %dma_wait3A_57] : memref<20000x64xf32, #tpu.memory_space<hbm>> -> memref<20000x64xf32, #tpu.memory_space<hbm>>
    tpu.wait_indirect_dma semaphore(%arg11 : memref<!tpu.dma_semaphore, #tpu.memory_space<semaphore_mem>>) src(%dma_wait3A_58 : memref<20000x64xf32, #tpu.memory_space<hbm>>) dst(%arg8 : memref<128x64xf32, #tpu.memory_space<vmem>>)
    %run_scoped3A = arith.constant 156 : i32
    "tpu.region"() ({
      %run_scoped3A_63 = tpu.sem_alloc : memref<!tpu.dma_semaphore, #tpu.memory_space<semaphore_mem>>
      %dma_start3A_64 = arith.constant 0 : i32
      %dma_start3A_65 = tpu.memref_slice %arg7[%run_scoped3A, %dma_start3A_64] : memref<157x128xi32, #tpu.memory_space<vmem>> -> memref<1x128xi32, #tpu.memory_space<vmem>>
      %dma_start3A_66 = tpu.memref_squeeze %dma_start3A_65 : memref<1x128xi32, #tpu.memory_space<vmem>> -> memref<128xi32, #tpu.memory_space<vmem>>
      %dma_start3A_67 = arith.constant 0 : i32
      %dma_start3A_68 = arith.constant 0 : i32
      %dma_start3A_69 = tpu.memref_slice %arg13[%dma_start3A_67, %dma_start3A_68] : memref<10240x64xf32, #tpu.memory_space<vmem_shared>> -> memref<10240x64xf32, #tpu.memory_space<vmem_shared>>
      tpu.enqueue_indirect_dma source(%arg8 : memref<128x64xf32, #tpu.memory_space<vmem>>) target(%dma_start3A_69 : memref<10240x64xf32, #tpu.memory_space<vmem_shared>>) offsets(%dma_start3A_66 : memref<128xi32, #tpu.memory_space<vmem>>) semaphore(%run_scoped3A_63 : memref<!tpu.dma_semaphore, #tpu.memory_space<semaphore_mem>>) {add = true}
      %dma_wait3A_70 = arith.constant 0 : i32
      %dma_wait3A_71 = tpu.memref_slice %arg7[%run_scoped3A, %dma_wait3A_70] : memref<157x128xi32, #tpu.memory_space<vmem>> -> memref<1x128xi32, #tpu.memory_space<vmem>>
      %dma_wait3A_72 = tpu.memref_squeeze %dma_wait3A_71 : memref<1x128xi32, #tpu.memory_space<vmem>> -> memref<128xi32, #tpu.memory_space<vmem>>
      %dma_wait3A_73 = arith.constant 0 : i32
      %dma_wait3A_74 = arith.constant 0 : i32
      %dma_wait3A_75 = tpu.memref_slice %arg13[%dma_wait3A_73, %dma_wait3A_74] : memref<10240x64xf32, #tpu.memory_space<vmem_shared>> -> memref<10240x64xf32, #tpu.memory_space<vmem_shared>>
      tpu.wait_indirect_dma semaphore(%run_scoped3A_63 : memref<!tpu.dma_semaphore, #tpu.memory_space<semaphore_mem>>) src(%arg8 : memref<128x64xf32, #tpu.memory_space<vmem>>) dst(%dma_wait3A_75 : memref<10240x64xf32, #tpu.memory_space<vmem_shared>>)
      tpu.yield
    }) : () -> ()
    %barrier3A_59 = arith.constant 0 : index
    tpu.barrier barrier_id(%barrier3A_59)
    %mul3A = arith.constant 640 : i32
    %mul3A_60 = arith.muli %arg1, %mul3A : i32
    %mul3A_61 = arith.constant 640 : i32
    %mul3A_62 = arith.muli %arg1, %mul3A_61 : i32
    "tpu.region"() ({
      %run_scoped3A_63 = tpu.sem_alloc : memref<!tpu.dma_semaphore, #tpu.memory_space<semaphore_mem>>
      %dma_start3A_64 = arith.constant 0 : i32
      %dma_start3A_65 = tpu.memref_slice %arg5[%arg0, %mul3A_62, %dma_start3A_64] : memref<2x10240x64xf32, #tpu.memory_space<hbm>> -> memref<1x640x64xf32, #tpu.memory_space<hbm>>
      %dma_start3A_66 = tpu.memref_squeeze %dma_start3A_65 : memref<1x640x64xf32, #tpu.memory_space<hbm>> -> memref<640x64xf32, #tpu.memory_space<hbm>>
      %dma_start3A_67 = arith.constant 0 : i32
      %dma_start3A_68 = tpu.memref_slice %arg13[%mul3A_60, %dma_start3A_67] : memref<10240x64xf32, #tpu.memory_space<vmem_shared>> -> memref<640x64xf32, #tpu.memory_space<vmem_shared>>
      tpu.enqueue_dma source(%dma_start3A_68 : memref<640x64xf32, #tpu.memory_space<vmem_shared>>) target(%dma_start3A_66 : memref<640x64xf32, #tpu.memory_space<hbm>>) target_semaphore(%run_scoped3A_63 : memref<!tpu.dma_semaphore, #tpu.memory_space<semaphore_mem>>)
      %dma_wait3A_69 = arith.constant 0 : i32
      %dma_wait3A_70 = tpu.memref_slice %arg5[%arg0, %mul3A_62, %dma_wait3A_69] : memref<2x10240x64xf32, #tpu.memory_space<hbm>> -> memref<1x640x64xf32, #tpu.memory_space<hbm>>
      %dma_wait3A_71 = tpu.memref_squeeze %dma_wait3A_70 : memref<1x640x64xf32, #tpu.memory_space<hbm>> -> memref<640x64xf32, #tpu.memory_space<hbm>>
      %dma_wait3A_72 = arith.constant 0 : i32
      %dma_wait3A_73 = tpu.memref_slice %arg13[%mul3A_60, %dma_wait3A_72] : memref<10240x64xf32, #tpu.memory_space<vmem_shared>> -> memref<640x64xf32, #tpu.memory_space<vmem_shared>>
      tpu.wait_dma2 semaphore(%run_scoped3A_63 : memref<!tpu.dma_semaphore, #tpu.memory_space<semaphore_mem>>) src(%dma_wait3A_73 : memref<640x64xf32, #tpu.memory_space<vmem_shared>>) dst(%dma_wait3A_71 : memref<640x64xf32, #tpu.memory_space<hbm>>)
      tpu.yield
    }) : () -> ()
    return
  }
}

module attributes {stable_mosaic.version = 14 : i64} {
  func.func @_pre_body(%arg0: memref<2x10000x128xf32, #tpu.memory_space<vmem>>, %arg1: memref<2x128x64xf32, #tpu.memory_space<vmem>>, %arg2: memref<2x10000x64xf32, #tpu.memory_space<vmem>>) attributes {dimension_semantics = [], scalar_prefetch = 0 : i64, scratch_operands = 0 : i64, tpu.core_type = #tpu.core_type<tc>} {
    %get3A = arith.constant 0 : index
    %get3A_0 = arith.constant 0 : index
    %get3A_1 = arith.constant 0 : index
    %get3A_2 = vector.load %arg0[%get3A, %get3A_0, %get3A_1] : memref<2x10000x128xf32, #tpu.memory_space<vmem>>, vector<1x10000x128xf32>
    %get3A_3 = vector.shape_cast %get3A_2 : vector<1x10000x128xf32> to vector<10000x128xf32>
    %get3A_4 = arith.constant 0 : index
    %get3A_5 = arith.constant 0 : index
    %get3A_6 = arith.constant 0 : index
    %get3A_7 = vector.load %arg1[%get3A_4, %get3A_5, %get3A_6] : memref<2x128x64xf32, #tpu.memory_space<vmem>>, vector<1x128x64xf32>
    %get3A_8 = vector.shape_cast %get3A_7 : vector<1x128x64xf32> to vector<128x64xf32>
    %dot_general3A = arith.constant dense<0.000000e+00> : vector<10000x64xf32>
    %dot_general3A_9 = tpu.matmul %get3A_3, %get3A_8, %dot_general3A {dimension_numbers = #tpu.dot_dimension_numbers<[1], [0], [0], [1], [0, 0, 1, 1], [], []>, precision = #tpu.contract_precision<fp32>, transpose_lhs_hint = false} : vector<10000x128xf32>, vector<128x64xf32>, vector<10000x64xf32> -> vector<10000x64xf32>
    %swap3A = arith.constant 0 : index
    %swap3A_10 = arith.constant 0 : index
    %swap3A_11 = arith.constant 0 : index
    %swap3A_12 = vector.load %arg2[%swap3A, %swap3A_10, %swap3A_11] : memref<2x10000x64xf32, #tpu.memory_space<vmem>>, vector<1x10000x64xf32>
    %swap3A_13 = vector.shape_cast %swap3A_12 : vector<1x10000x64xf32> to vector<10000x64xf32>
    %swap3A_14 = vector.shape_cast %dot_general3A_9 : vector<10000x64xf32> to vector<1x10000x64xf32>
    tpu.vector_store %arg2[%swap3A, %swap3A_10, %swap3A_11], %swap3A_14 {strides = array<i32>} : memref<2x10000x64xf32, #tpu.memory_space<vmem>>, vector<1x10000x64xf32>,
    %get3A_15 = arith.constant 1 : index
    %get3A_16 = arith.constant 0 : index
    %get3A_17 = arith.constant 0 : index
    %get3A_18 = vector.load %arg0[%get3A_15, %get3A_16, %get3A_17] : memref<2x10000x128xf32, #tpu.memory_space<vmem>>, vector<1x10000x128xf32>
    %get3A_19 = vector.shape_cast %get3A_18 : vector<1x10000x128xf32> to vector<10000x128xf32>
    %get3A_20 = arith.constant 1 : index
    %get3A_21 = arith.constant 0 : index
    %get3A_22 = arith.constant 0 : index
    %get3A_23 = vector.load %arg1[%get3A_20, %get3A_21, %get3A_22] : memref<2x128x64xf32, #tpu.memory_space<vmem>>, vector<1x128x64xf32>
    %get3A_24 = vector.shape_cast %get3A_23 : vector<1x128x64xf32> to vector<128x64xf32>
    %dot_general3A_25 = arith.constant dense<0.000000e+00> : vector<10000x64xf32>
    %dot_general3A_26 = tpu.matmul %get3A_19, %get3A_24, %dot_general3A_25 {dimension_numbers = #tpu.dot_dimension_numbers<[1], [0], [0], [1], [0, 0, 1, 1], [], []>, precision = #tpu.contract_precision<fp32>, transpose_lhs_hint = false} : vector<10000x128xf32>, vector<128x64xf32>, vector<10000x64xf32> -> vector<10000x64xf32>
    %swap3A_27 = arith.constant 1 : index
    %swap3A_28 = arith.constant 0 : index
    %swap3A_29 = arith.constant 0 : index
    %swap3A_30 = vector.load %arg2[%swap3A_27, %swap3A_28, %swap3A_29] : memref<2x10000x64xf32, #tpu.memory_space<vmem>>, vector<1x10000x64xf32>
    %swap3A_31 = vector.shape_cast %swap3A_30 : vector<1x10000x64xf32> to vector<10000x64xf32>
    %swap3A_32 = vector.shape_cast %dot_general3A_26 : vector<10000x64xf32> to vector<1x10000x64xf32>
    tpu.vector_store %arg2[%swap3A_27, %swap3A_28, %swap3A_29], %swap3A_32 {strides = array<i32>} : memref<2x10000x64xf32, #tpu.memory_space<vmem>>, vector<1x10000x64xf32>,
    return
  }
}

module attributes {stable_mosaic.version = 14 : i64} {
  func.func @_post_body(%arg0: i32, %arg1: i32, %arg2: memref<1x5000x64xf32, #tpu.memory_space<vmem>>, %arg3: memref<1x5000x16xf32, #tpu.memory_space<vmem>>, %arg4: memref<1x5000x128xf32, #tpu.memory_space<vmem>>, %arg5: memref<1x128x64xf32, #tpu.memory_space<vmem>>, %arg6: memref<1x1x64xf32, #tpu.memory_space<vmem>>, %arg7: memref<1x1x64xf32, #tpu.memory_space<vmem>>, %arg8: memref<1x1x64xf32, #tpu.memory_space<vmem>>, %arg9: memref<1x64x64xf32, #tpu.memory_space<vmem>>, %arg10: memref<1x5000x64xf32, #tpu.memory_space<vmem>>, %arg11: memref<1x5000x64xf32, #tpu.memory_space<vmem>>) attributes {dimension_semantics = [#tpu.dimension_semantics<parallel>, #tpu.dimension_semantics<parallel>], iteration_bounds = array<i64: 2, 2>, scalar_prefetch = 0 : i64, scratch_operands = 0 : i64, tpu.core_type = #tpu.core_type<tc>, window_params = [{transform_indices = @transform_0, window_bounds = array<i64: 1, 5000, 64>}, {transform_indices = @transform_1, window_bounds = array<i64: 1, 5000, 16>}, {transform_indices = @transform_2, window_bounds = array<i64: 1, 5000, 128>}, {transform_indices = @transform_3, window_bounds = array<i64: 1, 128, 64>}, {transform_indices = @transform_4, window_bounds = array<i64: 1, 1, 64>}, {transform_indices = @transform_5, window_bounds = array<i64: 1, 1, 64>}, {transform_indices = @transform_6, window_bounds = array<i64: 1, 1, 64>}, {transform_indices = @transform_7, window_bounds = array<i64: 1, 64, 64>}, {transform_indices = @transform_8, window_bounds = array<i64: 1, 5000, 64>}, {transform_indices = @transform_9, window_bounds = array<i64: 1, 5000, 64>}]} {
    %get3A = arith.constant 0 : index
    %get3A_0 = arith.constant 0 : index
    %get3A_1 = arith.constant 0 : index
    %get3A_2 = vector.load %arg2[%get3A, %get3A_0, %get3A_1] : memref<1x5000x64xf32, #tpu.memory_space<vmem>>, vector<1x5000x64xf32>
    %get3A_3 = vector.shape_cast %get3A_2 : vector<1x5000x64xf32> to vector<5000x64xf32>
    %get3A_4 = arith.constant 0 : index
    %get3A_5 = arith.constant 0 : index
    %get3A_6 = arith.constant 0 : index
    %get3A_7 = vector.load %arg3[%get3A_4, %get3A_5, %get3A_6] : memref<1x5000x16xf32, #tpu.memory_space<vmem>>, vector<1x5000x16xf32>
    %get3A_8 = vector.shape_cast %get3A_7 : vector<1x5000x16xf32> to vector<5000x16xf32>
    %slice3A = vector.extract_strided_slice %get3A_8 {offsets = [0, 0], sizes = [5000, 1], strides = [1, 1]} : vector<5000x16xf32> to vector<5000x1xf32>
    %max3A = arith.constant 1.000000e+00 : f32
    %max3A_9 = vector.broadcast %max3A : f32 to vector<5000x1xf32>
    %max3A_10 = arith.maximumf %slice3A, %max3A_9 : vector<5000x1xf32>
    %div3A = vector.broadcast %max3A_10 : vector<5000x1xf32> to vector<5000x64xf32>
    %div3A_11 = arith.divf %get3A_3, %div3A : vector<5000x64xf32>
    %get3A_12 = arith.constant 0 : index
    %get3A_13 = arith.constant 0 : index
    %get3A_14 = arith.constant 0 : index
    %get3A_15 = vector.load %arg6[%get3A_12, %get3A_13, %get3A_14] : memref<1x1x64xf32, #tpu.memory_space<vmem>>, vector<1x1x64xf32>
    %get3A_16 = vector.shape_cast %get3A_15 : vector<1x1x64xf32> to vector<1x64xf32>
    %add3A = vector.broadcast %get3A_16 : vector<1x64xf32> to vector<5000x64xf32>
    %add3A_17 = arith.addf %div3A_11, %add3A : vector<5000x64xf32>
    %get3A_18 = arith.constant 0 : index
    %get3A_19 = arith.constant 0 : index
    %get3A_20 = arith.constant 0 : index
    %get3A_21 = vector.load %arg4[%get3A_18, %get3A_19, %get3A_20] : memref<1x5000x128xf32, #tpu.memory_space<vmem>>, vector<1x5000x128xf32>
    %get3A_22 = vector.shape_cast %get3A_21 : vector<1x5000x128xf32> to vector<5000x128xf32>
    %get3A_23 = arith.constant 0 : index
    %get3A_24 = arith.constant 0 : index
    %get3A_25 = arith.constant 0 : index
    %get3A_26 = vector.load %arg5[%get3A_23, %get3A_24, %get3A_25] : memref<1x128x64xf32, #tpu.memory_space<vmem>>, vector<1x128x64xf32>
    %get3A_27 = vector.shape_cast %get3A_26 : vector<1x128x64xf32> to vector<128x64xf32>
    %dot_general3A = arith.constant dense<0.000000e+00> : vector<5000x64xf32>
    %dot_general3A_28 = tpu.matmul %get3A_22, %get3A_27, %dot_general3A {dimension_numbers = #tpu.dot_dimension_numbers<[1], [0], [0], [1], [0, 0, 1, 1], [], []>, precision = #tpu.contract_precision<fp32>, transpose_lhs_hint = false} : vector<5000x128xf32>, vector<128x64xf32>, vector<5000x64xf32> -> vector<5000x64xf32>
    %add3A_29 = arith.addf %add3A_17, %dot_general3A_28 : vector<5000x64xf32>
    %get3A_30 = arith.constant 0 : index
    %get3A_31 = arith.constant 0 : index
    %get3A_32 = arith.constant 0 : index
    %get3A_33 = vector.load %arg7[%get3A_30, %get3A_31, %get3A_32] : memref<1x1x64xf32, #tpu.memory_space<vmem>>, vector<1x1x64xf32>
    %get3A_34 = vector.shape_cast %get3A_33 : vector<1x1x64xf32> to vector<1x64xf32>
    %get3A_35 = arith.constant 0 : index
    %get3A_36 = arith.constant 0 : index
    %get3A_37 = arith.constant 0 : index
    %get3A_38 = vector.load %arg8[%get3A_35, %get3A_36, %get3A_37] : memref<1x1x64xf32, #tpu.memory_space<vmem>>, vector<1x1x64xf32>
    %get3A_39 = vector.shape_cast %get3A_38 : vector<1x1x64xf32> to vector<1x64xf32>
    %reduce_sum3A = arith.constant dense<0.000000e+00> : vector<5000xf32>
    %reduce_sum3A_40 = vector.multi_reduction <add>, %add3A_29, %reduce_sum3A [1] : vector<5000x64xf32> to vector<5000xf32>
    %broadcast_in_dim3A = vector.shape_cast %reduce_sum3A_40 : vector<5000xf32> to vector<5000x1xf32>
    %div3A_41 = arith.constant 6.400000e+01 : f32
    %div3A_42 = vector.broadcast %div3A_41 : f32 to vector<5000x1xf32>
    %div3A_43 = arith.divf %broadcast_in_dim3A, %div3A_42 : vector<5000x1xf32>
    %sub3A = vector.broadcast %div3A_43 : vector<5000x1xf32> to vector<5000x64xf32>
    %sub3A_44 = arith.subf %add3A_29, %sub3A : vector<5000x64xf32>
    %mul3A = arith.mulf %sub3A_44, %sub3A_44 : vector<5000x64xf32>
    %reduce_sum3A_45 = arith.constant dense<0.000000e+00> : vector<5000xf32>
    %reduce_sum3A_46 = vector.multi_reduction <add>, %mul3A, %reduce_sum3A_45 [1] : vector<5000x64xf32> to vector<5000xf32>
    %broadcast_in_dim3A_47 = vector.shape_cast %reduce_sum3A_46 : vector<5000xf32> to vector<5000x1xf32>
    %div3A_48 = arith.constant 6.400000e+01 : f32
    %div3A_49 = vector.broadcast %div3A_48 : f32 to vector<5000x1xf32>
    %div3A_50 = arith.divf %broadcast_in_dim3A_47, %div3A_49 : vector<5000x1xf32>
    %add3A_51 = arith.constant 9.99999974E-6 : f32
    %add3A_52 = vector.broadcast %add3A_51 : f32 to vector<5000x1xf32>
    %add3A_53 = arith.addf %div3A_50, %add3A_52 : vector<5000x1xf32>
    %rsqrt3A = math.rsqrt %add3A_53 : vector<5000x1xf32>
    %mul3A_54 = vector.broadcast %rsqrt3A : vector<5000x1xf32> to vector<5000x64xf32>
    %mul3A_55 = arith.mulf %sub3A_44, %mul3A_54 : vector<5000x64xf32>
    %mul3A_56 = vector.broadcast %get3A_34 : vector<1x64xf32> to vector<5000x64xf32>
    %mul3A_57 = arith.mulf %mul3A_55, %mul3A_56 : vector<5000x64xf32>
    %add3A_58 = vector.broadcast %get3A_39 : vector<1x64xf32> to vector<5000x64xf32>
    %add3A_59 = arith.addf %mul3A_57, %add3A_58 : vector<5000x64xf32>
    %max3A_60 = arith.constant 0.000000e+00 : f32
    %max3A_61 = vector.broadcast %max3A_60 : f32 to vector<5000x64xf32>
    %max3A_62 = arith.maximumf %add3A_59, %max3A_61 : vector<5000x64xf32>
    %swap3A = arith.constant 0 : index
    %swap3A_63 = arith.constant 0 : index
    %swap3A_64 = arith.constant 0 : index
    %swap3A_65 = vector.load %arg10[%swap3A, %swap3A_63, %swap3A_64] : memref<1x5000x64xf32, #tpu.memory_space<vmem>>, vector<1x5000x64xf32>
    %swap3A_66 = vector.shape_cast %swap3A_65 : vector<1x5000x64xf32> to vector<5000x64xf32>
    %swap3A_67 = vector.shape_cast %max3A_62 : vector<5000x64xf32> to vector<1x5000x64xf32>
    tpu.vector_store %arg10[%swap3A, %swap3A_63, %swap3A_64], %swap3A_67 {strides = array<i32>} : memref<1x5000x64xf32, #tpu.memory_space<vmem>>, vector<1x5000x64xf32>,
    %get3A_68 = arith.constant 0 : index
    %get3A_69 = arith.constant 0 : index
    %get3A_70 = arith.constant 0 : index
    %get3A_71 = vector.load %arg9[%get3A_68, %get3A_69, %get3A_70] : memref<1x64x64xf32, #tpu.memory_space<vmem>>, vector<1x64x64xf32>
    %get3A_72 = vector.shape_cast %get3A_71 : vector<1x64x64xf32> to vector<64x64xf32>
    %dot_general3A_73 = arith.constant dense<0.000000e+00> : vector<5000x64xf32>
    %dot_general3A_74 = tpu.matmul %max3A_62, %get3A_72, %dot_general3A_73 {dimension_numbers = #tpu.dot_dimension_numbers<[1], [0], [0], [1], [0, 0, 1, 1], [], []>, precision = #tpu.contract_precision<fp32>, transpose_lhs_hint = false} : vector<5000x64xf32>, vector<64x64xf32>, vector<5000x64xf32> -> vector<5000x64xf32>
    %swap3A_75 = arith.constant 0 : index
    %swap3A_76 = arith.constant 0 : index
    %swap3A_77 = arith.constant 0 : index
    %swap3A_78 = vector.load %arg11[%swap3A_75, %swap3A_76, %swap3A_77] : memref<1x5000x64xf32, #tpu.memory_space<vmem>>, vector<1x5000x64xf32>
    %swap3A_79 = vector.shape_cast %swap3A_78 : vector<1x5000x64xf32> to vector<5000x64xf32>
    %swap3A_80 = vector.shape_cast %dot_general3A_74 : vector<5000x64xf32> to vector<1x5000x64xf32>
    tpu.vector_store %arg11[%swap3A_75, %swap3A_76, %swap3A_77], %swap3A_80 {strides = array<i32>} : memref<1x5000x64xf32, #tpu.memory_space<vmem>>, vector<1x5000x64xf32>,
    return
  }
  func.func @transform_0(%arg0: i32, %arg1: i32) -> (i32, i32, i32) {
    %c0_i32 = arith.constant 0 : i32
    %c0_i32_0 = arith.constant 0 : i32
    return %arg0, %arg1, %c0_i32 : i32, i32, i32
  }
  func.func @transform_1(%arg0: i32, %arg1: i32) -> (i32, i32, i32) {
    %c0_i32 = arith.constant 0 : i32
    %c0_i32_0 = arith.constant 0 : i32
    return %arg0, %arg1, %c0_i32 : i32, i32, i32
  }
  func.func @transform_2(%arg0: i32, %arg1: i32) -> (i32, i32, i32) {
    %c0_i32 = arith.constant 0 : i32
    %c0_i32_0 = arith.constant 0 : i32
    return %arg0, %arg1, %c0_i32 : i32, i32, i32
  }
  func.func @transform_3(%arg0: i32, %arg1: i32) -> (i32, i32, i32) {
    %c0_i32 = arith.constant 0 : i32
    %c0_i32_0 = arith.constant 0 : i32
    %c0_i32_1 = arith.constant 0 : i32
    return %arg0, %c0_i32, %c0_i32_0 : i32, i32, i32
  }
  func.func @transform_4(%arg0: i32, %arg1: i32) -> (i32, i32, i32) {
    %c0_i32 = arith.constant 0 : i32
    %c0_i32_0 = arith.constant 0 : i32
    %c0_i32_1 = arith.constant 0 : i32
    return %arg0, %c0_i32, %c0_i32_0 : i32, i32, i32
  }
  func.func @transform_5(%arg0: i32, %arg1: i32) -> (i32, i32, i32) {
    %c0_i32 = arith.constant 0 : i32
    %c0_i32_0 = arith.constant 0 : i32
    %c0_i32_1 = arith.constant 0 : i32
    return %arg0, %c0_i32, %c0_i32_0 : i32, i32, i32
  }
  func.func @transform_6(%arg0: i32, %arg1: i32) -> (i32, i32, i32) {
    %c0_i32 = arith.constant 0 : i32
    %c0_i32_0 = arith.constant 0 : i32
    %c0_i32_1 = arith.constant 0 : i32
    return %arg0, %c0_i32, %c0_i32_0 : i32, i32, i32
  }
  func.func @transform_7(%arg0: i32, %arg1: i32) -> (i32, i32, i32) {
    %c0_i32 = arith.constant 0 : i32
    %c0_i32_0 = arith.constant 0 : i32
    %c0_i32_1 = arith.constant 0 : i32
    return %arg0, %c0_i32, %c0_i32_0 : i32, i32, i32
  }
  func.func @transform_8(%arg0: i32, %arg1: i32) -> (i32, i32, i32) {
    %c0_i32 = arith.constant 0 : i32
    %c0_i32_0 = arith.constant 0 : i32
    return %arg0, %arg1, %c0_i32 : i32, i32, i32
  }
  func.func @transform_9(%arg0: i32, %arg1: i32) -> (i32, i32, i32) {
    %c0_i32 = arith.constant 0 : i32
    %c0_i32_0 = arith.constant 0 : i32
    return %arg0, %arg1, %c0_i32 : i32, i32, i32
  }
}

module attributes {stable_mosaic.version = 14 : i64} {
  func.func @_post_body(%arg0: i32, %arg1: i32, %arg2: memref<1x5000x64xf32, #tpu.memory_space<vmem>>, %arg3: memref<1x5000x16xf32, #tpu.memory_space<vmem>>, %arg4: memref<1x5000x64xf32, #tpu.memory_space<vmem>>, %arg5: memref<1x64x64xf32, #tpu.memory_space<vmem>>, %arg6: memref<1x1x64xf32, #tpu.memory_space<vmem>>, %arg7: memref<1x1x64xf32, #tpu.memory_space<vmem>>, %arg8: memref<1x1x64xf32, #tpu.memory_space<vmem>>, %arg9: memref<1x64x64xf32, #tpu.memory_space<vmem>>, %arg10: memref<1x5000x64xf32, #tpu.memory_space<vmem>>, %arg11: memref<1x5000x64xf32, #tpu.memory_space<vmem>>) attributes {dimension_semantics = [#tpu.dimension_semantics<parallel>, #tpu.dimension_semantics<parallel>], iteration_bounds = array<i64: 2, 2>, scalar_prefetch = 0 : i64, scratch_operands = 0 : i64, tpu.core_type = #tpu.core_type<tc>, window_params = [{transform_indices = @transform_0, window_bounds = array<i64: 1, 5000, 64>}, {transform_indices = @transform_1, window_bounds = array<i64: 1, 5000, 16>}, {transform_indices = @transform_2, window_bounds = array<i64: 1, 5000, 64>}, {transform_indices = @transform_3, window_bounds = array<i64: 1, 64, 64>}, {transform_indices = @transform_4, window_bounds = array<i64: 1, 1, 64>}, {transform_indices = @transform_5, window_bounds = array<i64: 1, 1, 64>}, {transform_indices = @transform_6, window_bounds = array<i64: 1, 1, 64>}, {transform_indices = @transform_7, window_bounds = array<i64: 1, 64, 64>}, {transform_indices = @transform_8, window_bounds = array<i64: 1, 5000, 64>}, {transform_indices = @transform_9, window_bounds = array<i64: 1, 5000, 64>}]} {
    %get3A = arith.constant 0 : index
    %get3A_0 = arith.constant 0 : index
    %get3A_1 = arith.constant 0 : index
    %get3A_2 = vector.load %arg2[%get3A, %get3A_0, %get3A_1] : memref<1x5000x64xf32, #tpu.memory_space<vmem>>, vector<1x5000x64xf32>
    %get3A_3 = vector.shape_cast %get3A_2 : vector<1x5000x64xf32> to vector<5000x64xf32>
    %get3A_4 = arith.constant 0 : index
    %get3A_5 = arith.constant 0 : index
    %get3A_6 = arith.constant 0 : index
    %get3A_7 = vector.load %arg3[%get3A_4, %get3A_5, %get3A_6] : memref<1x5000x16xf32, #tpu.memory_space<vmem>>, vector<1x5000x16xf32>
    %get3A_8 = vector.shape_cast %get3A_7 : vector<1x5000x16xf32> to vector<5000x16xf32>
    %slice3A = vector.extract_strided_slice %get3A_8 {offsets = [0, 0], sizes = [5000, 1], strides = [1, 1]} : vector<5000x16xf32> to vector<5000x1xf32>
    %max3A = arith.constant 1.000000e+00 : f32
    %max3A_9 = vector.broadcast %max3A : f32 to vector<5000x1xf32>
    %max3A_10 = arith.maximumf %slice3A, %max3A_9 : vector<5000x1xf32>
    %div3A = vector.broadcast %max3A_10 : vector<5000x1xf32> to vector<5000x64xf32>
    %div3A_11 = arith.divf %get3A_3, %div3A : vector<5000x64xf32>
    %get3A_12 = arith.constant 0 : index
    %get3A_13 = arith.constant 0 : index
    %get3A_14 = arith.constant 0 : index
    %get3A_15 = vector.load %arg6[%get3A_12, %get3A_13, %get3A_14] : memref<1x1x64xf32, #tpu.memory_space<vmem>>, vector<1x1x64xf32>
    %get3A_16 = vector.shape_cast %get3A_15 : vector<1x1x64xf32> to vector<1x64xf32>
    %add3A = vector.broadcast %get3A_16 : vector<1x64xf32> to vector<5000x64xf32>
    %add3A_17 = arith.addf %div3A_11, %add3A : vector<5000x64xf32>
    %get3A_18 = arith.constant 0 : index
    %get3A_19 = arith.constant 0 : index
    %get3A_20 = arith.constant 0 : index
    %get3A_21 = vector.load %arg4[%get3A_18, %get3A_19, %get3A_20] : memref<1x5000x64xf32, #tpu.memory_space<vmem>>, vector<1x5000x64xf32>
    %get3A_22 = vector.shape_cast %get3A_21 : vector<1x5000x64xf32> to vector<5000x64xf32>
    %get3A_23 = arith.constant 0 : index
    %get3A_24 = arith.constant 0 : index
    %get3A_25 = arith.constant 0 : index
    %get3A_26 = vector.load %arg5[%get3A_23, %get3A_24, %get3A_25] : memref<1x64x64xf32, #tpu.memory_space<vmem>>, vector<1x64x64xf32>
    %get3A_27 = vector.shape_cast %get3A_26 : vector<1x64x64xf32> to vector<64x64xf32>
    %dot_general3A = arith.constant dense<0.000000e+00> : vector<5000x64xf32>
    %dot_general3A_28 = tpu.matmul %get3A_22, %get3A_27, %dot_general3A {dimension_numbers = #tpu.dot_dimension_numbers<[1], [0], [0], [1], [0, 0, 1, 1], [], []>, precision = #tpu.contract_precision<fp32>, transpose_lhs_hint = false} : vector<5000x64xf32>, vector<64x64xf32>, vector<5000x64xf32> -> vector<5000x64xf32>
    %add3A_29 = arith.addf %add3A_17, %dot_general3A_28 : vector<5000x64xf32>
    %get3A_30 = arith.constant 0 : index
    %get3A_31 = arith.constant 0 : index
    %get3A_32 = arith.constant 0 : index
    %get3A_33 = vector.load %arg7[%get3A_30, %get3A_31, %get3A_32] : memref<1x1x64xf32, #tpu.memory_space<vmem>>, vector<1x1x64xf32>
    %get3A_34 = vector.shape_cast %get3A_33 : vector<1x1x64xf32> to vector<1x64xf32>
    %get3A_35 = arith.constant 0 : index
    %get3A_36 = arith.constant 0 : index
    %get3A_37 = arith.constant 0 : index
    %get3A_38 = vector.load %arg8[%get3A_35, %get3A_36, %get3A_37] : memref<1x1x64xf32, #tpu.memory_space<vmem>>, vector<1x1x64xf32>
    %get3A_39 = vector.shape_cast %get3A_38 : vector<1x1x64xf32> to vector<1x64xf32>
    %reduce_sum3A = arith.constant dense<0.000000e+00> : vector<5000xf32>
    %reduce_sum3A_40 = vector.multi_reduction <add>, %add3A_29, %reduce_sum3A [1] : vector<5000x64xf32> to vector<5000xf32>
    %broadcast_in_dim3A = vector.shape_cast %reduce_sum3A_40 : vector<5000xf32> to vector<5000x1xf32>
    %div3A_41 = arith.constant 6.400000e+01 : f32
    %div3A_42 = vector.broadcast %div3A_41 : f32 to vector<5000x1xf32>
    %div3A_43 = arith.divf %broadcast_in_dim3A, %div3A_42 : vector<5000x1xf32>
    %sub3A = vector.broadcast %div3A_43 : vector<5000x1xf32> to vector<5000x64xf32>
    %sub3A_44 = arith.subf %add3A_29, %sub3A : vector<5000x64xf32>
    %mul3A = arith.mulf %sub3A_44, %sub3A_44 : vector<5000x64xf32>
    %reduce_sum3A_45 = arith.constant dense<0.000000e+00> : vector<5000xf32>
    %reduce_sum3A_46 = vector.multi_reduction <add>, %mul3A, %reduce_sum3A_45 [1] : vector<5000x64xf32> to vector<5000xf32>
    %broadcast_in_dim3A_47 = vector.shape_cast %reduce_sum3A_46 : vector<5000xf32> to vector<5000x1xf32>
    %div3A_48 = arith.constant 6.400000e+01 : f32
    %div3A_49 = vector.broadcast %div3A_48 : f32 to vector<5000x1xf32>
    %div3A_50 = arith.divf %broadcast_in_dim3A_47, %div3A_49 : vector<5000x1xf32>
    %add3A_51 = arith.constant 9.99999974E-6 : f32
    %add3A_52 = vector.broadcast %add3A_51 : f32 to vector<5000x1xf32>
    %add3A_53 = arith.addf %div3A_50, %add3A_52 : vector<5000x1xf32>
    %rsqrt3A = math.rsqrt %add3A_53 : vector<5000x1xf32>
    %mul3A_54 = vector.broadcast %rsqrt3A : vector<5000x1xf32> to vector<5000x64xf32>
    %mul3A_55 = arith.mulf %sub3A_44, %mul3A_54 : vector<5000x64xf32>
    %mul3A_56 = vector.broadcast %get3A_34 : vector<1x64xf32> to vector<5000x64xf32>
    %mul3A_57 = arith.mulf %mul3A_55, %mul3A_56 : vector<5000x64xf32>
    %add3A_58 = vector.broadcast %get3A_39 : vector<1x64xf32> to vector<5000x64xf32>
    %add3A_59 = arith.addf %mul3A_57, %add3A_58 : vector<5000x64xf32>
    %max3A_60 = arith.constant 0.000000e+00 : f32
    %max3A_61 = vector.broadcast %max3A_60 : f32 to vector<5000x64xf32>
    %max3A_62 = arith.maximumf %add3A_59, %max3A_61 : vector<5000x64xf32>
    %swap3A = arith.constant 0 : index
    %swap3A_63 = arith.constant 0 : index
    %swap3A_64 = arith.constant 0 : index
    %swap3A_65 = vector.load %arg10[%swap3A, %swap3A_63, %swap3A_64] : memref<1x5000x64xf32, #tpu.memory_space<vmem>>, vector<1x5000x64xf32>
    %swap3A_66 = vector.shape_cast %swap3A_65 : vector<1x5000x64xf32> to vector<5000x64xf32>
    %swap3A_67 = vector.shape_cast %max3A_62 : vector<5000x64xf32> to vector<1x5000x64xf32>
    tpu.vector_store %arg10[%swap3A, %swap3A_63, %swap3A_64], %swap3A_67 {strides = array<i32>} : memref<1x5000x64xf32, #tpu.memory_space<vmem>>, vector<1x5000x64xf32>,
    %get3A_68 = arith.constant 0 : index
    %get3A_69 = arith.constant 0 : index
    %get3A_70 = arith.constant 0 : index
    %get3A_71 = vector.load %arg9[%get3A_68, %get3A_69, %get3A_70] : memref<1x64x64xf32, #tpu.memory_space<vmem>>, vector<1x64x64xf32>
    %get3A_72 = vector.shape_cast %get3A_71 : vector<1x64x64xf32> to vector<64x64xf32>
    %dot_general3A_73 = arith.constant dense<0.000000e+00> : vector<5000x64xf32>
    %dot_general3A_74 = tpu.matmul %max3A_62, %get3A_72, %dot_general3A_73 {dimension_numbers = #tpu.dot_dimension_numbers<[1], [0], [0], [1], [0, 0, 1, 1], [], []>, precision = #tpu.contract_precision<fp32>, transpose_lhs_hint = false} : vector<5000x64xf32>, vector<64x64xf32>, vector<5000x64xf32> -> vector<5000x64xf32>
    %swap3A_75 = arith.constant 0 : index
    %swap3A_76 = arith.constant 0 : index
    %swap3A_77 = arith.constant 0 : index
    %swap3A_78 = vector.load %arg11[%swap3A_75, %swap3A_76, %swap3A_77] : memref<1x5000x64xf32, #tpu.memory_space<vmem>>, vector<1x5000x64xf32>
    %swap3A_79 = vector.shape_cast %swap3A_78 : vector<1x5000x64xf32> to vector<5000x64xf32>
    %swap3A_80 = vector.shape_cast %dot_general3A_74 : vector<5000x64xf32> to vector<1x5000x64xf32>
    tpu.vector_store %arg11[%swap3A_75, %swap3A_76, %swap3A_77], %swap3A_80 {strides = array<i32>} : memref<1x5000x64xf32, #tpu.memory_space<vmem>>, vector<1x5000x64xf32>,
    return
  }
  func.func @transform_0(%arg0: i32, %arg1: i32) -> (i32, i32, i32) {
    %c0_i32 = arith.constant 0 : i32
    %c0_i32_0 = arith.constant 0 : i32
    return %arg0, %arg1, %c0_i32 : i32, i32, i32
  }
  func.func @transform_1(%arg0: i32, %arg1: i32) -> (i32, i32, i32) {
    %c0_i32 = arith.constant 0 : i32
    %c0_i32_0 = arith.constant 0 : i32
    return %arg0, %arg1, %c0_i32 : i32, i32, i32
  }
  func.func @transform_2(%arg0: i32, %arg1: i32) -> (i32, i32, i32) {
    %c0_i32 = arith.constant 0 : i32
    %c0_i32_0 = arith.constant 0 : i32
    return %arg0, %arg1, %c0_i32 : i32, i32, i32
  }
  func.func @transform_3(%arg0: i32, %arg1: i32) -> (i32, i32, i32) {
    %c0_i32 = arith.constant 0 : i32
    %c0_i32_0 = arith.constant 0 : i32
    %c0_i32_1 = arith.constant 0 : i32
    return %arg0, %c0_i32, %c0_i32_0 : i32, i32, i32
  }
  func.func @transform_4(%arg0: i32, %arg1: i32) -> (i32, i32, i32) {
    %c0_i32 = arith.constant 0 : i32
    %c0_i32_0 = arith.constant 0 : i32
    %c0_i32_1 = arith.constant 0 : i32
    return %arg0, %c0_i32, %c0_i32_0 : i32, i32, i32
  }
  func.func @transform_5(%arg0: i32, %arg1: i32) -> (i32, i32, i32) {
    %c0_i32 = arith.constant 0 : i32
    %c0_i32_0 = arith.constant 0 : i32
    %c0_i32_1 = arith.constant 0 : i32
    return %arg0, %c0_i32, %c0_i32_0 : i32, i32, i32
  }
  func.func @transform_6(%arg0: i32, %arg1: i32) -> (i32, i32, i32) {
    %c0_i32 = arith.constant 0 : i32
    %c0_i32_0 = arith.constant 0 : i32
    %c0_i32_1 = arith.constant 0 : i32
    return %arg0, %c0_i32, %c0_i32_0 : i32, i32, i32
  }
  func.func @transform_7(%arg0: i32, %arg1: i32) -> (i32, i32, i32) {
    %c0_i32 = arith.constant 0 : i32
    %c0_i32_0 = arith.constant 0 : i32
    %c0_i32_1 = arith.constant 0 : i32
    return %arg0, %c0_i32, %c0_i32_0 : i32, i32, i32
  }
  func.func @transform_8(%arg0: i32, %arg1: i32) -> (i32, i32, i32) {
    %c0_i32 = arith.constant 0 : i32
    %c0_i32_0 = arith.constant 0 : i32
    return %arg0, %arg1, %c0_i32 : i32, i32, i32
  }
  func.func @transform_9(%arg0: i32, %arg1: i32) -> (i32, i32, i32) {
    %c0_i32 = arith.constant 0 : i32
    %c0_i32_0 = arith.constant 0 : i32
    return %arg0, %arg1, %c0_i32 : i32, i32, i32
  }
}

module attributes {stable_mosaic.version = 14 : i64} {
  func.func @_post_body(%arg0: i32, %arg1: i32, %arg2: memref<1x5000x64xf32, #tpu.memory_space<vmem>>, %arg3: memref<1x5000x16xf32, #tpu.memory_space<vmem>>, %arg4: memref<1x5000x64xf32, #tpu.memory_space<vmem>>, %arg5: memref<1x64x64xf32, #tpu.memory_space<vmem>>, %arg6: memref<1x1x64xf32, #tpu.memory_space<vmem>>, %arg7: memref<1x1x64xf32, #tpu.memory_space<vmem>>, %arg8: memref<1x1x64xf32, #tpu.memory_space<vmem>>, %arg9: memref<1x64x64xf32, #tpu.memory_space<vmem>>, %arg10: memref<1x5000x64xf32, #tpu.memory_space<vmem>>, %arg11: memref<1x5000x64xf32, #tpu.memory_space<vmem>>) attributes {dimension_semantics = [#tpu.dimension_semantics<parallel>, #tpu.dimension_semantics<parallel>], iteration_bounds = array<i64: 2, 2>, scalar_prefetch = 0 : i64, scratch_operands = 0 : i64, tpu.core_type = #tpu.core_type<tc>, window_params = [{transform_indices = @transform_0, window_bounds = array<i64: 1, 5000, 64>}, {transform_indices = @transform_1, window_bounds = array<i64: 1, 5000, 16>}, {transform_indices = @transform_2, window_bounds = array<i64: 1, 5000, 64>}, {transform_indices = @transform_3, window_bounds = array<i64: 1, 64, 64>}, {transform_indices = @transform_4, window_bounds = array<i64: 1, 1, 64>}, {transform_indices = @transform_5, window_bounds = array<i64: 1, 1, 64>}, {transform_indices = @transform_6, window_bounds = array<i64: 1, 1, 64>}, {transform_indices = @transform_7, window_bounds = array<i64: 1, 64, 64>}, {transform_indices = @transform_8, window_bounds = array<i64: 1, 5000, 64>}, {transform_indices = @transform_9, window_bounds = array<i64: 1, 5000, 64>}]} {
    %get3A = arith.constant 0 : index
    %get3A_0 = arith.constant 0 : index
    %get3A_1 = arith.constant 0 : index
    %get3A_2 = vector.load %arg2[%get3A, %get3A_0, %get3A_1] : memref<1x5000x64xf32, #tpu.memory_space<vmem>>, vector<1x5000x64xf32>
    %get3A_3 = vector.shape_cast %get3A_2 : vector<1x5000x64xf32> to vector<5000x64xf32>
    %get3A_4 = arith.constant 0 : index
    %get3A_5 = arith.constant 0 : index
    %get3A_6 = arith.constant 0 : index
    %get3A_7 = vector.load %arg3[%get3A_4, %get3A_5, %get3A_6] : memref<1x5000x16xf32, #tpu.memory_space<vmem>>, vector<1x5000x16xf32>
    %get3A_8 = vector.shape_cast %get3A_7 : vector<1x5000x16xf32> to vector<5000x16xf32>
    %slice3A = vector.extract_strided_slice %get3A_8 {offsets = [0, 0], sizes = [5000, 1], strides = [1, 1]} : vector<5000x16xf32> to vector<5000x1xf32>
    %max3A = arith.constant 1.000000e+00 : f32
    %max3A_9 = vector.broadcast %max3A : f32 to vector<5000x1xf32>
    %max3A_10 = arith.maximumf %slice3A, %max3A_9 : vector<5000x1xf32>
    %div3A = vector.broadcast %max3A_10 : vector<5000x1xf32> to vector<5000x64xf32>
    %div3A_11 = arith.divf %get3A_3, %div3A : vector<5000x64xf32>
    %get3A_12 = arith.constant 0 : index
    %get3A_13 = arith.constant 0 : index
    %get3A_14 = arith.constant 0 : index
    %get3A_15 = vector.load %arg6[%get3A_12, %get3A_13, %get3A_14] : memref<1x1x64xf32, #tpu.memory_space<vmem>>, vector<1x1x64xf32>
    %get3A_16 = vector.shape_cast %get3A_15 : vector<1x1x64xf32> to vector<1x64xf32>
    %add3A = vector.broadcast %get3A_16 : vector<1x64xf32> to vector<5000x64xf32>
    %add3A_17 = arith.addf %div3A_11, %add3A : vector<5000x64xf32>
    %get3A_18 = arith.constant 0 : index
    %get3A_19 = arith.constant 0 : index
    %get3A_20 = arith.constant 0 : index
    %get3A_21 = vector.load %arg4[%get3A_18, %get3A_19, %get3A_20] : memref<1x5000x64xf32, #tpu.memory_space<vmem>>, vector<1x5000x64xf32>
    %get3A_22 = vector.shape_cast %get3A_21 : vector<1x5000x64xf32> to vector<5000x64xf32>
    %get3A_23 = arith.constant 0 : index
    %get3A_24 = arith.constant 0 : index
    %get3A_25 = arith.constant 0 : index
    %get3A_26 = vector.load %arg5[%get3A_23, %get3A_24, %get3A_25] : memref<1x64x64xf32, #tpu.memory_space<vmem>>, vector<1x64x64xf32>
    %get3A_27 = vector.shape_cast %get3A_26 : vector<1x64x64xf32> to vector<64x64xf32>
    %dot_general3A = arith.constant dense<0.000000e+00> : vector<5000x64xf32>
    %dot_general3A_28 = tpu.matmul %get3A_22, %get3A_27, %dot_general3A {dimension_numbers = #tpu.dot_dimension_numbers<[1], [0], [0], [1], [0, 0, 1, 1], [], []>, precision = #tpu.contract_precision<fp32>, transpose_lhs_hint = false} : vector<5000x64xf32>, vector<64x64xf32>, vector<5000x64xf32> -> vector<5000x64xf32>
    %add3A_29 = arith.addf %add3A_17, %dot_general3A_28 : vector<5000x64xf32>
    %get3A_30 = arith.constant 0 : index
    %get3A_31 = arith.constant 0 : index
    %get3A_32 = arith.constant 0 : index
    %get3A_33 = vector.load %arg7[%get3A_30, %get3A_31, %get3A_32] : memref<1x1x64xf32, #tpu.memory_space<vmem>>, vector<1x1x64xf32>
    %get3A_34 = vector.shape_cast %get3A_33 : vector<1x1x64xf32> to vector<1x64xf32>
    %get3A_35 = arith.constant 0 : index
    %get3A_36 = arith.constant 0 : index
    %get3A_37 = arith.constant 0 : index
    %get3A_38 = vector.load %arg8[%get3A_35, %get3A_36, %get3A_37] : memref<1x1x64xf32, #tpu.memory_space<vmem>>, vector<1x1x64xf32>
    %get3A_39 = vector.shape_cast %get3A_38 : vector<1x1x64xf32> to vector<1x64xf32>
    %reduce_sum3A = arith.constant dense<0.000000e+00> : vector<5000xf32>
    %reduce_sum3A_40 = vector.multi_reduction <add>, %add3A_29, %reduce_sum3A [1] : vector<5000x64xf32> to vector<5000xf32>
    %broadcast_in_dim3A = vector.shape_cast %reduce_sum3A_40 : vector<5000xf32> to vector<5000x1xf32>
    %div3A_41 = arith.constant 6.400000e+01 : f32
    %div3A_42 = vector.broadcast %div3A_41 : f32 to vector<5000x1xf32>
    %div3A_43 = arith.divf %broadcast_in_dim3A, %div3A_42 : vector<5000x1xf32>
    %sub3A = vector.broadcast %div3A_43 : vector<5000x1xf32> to vector<5000x64xf32>
    %sub3A_44 = arith.subf %add3A_29, %sub3A : vector<5000x64xf32>
    %mul3A = arith.mulf %sub3A_44, %sub3A_44 : vector<5000x64xf32>
    %reduce_sum3A_45 = arith.constant dense<0.000000e+00> : vector<5000xf32>
    %reduce_sum3A_46 = vector.multi_reduction <add>, %mul3A, %reduce_sum3A_45 [1] : vector<5000x64xf32> to vector<5000xf32>
    %broadcast_in_dim3A_47 = vector.shape_cast %reduce_sum3A_46 : vector<5000xf32> to vector<5000x1xf32>
    %div3A_48 = arith.constant 6.400000e+01 : f32
    %div3A_49 = vector.broadcast %div3A_48 : f32 to vector<5000x1xf32>
    %div3A_50 = arith.divf %broadcast_in_dim3A_47, %div3A_49 : vector<5000x1xf32>
    %add3A_51 = arith.constant 9.99999974E-6 : f32
    %add3A_52 = vector.broadcast %add3A_51 : f32 to vector<5000x1xf32>
    %add3A_53 = arith.addf %div3A_50, %add3A_52 : vector<5000x1xf32>
    %rsqrt3A = math.rsqrt %add3A_53 : vector<5000x1xf32>
    %mul3A_54 = vector.broadcast %rsqrt3A : vector<5000x1xf32> to vector<5000x64xf32>
    %mul3A_55 = arith.mulf %sub3A_44, %mul3A_54 : vector<5000x64xf32>
    %mul3A_56 = vector.broadcast %get3A_34 : vector<1x64xf32> to vector<5000x64xf32>
    %mul3A_57 = arith.mulf %mul3A_55, %mul3A_56 : vector<5000x64xf32>
    %add3A_58 = vector.broadcast %get3A_39 : vector<1x64xf32> to vector<5000x64xf32>
    %add3A_59 = arith.addf %mul3A_57, %add3A_58 : vector<5000x64xf32>
    %max3A_60 = arith.constant 0.000000e+00 : f32
    %max3A_61 = vector.broadcast %max3A_60 : f32 to vector<5000x64xf32>
    %max3A_62 = arith.maximumf %add3A_59, %max3A_61 : vector<5000x64xf32>
    %swap3A = arith.constant 0 : index
    %swap3A_63 = arith.constant 0 : index
    %swap3A_64 = arith.constant 0 : index
    %swap3A_65 = vector.load %arg10[%swap3A, %swap3A_63, %swap3A_64] : memref<1x5000x64xf32, #tpu.memory_space<vmem>>, vector<1x5000x64xf32>
    %swap3A_66 = vector.shape_cast %swap3A_65 : vector<1x5000x64xf32> to vector<5000x64xf32>
    %swap3A_67 = vector.shape_cast %max3A_62 : vector<5000x64xf32> to vector<1x5000x64xf32>
    tpu.vector_store %arg10[%swap3A, %swap3A_63, %swap3A_64], %swap3A_67 {strides = array<i32>} : memref<1x5000x64xf32, #tpu.memory_space<vmem>>, vector<1x5000x64xf32>,
    %get3A_68 = arith.constant 0 : index
    %get3A_69 = arith.constant 0 : index
    %get3A_70 = arith.constant 0 : index
    %get3A_71 = vector.load %arg9[%get3A_68, %get3A_69, %get3A_70] : memref<1x64x64xf32, #tpu.memory_space<vmem>>, vector<1x64x64xf32>
    %get3A_72 = vector.shape_cast %get3A_71 : vector<1x64x64xf32> to vector<64x64xf32>
    %dot_general3A_73 = arith.constant dense<0.000000e+00> : vector<5000x64xf32>
    %dot_general3A_74 = tpu.matmul %max3A_62, %get3A_72, %dot_general3A_73 {dimension_numbers = #tpu.dot_dimension_numbers<[1], [0], [0], [1], [0, 0, 1, 1], [], []>, precision = #tpu.contract_precision<fp32>, transpose_lhs_hint = false} : vector<5000x64xf32>, vector<64x64xf32>, vector<5000x64xf32> -> vector<5000x64xf32>
    %swap3A_75 = arith.constant 0 : index
    %swap3A_76 = arith.constant 0 : index
    %swap3A_77 = arith.constant 0 : index
    %swap3A_78 = vector.load %arg11[%swap3A_75, %swap3A_76, %swap3A_77] : memref<1x5000x64xf32, #tpu.memory_space<vmem>>, vector<1x5000x64xf32>
    %swap3A_79 = vector.shape_cast %swap3A_78 : vector<1x5000x64xf32> to vector<5000x64xf32>
    %swap3A_80 = vector.shape_cast %dot_general3A_74 : vector<5000x64xf32> to vector<1x5000x64xf32>
    tpu.vector_store %arg11[%swap3A_75, %swap3A_76, %swap3A_77], %swap3A_80 {strides = array<i32>} : memref<1x5000x64xf32, #tpu.memory_space<vmem>>, vector<1x5000x64xf32>,
    return
  }
  func.func @transform_0(%arg0: i32, %arg1: i32) -> (i32, i32, i32) {
    %c0_i32 = arith.constant 0 : i32
    %c0_i32_0 = arith.constant 0 : i32
    return %arg0, %arg1, %c0_i32 : i32, i32, i32
  }
  func.func @transform_1(%arg0: i32, %arg1: i32) -> (i32, i32, i32) {
    %c0_i32 = arith.constant 0 : i32
    %c0_i32_0 = arith.constant 0 : i32
    return %arg0, %arg1, %c0_i32 : i32, i32, i32
  }
  func.func @transform_2(%arg0: i32, %arg1: i32) -> (i32, i32, i32) {
    %c0_i32 = arith.constant 0 : i32
    %c0_i32_0 = arith.constant 0 : i32
    return %arg0, %arg1, %c0_i32 : i32, i32, i32
  }
  func.func @transform_3(%arg0: i32, %arg1: i32) -> (i32, i32, i32) {
    %c0_i32 = arith.constant 0 : i32
    %c0_i32_0 = arith.constant 0 : i32
    %c0_i32_1 = arith.constant 0 : i32
    return %arg0, %c0_i32, %c0_i32_0 : i32, i32, i32
  }
  func.func @transform_4(%arg0: i32, %arg1: i32) -> (i32, i32, i32) {
    %c0_i32 = arith.constant 0 : i32
    %c0_i32_0 = arith.constant 0 : i32
    %c0_i32_1 = arith.constant 0 : i32
    return %arg0, %c0_i32, %c0_i32_0 : i32, i32, i32
  }
  func.func @transform_5(%arg0: i32, %arg1: i32) -> (i32, i32, i32) {
    %c0_i32 = arith.constant 0 : i32
    %c0_i32_0 = arith.constant 0 : i32
    %c0_i32_1 = arith.constant 0 : i32
    return %arg0, %c0_i32, %c0_i32_0 : i32, i32, i32
  }
  func.func @transform_6(%arg0: i32, %arg1: i32) -> (i32, i32, i32) {
    %c0_i32 = arith.constant 0 : i32
    %c0_i32_0 = arith.constant 0 : i32
    %c0_i32_1 = arith.constant 0 : i32
    return %arg0, %c0_i32, %c0_i32_0 : i32, i32, i32
  }
  func.func @transform_7(%arg0: i32, %arg1: i32) -> (i32, i32, i32) {
    %c0_i32 = arith.constant 0 : i32
    %c0_i32_0 = arith.constant 0 : i32
    %c0_i32_1 = arith.constant 0 : i32
    return %arg0, %c0_i32, %c0_i32_0 : i32, i32, i32
  }
  func.func @transform_8(%arg0: i32, %arg1: i32) -> (i32, i32, i32) {
    %c0_i32 = arith.constant 0 : i32
    %c0_i32_0 = arith.constant 0 : i32
    return %arg0, %arg1, %c0_i32 : i32, i32, i32
  }
  func.func @transform_9(%arg0: i32, %arg1: i32) -> (i32, i32, i32) {
    %c0_i32 = arith.constant 0 : i32
    %c0_i32_0 = arith.constant 0 : i32
    return %arg0, %arg1, %c0_i32 : i32, i32, i32
  }
}

module attributes {stable_mosaic.version = 14 : i64} {
  func.func @_final_body(%arg0: memref<2x10000x64xf32, #tpu.memory_space<vmem>>, %arg1: memref<2x1x10000xi32, #tpu.memory_space<vmem>>, %arg2: memref<64x64xf32, #tpu.memory_space<vmem>>, %arg3: memref<1x64xf32, #tpu.memory_space<vmem>>, %arg4: memref<1x64xf32, #tpu.memory_space<vmem>>, %arg5: memref<64x32xf32, #tpu.memory_space<vmem>>, %arg6: memref<1x32xf32, #tpu.memory_space<vmem>>, %arg7: memref<32x2xf32, #tpu.memory_space<vmem>>, %arg8: memref<1x2xf32, #tpu.memory_space<vmem>>, %arg9: memref<16x2xf32, #tpu.memory_space<vmem>>, %arg10: memref<16x64xf32, #tpu.memory_space<vmem>>, %arg11: memref<16x2xf32, #tpu.memory_space<vmem>>, %arg12: memref<16x64xf32, #tpu.memory_space<vmem>>, %arg13: memref<16x64xf32, #tpu.memory_space<vmem>>) attributes {dimension_semantics = [], scalar_prefetch = 0 : i64, scratch_operands = 0 : i64, tpu.core_type = #tpu.core_type<tc>} {
    %iota3A = tpu.iota {dimensions = array<i32: 0>} : vector<16x10000xi32>
    %get3A = arith.constant 0 : index
    %get3A_0 = arith.constant 0 : index
    %get3A_1 = arith.constant 0 : index
    %get3A_2 = vector.load %arg1[%get3A, %get3A_0, %get3A_1] : memref<2x1x10000xi32, #tpu.memory_space<vmem>>, vector<1x1x10000xi32>
    %get3A_3 = vector.shape_cast %get3A_2 : vector<1x1x10000xi32> to vector<1x10000xi32>
    %eq3A = vector.broadcast %get3A_3 : vector<1x10000xi32> to vector<16x10000xi32>
    %eq3A_4 = arith.cmpi eq, %iota3A, %eq3A : vector<16x10000xi32>
    %convert_element_type3A = arith.extui %eq3A_4 : vector<16x10000xi1> to vector<16x10000xi32>
    %convert_element_type3A_5 = arith.sitofp %convert_element_type3A : vector<16x10000xi32> to vector<16x10000xf32>
    %get3A_6 = arith.constant 0 : index
    %get3A_7 = arith.constant 0 : index
    %get3A_8 = arith.constant 0 : index
    %get3A_9 = vector.load %arg0[%get3A_6, %get3A_7, %get3A_8] : memref<2x10000x64xf32, #tpu.memory_space<vmem>>, vector<1x10000x64xf32>
    %get3A_10 = vector.shape_cast %get3A_9 : vector<1x10000x64xf32> to vector<10000x64xf32>
    %dot_general3A = arith.constant dense<0.000000e+00> : vector<16x64xf32>
    %dot_general3A_11 = tpu.matmul %convert_element_type3A_5, %get3A_10, %dot_general3A {dimension_numbers = #tpu.dot_dimension_numbers<[1], [0], [0], [1], [0, 0, 1, 1], [], []>, precision = #tpu.contract_precision<fp32>, transpose_lhs_hint = false} : vector<16x10000xf32>, vector<10000x64xf32>, vector<16x64xf32> -> vector<16x64xf32>
    %reduce_sum3A = arith.constant dense<0.000000e+00> : vector<16xf32>
    %reduce_sum3A_12 = vector.multi_reduction <add>, %convert_element_type3A_5, %reduce_sum3A [1] : vector<16x10000xf32> to vector<16xf32>
    %broadcast_in_dim3A = vector.shape_cast %reduce_sum3A_12 : vector<16xf32> to vector<16x1xf32>
    %max3A = arith.constant 1.000000e+00 : f32
    %max3A_13 = vector.broadcast %max3A : f32 to vector<16x1xf32>
    %max3A_14 = arith.maximumf %broadcast_in_dim3A, %max3A_13 : vector<16x1xf32>
    %div3A = vector.broadcast %max3A_14 : vector<16x1xf32> to vector<16x64xf32>
    %div3A_15 = arith.divf %dot_general3A_11, %div3A : vector<16x64xf32>
    %iota3A_16 = tpu.iota {dimensions = array<i32: 0>} : vector<16x10000xi32>
    %get3A_17 = arith.constant 1 : index
    %get3A_18 = arith.constant 0 : index
    %get3A_19 = arith.constant 0 : index
    %get3A_20 = vector.load %arg1[%get3A_17, %get3A_18, %get3A_19] : memref<2x1x10000xi32, #tpu.memory_space<vmem>>, vector<1x1x10000xi32>
    %get3A_21 = vector.shape_cast %get3A_20 : vector<1x1x10000xi32> to vector<1x10000xi32>
    %eq3A_22 = vector.broadcast %get3A_21 : vector<1x10000xi32> to vector<16x10000xi32>
    %eq3A_23 = arith.cmpi eq, %iota3A_16, %eq3A_22 : vector<16x10000xi32>
    %convert_element_type3A_24 = arith.extui %eq3A_23 : vector<16x10000xi1> to vector<16x10000xi32>
    %convert_element_type3A_25 = arith.sitofp %convert_element_type3A_24 : vector<16x10000xi32> to vector<16x10000xf32>
    %get3A_26 = arith.constant 1 : index
    %get3A_27 = arith.constant 0 : index
    %get3A_28 = arith.constant 0 : index
    %get3A_29 = vector.load %arg0[%get3A_26, %get3A_27, %get3A_28] : memref<2x10000x64xf32, #tpu.memory_space<vmem>>, vector<1x10000x64xf32>
    %get3A_30 = vector.shape_cast %get3A_29 : vector<1x10000x64xf32> to vector<10000x64xf32>
    %dot_general3A_31 = arith.constant dense<0.000000e+00> : vector<16x64xf32>
    %dot_general3A_32 = tpu.matmul %convert_element_type3A_25, %get3A_30, %dot_general3A_31 {dimension_numbers = #tpu.dot_dimension_numbers<[1], [0], [0], [1], [0, 0, 1, 1], [], []>, precision = #tpu.contract_precision<fp32>, transpose_lhs_hint = false} : vector<16x10000xf32>, vector<10000x64xf32>, vector<16x64xf32> -> vector<16x64xf32>
    %reduce_sum3A_33 = arith.constant dense<0.000000e+00> : vector<16xf32>
    %reduce_sum3A_34 = vector.multi_reduction <add>, %convert_element_type3A_25, %reduce_sum3A_33 [1] : vector<16x10000xf32> to vector<16xf32>
    %broadcast_in_dim3A_35 = vector.shape_cast %reduce_sum3A_34 : vector<16xf32> to vector<16x1xf32>
    %max3A_36 = arith.constant 1.000000e+00 : f32
    %max3A_37 = vector.broadcast %max3A_36 : f32 to vector<16x1xf32>
    %max3A_38 = arith.maximumf %broadcast_in_dim3A_35, %max3A_37 : vector<16x1xf32>
    %div3A_39 = vector.broadcast %max3A_38 : vector<16x1xf32> to vector<16x64xf32>
    %div3A_40 = arith.divf %dot_general3A_32, %div3A_39 : vector<16x64xf32>
    %swap3A = arith.constant 0 : index
    %swap3A_41 = arith.constant 0 : index
    %swap3A_42 = vector.load %arg12[%swap3A, %swap3A_41] : memref<16x64xf32, #tpu.memory_space<vmem>>, vector<16x64xf32>
    tpu.vector_store %arg12[%swap3A, %swap3A_41], %div3A_15 {strides = array<i32>} : memref<16x64xf32, #tpu.memory_space<vmem>>, vector<16x64xf32>,
    %swap3A_43 = arith.constant 0 : index
    %swap3A_44 = arith.constant 0 : index
    %swap3A_45 = vector.load %arg13[%swap3A_43, %swap3A_44] : memref<16x64xf32, #tpu.memory_space<vmem>>, vector<16x64xf32>
    tpu.vector_store %arg13[%swap3A_43, %swap3A_44], %div3A_40 {strides = array<i32>} : memref<16x64xf32, #tpu.memory_space<vmem>>, vector<16x64xf32>,
    %get3A_46 = arith.constant 0 : index
    %get3A_47 = arith.constant 0 : index
    %get3A_48 = vector.load %arg2[%get3A_46, %get3A_47] : memref<64x64xf32, #tpu.memory_space<vmem>>, vector<64x64xf32>
    %dot_general3A_49 = arith.constant dense<0.000000e+00> : vector<16x64xf32>
    %dot_general3A_50 = tpu.matmul %div3A_15, %get3A_48, %dot_general3A_49 {dimension_numbers = #tpu.dot_dimension_numbers<[1], [0], [0], [1], [0, 0, 1, 1], [], []>, precision = #tpu.contract_precision<fp32>, transpose_lhs_hint = false} : vector<16x64xf32>, vector<64x64xf32>, vector<16x64xf32> -> vector<16x64xf32>
    %get3A_51 = arith.constant 0 : index
    %get3A_52 = arith.constant 0 : index
    %get3A_53 = vector.load %arg3[%get3A_51, %get3A_52] : memref<1x64xf32, #tpu.memory_space<vmem>>, vector<1x64xf32>
    %add3A = vector.broadcast %get3A_53 : vector<1x64xf32> to vector<16x64xf32>
    %add3A_54 = arith.addf %dot_general3A_50, %add3A : vector<16x64xf32>
    %get3A_55 = arith.constant 0 : index
    %get3A_56 = arith.constant 0 : index
    %get3A_57 = vector.load %arg4[%get3A_55, %get3A_56] : memref<1x64xf32, #tpu.memory_space<vmem>>, vector<1x64xf32>
    %mul3A = vector.broadcast %get3A_57 : vector<1x64xf32> to vector<16x64xf32>
    %mul3A_58 = arith.mulf %add3A_54, %mul3A : vector<16x64xf32>
    %reduce_sum3A_59 = arith.constant dense<0.000000e+00> : vector<16xf32>
    %reduce_sum3A_60 = vector.multi_reduction <add>, %mul3A_58, %reduce_sum3A_59 [1] : vector<16x64xf32> to vector<16xf32>
    %broadcast_in_dim3A_61 = vector.shape_cast %reduce_sum3A_60 : vector<16xf32> to vector<16x1xf32>
    %mul3A_62 = arith.constant 1.250000e-01 : f32
    %mul3A_63 = vector.broadcast %mul3A_62 : f32 to vector<16x1xf32>
    %mul3A_64 = arith.mulf %broadcast_in_dim3A_61, %mul3A_63 : vector<16x1xf32>
    %get3A_65 = arith.constant 0 : index
    %get3A_66 = arith.constant 0 : index
    %get3A_67 = vector.load %arg2[%get3A_65, %get3A_66] : memref<64x64xf32, #tpu.memory_space<vmem>>, vector<64x64xf32>
    %dot_general3A_68 = arith.constant dense<0.000000e+00> : vector<16x64xf32>
    %dot_general3A_69 = tpu.matmul %div3A_40, %get3A_67, %dot_general3A_68 {dimension_numbers = #tpu.dot_dimension_numbers<[1], [0], [0], [1], [0, 0, 1, 1], [], []>, precision = #tpu.contract_precision<fp32>, transpose_lhs_hint = false} : vector<16x64xf32>, vector<64x64xf32>, vector<16x64xf32> -> vector<16x64xf32>
    %get3A_70 = arith.constant 0 : index
    %get3A_71 = arith.constant 0 : index
    %get3A_72 = vector.load %arg3[%get3A_70, %get3A_71] : memref<1x64xf32, #tpu.memory_space<vmem>>, vector<1x64xf32>
    %add3A_73 = vector.broadcast %get3A_72 : vector<1x64xf32> to vector<16x64xf32>
    %add3A_74 = arith.addf %dot_general3A_69, %add3A_73 : vector<16x64xf32>
    %get3A_75 = arith.constant 0 : index
    %get3A_76 = arith.constant 0 : index
    %get3A_77 = vector.load %arg4[%get3A_75, %get3A_76] : memref<1x64xf32, #tpu.memory_space<vmem>>, vector<1x64xf32>
    %mul3A_78 = vector.broadcast %get3A_77 : vector<1x64xf32> to vector<16x64xf32>
    %mul3A_79 = arith.mulf %add3A_74, %mul3A_78 : vector<16x64xf32>
    %reduce_sum3A_80 = arith.constant dense<0.000000e+00> : vector<16xf32>
    %reduce_sum3A_81 = vector.multi_reduction <add>, %mul3A_79, %reduce_sum3A_80 [1] : vector<16x64xf32> to vector<16xf32>
    %broadcast_in_dim3A_82 = vector.shape_cast %reduce_sum3A_81 : vector<16xf32> to vector<16x1xf32>
    %mul3A_83 = arith.constant 1.250000e-01 : f32
    %mul3A_84 = vector.broadcast %mul3A_83 : f32 to vector<16x1xf32>
    %mul3A_85 = arith.mulf %broadcast_in_dim3A_82, %mul3A_84 : vector<16x1xf32>
    %max3A_86 = arith.maximumf %mul3A_64, %mul3A_85 : vector<16x1xf32>
    %sub3A = arith.subf %mul3A_64, %max3A_86 : vector<16x1xf32>
    %exp3A = math.exp %sub3A : vector<16x1xf32>
    %sub3A_87 = arith.subf %mul3A_85, %max3A_86 : vector<16x1xf32>
    %exp3A_88 = math.exp %sub3A_87 : vector<16x1xf32>
    %add3A_89 = arith.addf %exp3A, %exp3A_88 : vector<16x1xf32>
    %div3A_90 = arith.divf %exp3A, %add3A_89 : vector<16x1xf32>
    %div3A_91 = arith.divf %exp3A_88, %add3A_89 : vector<16x1xf32>
    %concatenate3A = tpu.concatenate %div3A_90, %div3A_91 in 1 : vector<16x1xf32>, vector<16x1xf32> -> vector<16x2xf32>
    %swap3A_92 = arith.constant 0 : index
    %swap3A_93 = arith.constant 0 : index
    %swap3A_94 = vector.load %arg11[%swap3A_92, %swap3A_93] : memref<16x2xf32, #tpu.memory_space<vmem>>, vector<16x2xf32>
    tpu.vector_store %arg11[%swap3A_92, %swap3A_93], %concatenate3A {strides = array<i32>} : memref<16x2xf32, #tpu.memory_space<vmem>>, vector<16x2xf32>,
    %mul3A_95 = vector.broadcast %div3A_90 : vector<16x1xf32> to vector<16x64xf32>
    %mul3A_96 = arith.mulf %mul3A_95, %div3A_15 : vector<16x64xf32>
    %mul3A_97 = vector.broadcast %div3A_91 : vector<16x1xf32> to vector<16x64xf32>
    %mul3A_98 = arith.mulf %mul3A_97, %div3A_40 : vector<16x64xf32>
    %add3A_99 = arith.addf %mul3A_96, %mul3A_98 : vector<16x64xf32>
    %swap3A_100 = arith.constant 0 : index
    %swap3A_101 = arith.constant 0 : index
    %swap3A_102 = vector.load %arg10[%swap3A_100, %swap3A_101] : memref<16x64xf32, #tpu.memory_space<vmem>>, vector<16x64xf32>
    tpu.vector_store %arg10[%swap3A_100, %swap3A_101], %add3A_99 {strides = array<i32>} : memref<16x64xf32, #tpu.memory_space<vmem>>, vector<16x64xf32>,
    %get3A_103 = arith.constant 0 : index
    %get3A_104 = arith.constant 0 : index
    %get3A_105 = vector.load %arg5[%get3A_103, %get3A_104] : memref<64x32xf32, #tpu.memory_space<vmem>>, vector<64x32xf32>
    %dot_general3A_106 = arith.constant dense<0.000000e+00> : vector<16x32xf32>
    %dot_general3A_107 = tpu.matmul %add3A_99, %get3A_105, %dot_general3A_106 {dimension_numbers = #tpu.dot_dimension_numbers<[1], [0], [0], [1], [0, 0, 1, 1], [], []>, precision = #tpu.contract_precision<fp32>, transpose_lhs_hint = false} : vector<16x64xf32>, vector<64x32xf32>, vector<16x32xf32> -> vector<16x32xf32>
    %get3A_108 = arith.constant 0 : index
    %get3A_109 = arith.constant 0 : index
    %get3A_110 = vector.load %arg6[%get3A_108, %get3A_109] : memref<1x32xf32, #tpu.memory_space<vmem>>, vector<1x32xf32>
    %add3A_111 = vector.broadcast %get3A_110 : vector<1x32xf32> to vector<16x32xf32>
    %add3A_112 = arith.addf %dot_general3A_107, %add3A_111 : vector<16x32xf32>
    %max3A_113 = arith.constant 0.000000e+00 : f32
    %max3A_114 = vector.broadcast %max3A_113 : f32 to vector<16x32xf32>
    %max3A_115 = arith.maximumf %add3A_112, %max3A_114 : vector<16x32xf32>
    %get3A_116 = arith.constant 0 : index
    %get3A_117 = arith.constant 0 : index
    %get3A_118 = vector.load %arg7[%get3A_116, %get3A_117] : memref<32x2xf32, #tpu.memory_space<vmem>>, vector<32x2xf32>
    %dot_general3A_119 = arith.constant dense<0.000000e+00> : vector<16x2xf32>
    %dot_general3A_120 = tpu.matmul %max3A_115, %get3A_118, %dot_general3A_119 {dimension_numbers = #tpu.dot_dimension_numbers<[1], [0], [0], [1], [0, 0, 1, 1], [], []>, precision = #tpu.contract_precision<fp32>, transpose_lhs_hint = false} : vector<16x32xf32>, vector<32x2xf32>, vector<16x2xf32> -> vector<16x2xf32>
    %get3A_121 = arith.constant 0 : index
    %get3A_122 = arith.constant 0 : index
    %get3A_123 = vector.load %arg8[%get3A_121, %get3A_122] : memref<1x2xf32, #tpu.memory_space<vmem>>, vector<1x2xf32>
    %add3A_124 = vector.broadcast %get3A_123 : vector<1x2xf32> to vector<16x2xf32>
    %add3A_125 = arith.addf %dot_general3A_120, %add3A_124 : vector<16x2xf32>
    %swap3A_126 = arith.constant 0 : index
    %swap3A_127 = arith.constant 0 : index
    %swap3A_128 = vector.load %arg9[%swap3A_126, %swap3A_127] : memref<16x2xf32, #tpu.memory_space<vmem>>, vector<16x2xf32>
    tpu.vector_store %arg9[%swap3A_126, %swap3A_127], %add3A_125 {strides = array<i32>} : memref<16x2xf32, #tpu.memory_space<vmem>>, vector<16x2xf32>,
    return
  }
}

</mosaic_0001>

<sc_bundles>
// kernel: kernel.10.cloned.1.call-start
scs
__scs_entry_jumppad:
0x0: {  	(pc) =	sbr.rel $0x88, $3  }
0x1: {  	(tag) =	ssettag $0x0;
	lr =	simm.s32 $0x1  }
0x2: {  	[smem:$0x3F76] =	sst lr;
	_ =	strace $0xD0000000  }
0x3: {  	_ = 	snop  }
0x4: {  	_ = 	snop  }
0x5: {  	_ = 	snop  }
0x6: {  	_ = 	snop  }
0x7: {  	_ = 	snop  }
__scs_overlays_trampoline_lowered:
0x8: {  	[smem:$0x3F85] =	sst s0  }
0x9: {  	[smem:$0x3F86] =	sst s1  }
0xa: {  	[smem:$0x3F87] =	sst s2  }
0xb: {  	[smem:$0x3F88] =	sst s3  }
0xc: {  	[smem:$0x3F89] =	sst s4  }
0xd: {  	[smem:$0x3F8A] =	sst s5  }
0xe: {  	[smem:$0x3F8B] =	sst s6  }
0xf: {  	[smem:$0x3F8C] =	sst s7  }
0x10: {  	[smem:$0x3F8D] =	sst s8  }
0x11: {  	[smem:$0x3F8E] =	sst s9;
	s0 =	simm.s32 @!p0 $0x0  }
0x12: {  	s1 =	sld [smem:$0x3F74];
	s0 =	simm.s32 @p0 $0x1  }
0x13: {  	[smem:$0x3F8F] =	sst s0;
	s0 =	simm.s32 @!p1 $0x0  }
0x14: {  	s2 =	sld [smem:$0x3F73];
	s0 =	simm.s32 @p1 $0x1  }
0x15: {  	[smem:$0x3F90] =	sst s0;
	s0 =	simm.s32 @!p2 $0x0  }
0x16: {  	s3 =	sld [smem:$0x3FDB];
	s0 =	simm.s32 @p2 $0x1  }
0x17: {  	s4 =	simm.s32 $0x1BF5;
	[smem:$0x3F92] =	sst s0  }
0x18: {  	s0 =	sld [smem:$0x3F75];
	_ =	swait.ge [sflag:s4], $0x0  }
0x19: {  	s7 =	sld [smem:$0x3F76]  }
0x1a: {  	s8 =	sadd.s32 $0xFFFFE003, lr  }
0x1b: {  	s9 =	sadd.s32 $0xFFFFFEF7, lr;
	s5 =	simm.s32 $0xFFFFFFFF;
	p2 =	slt.u32 s8, $0xFFFFF086  }
0x1c: {  	p1 =	slt.u32 s9, $0xF7A;
	s5 =	simm.s32 @!p2 $0x0  }
0x1d: {  	s5 =	simm.s32 @p1 $0x1;
	p0 =	seq.s32 s7, s2  }
0x1e: {  	s7 =	smul.u32 @!p0 $0xF7A, s2;
	p2 =	seq.s32 @!p0 s5, $0x0  }
0x1f: {  	s9 =	smul.u32 $0xF7A, s1;
	s8 =	simm.s32 @!p0 $0x1BF5;
	p2 =	por !p2, p0  }
0x20: {  	[sflag:s8] =	ssyncset.s32 @!p0 $0xFFFFF086;
	s6 =	sadd.s32 @!p0 s3, s7;
	s7 =	simm.s32 @!p0 $0x108  }
0x21: {  	s3 =	sadd.s32 s3, s9;
	s6 =	sadd.s32 @!p0 $0x88, s6;
	s7 =	simm.s32 @p2 $0x1082  }
0x22: {  	[simem:s7], [sflag:s8] =	dma.local @!p0 [hbm:s6], $0xF7A  }
0x23: {  	s9 =	sor.u32 $0xD0000000, s2;
	s6 =	simm.s32 $0x108;
	_ =	swait.ge @!p0 [sflag:s8], $0x0  }
0x24: {  	s3 =	sadd.s32 $0x88, s3;
	s6 =	simm.s32 @!p1 $0x1082;
	[sflag:s4] =	ssyncset.s32 $0xFFFFF086  }
0x25: {  	[simem:s6], [sflag:s4] =	dma.local [hbm:s3], $0xF7A  }
0x26: {  	[smem:$0x3F76] =	sst s1;
	(tag) =	ssettag s2;
	_ =	strace s9  }
0x27: {  	s1 =	sld [smem:$0x3F86]  }
0x28: {  	s2 =	sld [smem:$0x3F87]  }
0x29: {  	s4 =	sld [smem:$0x3F89]  }
0x2a: {  	p0 =	seq.s32 s5, $0x0;
	s5 =	sld [smem:$0x3F8A]  }
0x2b: {  	s6 =	sld [smem:$0x3F8B]  }
0x2c: {  	s7 =	sld [smem:$0x3F8C]  }
0x2d: {  	s3 =	simm.s32 $0x108;
	s8 =	sld [smem:$0x3F8D]  }
0x2e: {  	s3 =	simm.s32 @!p0 $0x1082;
	s9 =	sld [smem:$0x3F8E]  }
0x2f: {  	lr =	sadd.s32 s0, s3;
	s0 =	sld [smem:$0x3F85]  }
0x30: {  	s3 =	sld [smem:$0x3F88]  }
0x31: {  	[smem:$0x3F91] =	sst s10  }
0x32: {  	s10 =	sld [smem:$0x3F8F];
	_ =	sdelay $0x3  }
0x33: {  	p0 =	seq.s32 s10, $0x1;
	s10 =	sld [smem:$0x3F91];
	_ =	sdelay $0x3  }
0x34: {  	[smem:$0x3F91] =	sst s10  }
0x35: {  	s10 =	sld [smem:$0x3F90];
	_ =	sdelay $0x3  }
0x36: {  	p1 =	seq.s32 s10, $0x1;
	s10 =	sld [smem:$0x3F91];
	_ =	sdelay $0x3  }
0x37: {  	[smem:$0x3F91] =	sst s10  }
0x38: {  	s10 =	sld [smem:$0x3F92]  }
0x39: {  	_ = 	snop;
	(pc) =	sbr.ind lr, $3  }
0x3a: {  	_ = 	snop  }
0x3b: {  	_ = 	snop  }
0x3c: {  	p2 =	seq.s32 s10, $0x1;
	s10 =	sld [smem:$0x3F91]  }
0x3d: {  	_ =	shalt  }
0x3e: {  	_ =	shalt  }
0x3f: {  	_ =	shalt  }
0x40: {  	_ =	shalt  }
0x41: {  	_ =	shalt  }
0x42: {  	_ =	shalt  }
0x43: {  	_ =	shalt  }
0x44: {  	_ =	shalt  }
0x45: {  	_ =	shalt  }
0x46: {  	_ =	shalt  }
0x47: {  	_ =	shalt  }
0x48: {  	_ =	shalt  }
0x49: {  	_ =	shalt  }
0x4a: {  	_ =	shalt  }
0x4b: {  	_ =	shalt  }
0x4c: {  	_ =	shalt  }
0x4d: {  	_ =	shalt  }
0x4e: {  	_ =	shalt  }
0x4f: {  	_ =	shalt  }
0x50: {  	_ =	shalt  }
0x51: {  	_ =	shalt  }
0x52: {  	_ =	shalt  }
0x53: {  	_ =	shalt  }
0x54: {  	_ =	shalt  }
0x55: {  	_ =	shalt  }
0x56: {  	_ =	shalt  }
0x57: {  	_ =	shalt  }
0x58: {  	_ =	shalt  }
0x59: {  	_ =	shalt  }
0x5a: {  	_ =	shalt  }
0x5b: {  	_ =	shalt  }
0x5c: {  	_ =	shalt  }
0x5d: {  	_ =	shalt  }
0x5e: {  	_ =	shalt  }
0x5f: {  	_ =	shalt  }
0x60: {  	_ =	shalt  }
0x61: {  	_ =	shalt  }
0x62: {  	_ =	shalt  }
0x63: {  	_ =	shalt  }
0x64: {  	_ =	shalt  }
0x65: {  	_ =	shalt  }
0x66: {  	_ =	shalt  }
0x67: {  	_ =	shalt  }
0x68: {  	_ =	shalt  }
0x69: {  	_ =	shalt  }
0x6a: {  	_ =	shalt  }
0x6b: {  	_ =	shalt  }
0x6c: {  	_ =	shalt  }
0x6d: {  	_ =	shalt  }
0x6e: {  	_ =	shalt  }
0x6f: {  	_ =	shalt  }
0x70: {  	_ =	shalt  }
0x71: {  	_ =	shalt  }
0x72: {  	_ =	shalt  }
0x73: {  	_ =	shalt  }
0x74: {  	_ =	shalt  }
0x75: {  	_ =	shalt  }
0x76: {  	_ =	shalt  }
0x77: {  	_ =	shalt  }
0x78: {  	_ =	shalt  }
0x79: {  	_ =	shalt  }
0x7a: {  	_ =	shalt  }
0x7b: {  	_ =	shalt  }
0x7c: {  	_ =	shalt  }
0x7d: {  	_ =	shalt  }
0x7e: {  	_ =	shalt  }
0x7f: {  	_ =	shalt  }
0x80: {  	_ =	shalt  }
0x81: {  	_ =	shalt  }
0x82: {  	_ =	shalt  }
0x83: {  	_ =	shalt  }
0x84: {  	_ =	shalt  }
0x85: {  	_ =	shalt  }
0x86: {  	_ =	shalt  }
0x87: {  	_ =	shalt  }
.Lfunc_end0:
.L_simem_size_0:
called_computation_lowered:
.L_overlay_start_0:
0x88: {  	s2 =	sld [smem:$0x3FD9]  }
0x89: {  	s3 =	sld [smem:$0x3FFE];
	_ =	sdelay $0x1  }
0x8a: {  	s1 =	srdreg.scid  }
0x8b: {  	s0 =	sand.u32 $0x1, s1  }
0x8c: {  	s16 =	sshll.u32 s0, $0xA;
	s2 =	sadd.s32 s3, s2  }
0x8d: {  	s2 =	sadd.s32 s2, s16  }
0x8e: {  	[smem:$0x3F9D] =	sst s2  }
0x8f: {  	_ = 	snop  }
0x90: {  	(tm) =	ssettm $0x1  }
0x91: {  	s17 =	sld [smem:$0x3FFB];
	_ =	sdelay $0x3  }
0x92: {  	_ =	strace s17  }
0x93: {  	s2 =	sld [smem:$0x3FFC];
	_ =	sdelay $0x3  }
0x94: {  	_ =	strace s2  }
0x95: {  	s2 =	sld [smem:$0x3FFD];
	_ =	sdelay $0x3  }
0x96: {  	_ =	strace s2  }
0x97: {  	_ =	strace $0x8FFFFFFF  }
0x98: {  	s18 =	sld [smem:$0x3FDB];
	_ =	sdelay $0x1  }
0x99: {  	s19 =	simm.s32 $_scs_section_size  }
0x9a: {  	s4 =	simm.s32 $_size__tile_overlayer_lowered;
	s5 =	simm.s32 $_tile_overlayer_lowered  }
0x9b: {  	s22 =	simm.s32 $0x1BFF;
	s21 =	sshll.u32 s5, $0x1;
	s2 =	sadd.s32 s19, s18  }
0x9c: {  	s6 =	simm.s32 $0x0;
	s20 =	sshll.u32 s4, $0x1;
	s4 =	sadd.s32 s21, s2  }
0x9d: {  	[timem:s6], [sflag:s22] =	dma.local [hbm:s4], s20  }
0x9e: {  	_ =	swait.ge [sflag:s22], s20  }
0x9f: {  	s3 =	ssub.s32 $0x0, s20;
	[sflag:s22] =	ssyncset.done $0x0  }
0xa0: {  	[sflag:s22] =	ssyncadd.s32 s3;
	_ =	sdelay $0x1  }
0xa1: {  	s23 =	simm.s32 $0x1B8B  }
0xa2: {  	_ =	swait.ge [sflag:s23], $0x1  }
0xa3: {  	[sflag:s23] =	ssyncset.done $0x0  }
0xa4: {  	s25 =	simm.s32 $0x1B8E;
	s24 =	sld [smem:$0x3FFE];
	[sflag:s23] =	ssyncadd.s32 $0xFFFFFFFF  }
0xa5: {  	s26 =	simm.s32 $execute0_lowered;
	[smem:$0x3FD2] =	sst s25  }
0xa6: {  	s4 =	sshll.u32 s26, $0x1;
	_ =	strace $0x80000046;
	[dreg:$0x1] =	wrdreg $0xFFFFFFFF  }
0xa7: {  	s28 =	simm.s32 $_size_execute0_lowered;
	s2 =	sadd.s32 s2, s4;
	[dreg:$0x0] =	wrdreg $0x0  }
0xa8: {  	s4 =	sshll.u32 s28, $0x1;
	[dreg:$0x2] =	wrdreg s2  }
0xa9: {  	[dreg:$0x3] =	wrdreg s4  }
0xaa: {  	[dreg:$0x4] =	wrdreg $0xC0  }
0xab: {  	_ =	task [dreg:s6], $0x5FFFF  }
0xac: {  	[dreg:$0x1] =	wrdreg $0xFFFFFFFF  }
0xad: {  	[dreg:$0x0] =	wrdreg $0x60  }
0xae: {  	[dreg:$0x2] =	wrdreg s24  }
0xaf: {  	[dreg:$0x3] =	wrdreg $0xEF000  }
0xb0: {  	[dreg:$0x4] =	wrdreg $0x18F000  }
0xb1: {  	[dreg:$0x5] =	wrdreg $0x9  }
0xb2: {  	_ =	task.clear_ibuf [dreg:s6], $0x6FFFF;
	_ =	strace $0x90000046  }
0xb3: {  	s29 =	simm.s32 $0x9;
	_ =	strace $0x80000048  }
0xb4: {  	_ =	swait.ge [sflag:s29], $0x1  }
0xb5: {  	[sflag:s29] =	ssyncadd.s32 $0xFFFFFFFF  }
0xb6: {  	_ =	strace $0x90000048  }
0xb7: {  	_ =	sfence  }
0xb8: {  	s30 =	sld [smem:$0x0];
	_ =	sdelay $0x2  }
0xb9: {  	s31 =	sshll.u32 s1, $0xD;
	s1 =	sshrl.u32 s1, $0x2  }
0xba: {  	s3 =	sand.u32 $0x4000, s31;
	s1 =	sadd.s32 s1, s30  }
0xbb: {  	s0 =	sor.u32 s3, s0;
	s1 =	sshll.u32 s1, $0x11  }
0xbc: {  	s0 =	sor.u32 s1, s0  }
0xbd: {  	s0 =	sadd.s32 $0x8F2B, s0  }
0xbe: {  	[sflag:s0] =	ssyncadd.remote.s32 $0x1  }
0xbf: {  	_ =	sfence.sel $0xFFFF  }
0xc0: {  	[dreg:$0x0] =	wrdreg $0xFFFFFFFF;
	(pc) =	sbr.abs _section_cstart, $3  }
0xc1: {  	[dreg:$0x1] =	wrdreg $0xFFFFFFFF  }
0xc2: {  	_ =	task.clear_ibuf [dreg:s6], $0x2FFFF;
	_ =	strace $0x9FFFFFFF  }
0xc3: {  	(tm) =	ssettm $0x7FFFFFFF  }
tec
execute0_lowered:
.L_overlay_start_1:
0x0: {  	(tag) =	ssettag $0x1  }
0x1: {  	s11 =	stileid.u32  }
0x2: {  	s5 =	smul.u32 $0x4E80, s11  }
0x3: {  	s0 =	rddreg [dreg:$0x0];
	s6 =	smul.u32 $0xA000, s11  }
0x4: {  	s1 =	srdreg.scid;
	s10 =	smul.u32 $0x2800, s11  }
0x5: {  	s2 =	rddreg [dreg:$0x1];
	s1 =	sand.u32 $0x1, s1;
	s11 =	smul.u32 $0x28000, s11  }
0x6: {  	s3 =	rddreg [dreg:$0x2];
	s7 =	simm.s32 $0x0;
	s4 =	smul.u32 $0x4E800, s1  }
0x7: {  	[smem:$0x7FF] =	sst s7;
	s26 =	smul.u32 $0xA0000, s1  }
0x8: {  	_ =	strace $0x80000047;
	s8 =	smul.u32 $0x28000, s1;
	s1 =	ssub.s32 $0x2, s1  }
0x9: {  	s9 =	sshrl.u32 s1, $0x1;
	s12 =	sshrl.u32 s6, $0x2;
	s15 =	sadd.s32 s6, s2  }
0xa: {  	s4 =	sadd.s32 s5, s4;
	s7 =	sadd.s32 s6, s26;
	s5 =	sadd.s32 $0x7C400, s0  }
0xb: {  	s8 =	sadd.s32 s10, s8;
	s1 =	ssub.s32 s1, s9;
	s6 =	sshrl.u32 s15, $0x3  }
0xc: {  	s4 =	sshrl.u32 s4, $0x3;
	s7 =	sshrl.u32 s7, $0x3;
	s8 =	sshrl.u32 s8, $0x3  }
0xd: {  	s1 =	smax.u32 s1, $0x1;
	[dreg:$0x15] =	wrdreg s6;
	s4 =	sadd.s32 s4, s0  }
0xe: {  	s7 =	sadd.s32 s7, s0;
	[dreg:$0x8] =	wrdreg s1;
	s9 =	sadd.s32 $0x1A800, s4  }
0xf: {  	s0 =	sadd.s32 s8, s0;
	s4 =	sadd.s32 $0x6E00, s4;
	[dreg:$0x4] =	wrdreg s9  }
0x10: {  	s11 =	sshrl.u32 s11, $0x2;
	s0 =	sadd.s32 $0xA3600, s0;
	[dreg:$0x5] =	wrdreg s4  }
0x11: {  	s8 =	sadd.s32 s11, s2;
	s14 =	sadd.s32 $0xAD600, s7;
	[dreg:$0x6] =	wrdreg s0  }
0x12: {  	s16 =	sadd.s32 $0x800, s8;
	[dreg:$0x7] =	wrdreg s14  }
0x13: {  	s17 =	sadd.s32 $0x1000, s8;
	[dreg:$0x9] =	wrdreg s16  }
0x14: {  	s18 =	sadd.s32 $0x1800, s8;
	[dreg:$0xa] =	wrdreg s17  }
0x15: {  	s19 =	sadd.s32 $0x2000, s8;
	[dreg:$0xb] =	wrdreg s18  }
0x16: {  	s20 =	sadd.s32 $0x2800, s8;
	[dreg:$0xc] =	wrdreg s19  }
0x17: {  	s21 =	sadd.s32 $0x3000, s8;
	[dreg:$0xd] =	wrdreg s20  }
0x18: {  	s22 =	sadd.s32 $0x3800, s8;
	[dreg:$0xe] =	wrdreg s21  }
0x19: {  	s23 =	sadd.s32 $0x4000, s8;
	[dreg:$0xf] =	wrdreg s22  }
0x1a: {  	s24 =	sadd.s32 $0x4800, s8;
	[dreg:$0x10] =	wrdreg s23  }
0x1b: {  	s25 =	sadd.s32 $0x5000, s8;
	[dreg:$0x11] =	wrdreg s24  }
0x1c: {  	s26 =	sadd.s32 $0x5800, s8;
	[dreg:$0x12] =	wrdreg s25  }
0x1d: {  	s7 =	sadd.s32 $0x6000, s8;
	[dreg:$0x13] =	wrdreg s26  }
0x1e: {  	s13 =	sadd.s32 s10, s3;
	s10 =	sadd.s32 $0x6800, s8;
	[dreg:$0x16] =	wrdreg s7  }
0x1f: {  	s11 =	sadd.s32 $0x7000, s8;
	[dreg:$0x17] =	wrdreg s10  }
0x20: {  	s15 =	sadd.s32 $0x9000, s8;
	[dreg:$0x18] =	wrdreg s11  }
0x21: {  	s0 =	sshrl.u32 s13, $0x3;
	[dreg:$0x1c] =	wrdreg s15  }
0x22: {  	s9 =	sadd.s32 s12, s3;
	s12 =	sadd.s32 $0x7800, s8;
	[dreg:$0x14] =	wrdreg s0  }
0x23: {  	s13 =	sadd.s32 $0x8000, s8;
	[dreg:$0x19] =	wrdreg s12  }
0x24: {  	s14 =	sadd.s32 $0x8800, s8;
	[dreg:$0x1a] =	wrdreg s13  }
0x25: {  	s16 =	sadd.s32 $0x9800, s8;
	[dreg:$0x1b] =	wrdreg s14  }
0x26: {  	s28 =	simm.s32 $0x1;
	[dreg:$0x1d] =	wrdreg s16;
	s17 =	sadd.s32 $0x200, s9  }
0x27: {  	s29 =	simm.s32 $0x2;
	s18 =	sadd.s32 $0x400, s9;
	[dreg:$0x1e] =	wrdreg s17  }
0x28: {  	s30 =	simm.s32 $0x80;
	s19 =	sadd.s32 $0x600, s9;
	[dreg:$0x1f] =	wrdreg s18  }
0x29: {  	s31 =	simm.s32 $0x9D00;
	s20 =	sadd.s32 $0x800, s9;
	[smem:$0x7F6] =	sst s19  }
0x2a: {  	s6 =	simm.s32 $0xBD00;
	s21 =	sadd.s32 $0xA00, s9;
	[smem:$0x7F7] =	sst s20  }
0x2b: {  	s1 =	simm.s32 $0xDD00;
	s22 =	sadd.s32 $0xC00, s9;
	[smem:$0x7F8] =	sst s21  }
0x2c: {  	s4 =	simm.s32 $0xED00;
	s23 =	sadd.s32 $0xE00, s9;
	[smem:$0x7F9] =	sst s22  }
0x2d: {  	s7 =	simm.s32 $0xE500;
	s24 =	sadd.s32 $0x1000, s9;
	[smem:$0x7FA] =	sst s23  }
0x2e: {  	s10 =	simm.s32 $0x3;
	s25 =	sadd.s32 $0x1200, s9;
	[smem:$0x7FB] =	sst s24  }
0x2f: {  	s11 =	simm.s32 $0x9C80;
	s26 =	sadd.s32 $0x1400, s9;
	[smem:$0x7FC] =	sst s25  }
0x30: {  	s0 =	simm.s32 $0x4;
	s12 =	simm.s32 $0x0;
	[smem:$0x7FD] =	sst s26  }
0x31: {  	s18 =	sadd.s32 $0x1600, s9;
	s19 =	sadd.s32 $0x1800, s9;
	s20 =	sadd.s32 $0x1A00, s9  }
0x32: {  	s21 =	sadd.s32 $0x1C00, s9;
	s22 =	sadd.s32 $0x1E00, s9;
	s23 =	sadd.s32 $0x2000, s9  }
0x33: {  	v0 =	vimm.f32 $0.0e+00;
	v1 =	vimm.f32 $1.000000000e+00;
	s24 =	sadd.s32 $0x2200, s9;
	s25 =	sadd.s32 $0x2400, s9;
	s26 =	sadd.s32 $0x2600, s9  }
.LBB2_1:
0x34: {  	s13 =	simm.s32 $0x0;
	s14 =	rddreg [dreg:$0x4]  }
0x35: {  	[tilespmem:s13], [sflag:$0x1] =	stream.linear.gather [hbm4b:s14+s13], $0x4E80, $0x38;
	[tilespmem:$0x1B700] =	vst v63  }
0x36: {  	s17 =	rddreg [dreg:$0x5];
	s15 =	simm.s32 $0x4E80  }
0x37: {  	[tilespmem:s15], [sflag:$0x2] =	stream.linear.gather [hbm4b:s17+s13], $0x4E80, $0x38;
	[tilespmem:$0x1B700] =	vst v63  }
0x38: {  	s14 =	simm.s32 $0x100;
	s13 =	simm.s32 $0x0  }
.LBB2_2:
0x39: {  	p0 =	sne.s32 s14, $0x1F00;
	[tilespmem:s13+$0xDD30] =	vst v0;
	s15 =	smov.u32 s14;
	s14 =	sadd.s32 $0x100, s14  }
.Ltmp0:
0x3a: {  	[tilespmem:s13+$0xDD20] =	vst v0;
	(pc) =	sbr.rel @p0 .LBB2_2-.Ltmp0, $3  }
0x3b: {  	[tilespmem:s13+$0xDD00] =	vst v0  }
0x3c: {  	[tilespmem:s13+$0xDD10] =	vst v0;
	_ =	sdelay $0x1  }
0x3d: {  	s13 =	sshra.s32 s15, $0x2  }
0x3e: {  	[tilespmem:s13+$0xDD30] =	vst v0  }
0x3f: {  	[tilespmem:s13+$0xDD20] =	vst v0  }
0x40: {  	[tilespmem:s13+$0xDD00] =	vst v0  }
0x41: {  	[tilespmem:s13+$0xDD10] =	vst v0  }
0x42: {  	_ =	swait.ge [sflag:s28], $0x4E80  }
0x43: {  	[sflag:s28] =	ssyncset.done $0x0  }
0x44: {  	[sflag:s28] =	ssyncadd.s32 $0xFFFFB180  }
0x45: {  	_ =	swait.ge [sflag:s29], $0x4E80  }
0x46: {  	[sflag:s29] =	ssyncset.done $0x0  }
0x47: {  	s14 =	simm.s32 $0x0;
	[sflag:s29] =	ssyncadd.s32 $0xFFFFB180  }
0x48: {  	[tilespmem:s31], [sflag:$0x1] =	stream.indirect.gather [hbm4b:s5+s30], $0x40, s14, s30, $0xb8;
	[tilespmem:$0x1B700] =	vst v63  }
0x49: {  	_ = 	snop  }
0x4a: {  	[spmem:s8] =	stream.linear.scatter [tilespmem:s1], [sflag:$0x4], $0x800, $0x38;
	[tilespmem:$0x1B700] =	vst v63  }
0x4b: {  	_ =	swait.ge [sflag:s0], $0x800  }
0x4c: {  	[sflag:s0] =	ssyncset.done $0x0  }
0x4d: {  	s15 =	rddreg [dreg:$0x9];
	[sflag:s0] =	ssyncadd.s32 $0xFFFFF800  }
0x4e: {  	[spmem:s15] =	stream.linear.scatter [tilespmem:s1], [sflag:$0x4], $0x800, $0x38;
	[tilespmem:$0x1B700] =	vst v63  }
0x4f: {  	_ =	swait.ge [sflag:s0], $0x800  }
0x50: {  	[sflag:s0] =	ssyncset.done $0x0  }
0x51: {  	s16 =	rddreg [dreg:$0xa];
	[sflag:s0] =	ssyncadd.s32 $0xFFFFF800  }
0x52: {  	[spmem:s16] =	stream.linear.scatter [tilespmem:s1], [sflag:$0x4], $0x800, $0x38;
	[tilespmem:$0x1B700] =	vst v63  }
0x53: {  	_ =	swait.ge [sflag:s0], $0x800  }
0x54: {  	[sflag:s0] =	ssyncset.done $0x0  }
0x55: {  	s17 =	rddreg [dreg:$0xb];
	[sflag:s0] =	ssyncadd.s32 $0xFFFFF800  }
0x56: {  	[spmem:s17] =	stream.linear.scatter [tilespmem:s1], [sflag:$0x4], $0x800, $0x38;
	[tilespmem:$0x1B700] =	vst v63  }
0x57: {  	_ =	swait.ge [sflag:s0], $0x800  }
0x58: {  	[sflag:s0] =	ssyncset.done $0x0  }
0x59: {  	s14 =	rddreg [dreg:$0xc];
	[sflag:s0] =	ssyncadd.s32 $0xFFFFF800  }
0x5a: {  	[spmem:s14] =	stream.linear.scatter [tilespmem:s1], [sflag:$0x4], $0x800, $0x38;
	[tilespmem:$0x1B700] =	vst v63  }
0x5b: {  	_ =	swait.ge [sflag:s0], $0x800  }
0x5c: {  	[sflag:s0] =	ssyncset.done $0x0  }
0x5d: {  	s15 =	rddreg [dreg:$0xd];
	[sflag:s0] =	ssyncadd.s32 $0xFFFFF800  }
0x5e: {  	[spmem:s15] =	stream.linear.scatter [tilespmem:s1], [sflag:$0x4], $0x800, $0x38;
	[tilespmem:$0x1B700] =	vst v63  }
0x5f: {  	_ =	swait.ge [sflag:s0], $0x800  }
0x60: {  	[sflag:s0] =	ssyncset.done $0x0  }
0x61: {  	s16 =	rddreg [dreg:$0xe];
	[sflag:s0] =	ssyncadd.s32 $0xFFFFF800  }
0x62: {  	[spmem:s16] =	stream.linear.scatter [tilespmem:s1], [sflag:$0x4], $0x800, $0x38;
	[tilespmem:$0x1B700] =	vst v63  }
0x63: {  	_ =	swait.ge [sflag:s0], $0x800  }
0x64: {  	[sflag:s0] =	ssyncset.done $0x0  }
0x65: {  	s17 =	rddreg [dreg:$0xf];
	[sflag:s0] =	ssyncadd.s32 $0xFFFFF800  }
0x66: {  	[spmem:s17] =	stream.linear.scatter [tilespmem:s1], [sflag:$0x4], $0x800, $0x38;
	[tilespmem:$0x1B700] =	vst v63  }
0x67: {  	_ =	swait.ge [sflag:s0], $0x800  }
0x68: {  	[sflag:s0] =	ssyncset.done $0x0  }
0x69: {  	s14 =	rddreg [dreg:$0x10];
	[sflag:s0] =	ssyncadd.s32 $0xFFFFF800  }
0x6a: {  	[spmem:s14] =	stream.linear.scatter [tilespmem:s1], [sflag:$0x4], $0x800, $0x38;
	[tilespmem:$0x1B700] =	vst v63  }
0x6b: {  	_ =	swait.ge [sflag:s0], $0x800  }
0x6c: {  	[sflag:s0] =	ssyncset.done $0x0  }
0x6d: {  	s15 =	rddreg [dreg:$0x11];
	[sflag:s0] =	ssyncadd.s32 $0xFFFFF800  }
0x6e: {  	[spmem:s15] =	stream.linear.scatter [tilespmem:s1], [sflag:$0x4], $0x800, $0x38;
	[tilespmem:$0x1B700] =	vst v63  }
0x6f: {  	_ =	swait.ge [sflag:s0], $0x800  }
0x70: {  	[sflag:s0] =	ssyncset.done $0x0  }
0x71: {  	s16 =	rddreg [dreg:$0x12];
	[sflag:s0] =	ssyncadd.s32 $0xFFFFF800  }
0x72: {  	[spmem:s16] =	stream.linear.scatter [tilespmem:s1], [sflag:$0x4], $0x800, $0x38;
	[tilespmem:$0x1B700] =	vst v63  }
0x73: {  	_ =	swait.ge [sflag:s0], $0x800  }
0x74: {  	[sflag:s0] =	ssyncset.done $0x0  }
0x75: {  	s17 =	rddreg [dreg:$0x13];
	[sflag:s0] =	ssyncadd.s32 $0xFFFFF800  }
0x76: {  	[spmem:s17] =	stream.linear.scatter [tilespmem:s1], [sflag:$0x4], $0x800, $0x38;
	[tilespmem:$0x1B700] =	vst v63  }
0x77: {  	_ =	swait.ge [sflag:s0], $0x800  }
0x78: {  	[sflag:s0] =	ssyncset.done $0x0  }
0x79: {  	s14 =	rddreg [dreg:$0x16];
	[sflag:s0] =	ssyncadd.s32 $0xFFFFF800  }
0x7a: {  	[spmem:s14] =	stream.linear.scatter [tilespmem:s1], [sflag:$0x4], $0x800, $0x38;
	[tilespmem:$0x1B700] =	vst v63  }
0x7b: {  	_ =	swait.ge [sflag:s0], $0x800  }
0x7c: {  	[sflag:s0] =	ssyncset.done $0x0  }
0x7d: {  	s15 =	rddreg [dreg:$0x17];
	[sflag:s0] =	ssyncadd.s32 $0xFFFFF800  }
0x7e: {  	[spmem:s15] =	stream.linear.scatter [tilespmem:s1], [sflag:$0x4], $0x800, $0x38;
	[tilespmem:$0x1B700] =	vst v63  }
0x7f: {  	_ =	swait.ge [sflag:s0], $0x800  }
0x80: {  	[sflag:s0] =	ssyncset.done $0x0  }
0x81: {  	s16 =	rddreg [dreg:$0x18];
	[sflag:s0] =	ssyncadd.s32 $0xFFFFF800  }
0x82: {  	[spmem:s16] =	stream.linear.scatter [tilespmem:s1], [sflag:$0x4], $0x800, $0x38;
	[tilespmem:$0x1B700] =	vst v63  }
0x83: {  	_ =	swait.ge [sflag:s0], $0x800  }
0x84: {  	[sflag:s0] =	ssyncset.done $0x0  }
0x85: {  	s17 =	rddreg [dreg:$0x19];
	[sflag:s0] =	ssyncadd.s32 $0xFFFFF800  }
0x86: {  	[spmem:s17] =	stream.linear.scatter [tilespmem:s1], [sflag:$0x4], $0x800, $0x38;
	[tilespmem:$0x1B700] =	vst v63  }
0x87: {  	_ =	swait.ge [sflag:s0], $0x800  }
0x88: {  	[sflag:s0] =	ssyncset.done $0x0  }
0x89: {  	s14 =	rddreg [dreg:$0x1a];
	[sflag:s0] =	ssyncadd.s32 $0xFFFFF800  }
0x8a: {  	[spmem:s14] =	stream.linear.scatter [tilespmem:s1], [sflag:$0x4], $0x800, $0x38;
	[tilespmem:$0x1B700] =	vst v63  }
0x8b: {  	_ =	swait.ge [sflag:s0], $0x800  }
0x8c: {  	[sflag:s0] =	ssyncset.done $0x0  }
0x8d: {  	s15 =	rddreg [dreg:$0x1b];
	[sflag:s0] =	ssyncadd.s32 $0xFFFFF800  }
0x8e: {  	[spmem:s15] =	stream.linear.scatter [tilespmem:s1], [sflag:$0x4], $0x800, $0x38;
	[tilespmem:$0x1B700] =	vst v63  }
0x8f: {  	_ =	swait.ge [sflag:s0], $0x800  }
0x90: {  	[sflag:s0] =	ssyncset.done $0x0  }
0x91: {  	s16 =	rddreg [dreg:$0x1c];
	[sflag:s0] =	ssyncadd.s32 $0xFFFFF800  }
0x92: {  	[spmem:s16] =	stream.linear.scatter [tilespmem:s1], [sflag:$0x4], $0x800, $0x38;
	[tilespmem:$0x1B700] =	vst v63  }
0x93: {  	_ =	swait.ge [sflag:s0], $0x800  }
0x94: {  	[sflag:s0] =	ssyncset.done $0x0  }
0x95: {  	s17 =	rddreg [dreg:$0x1d];
	[sflag:s0] =	ssyncadd.s32 $0xFFFFF800  }
0x96: {  	[spmem:s17] =	stream.linear.scatter [tilespmem:s1], [sflag:$0x4], $0x800, $0x38;
	[tilespmem:$0x1B700] =	vst v63  }
0x97: {  	_ =	swait.ge [sflag:s0], $0x800  }
0x98: {  	[sflag:s0] =	ssyncset.done $0x0  }
0x99: {  	s13 =	simm.s32 $0x40;
	s14 =	simm.s32 $0x0;
	[sflag:s0] =	ssyncadd.s32 $0xFFFFF800  }
.LBB2_4:
0x9a: {  	p0 =	sne.s32 s13, $0x1FC0;
	[tilespmem:s14+$0xE500] =	vst v1;
	s14 =	smov.u32 s13;
	s13 =	sadd.s32 $0x40, s13  }
.Ltmp1:
0x9b: {  	(pc) =	sbr.rel @p0 .LBB2_4-.Ltmp1, $2  }
0x9c: {  	_ =	sdelay $0x2  }
0x9d: {  	s14 =	sshra.s32 s14, $0x2  }
0x9e: {  	[tilespmem:s14+$0xE500] =	vst v1  }
0x9f: {  	[tilespmem:$0xED00] =	vst v0  }
0xa0: {  	[tilespmem:$0xED10] =	vst v0  }
0xa1: {  	[tilespmem:$0xED20] =	vst v0  }
0xa2: {  	[tilespmem:$0xED30] =	vst v0  }
0xa3: {  	[tilespmem:$0xED40] =	vst v0  }
0xa4: {  	[tilespmem:$0xED50] =	vst v0  }
0xa5: {  	[tilespmem:$0xED60] =	vst v0  }
0xa6: {  	[tilespmem:$0xED70] =	vst v0  }
0xa7: {  	[tilespmem:$0xED80] =	vst v0  }
0xa8: {  	[tilespmem:$0xED90] =	vst v0  }
0xa9: {  	[tilespmem:$0xEDA0] =	vst v0  }
0xaa: {  	[tilespmem:$0xEDB0] =	vst v0  }
0xab: {  	[tilespmem:$0xEDC0] =	vst v0  }
0xac: {  	[tilespmem:$0xEDD0] =	vst v0  }
0xad: {  	[tilespmem:$0xEDE0] =	vst v0  }
0xae: {  	[tilespmem:$0xEDF0] =	vst v0  }
0xaf: {  	[tilespmem:$0xEE00] =	vst v0  }
0xb0: {  	[tilespmem:$0xEE10] =	vst v0  }
0xb1: {  	[tilespmem:$0xEE20] =	vst v0  }
0xb2: {  	[tilespmem:$0xEE30] =	vst v0  }
0xb3: {  	[tilespmem:$0xEE40] =	vst v0  }
0xb4: {  	[tilespmem:$0xEE50] =	vst v0  }
0xb5: {  	[tilespmem:$0xEE60] =	vst v0  }
0xb6: {  	[tilespmem:$0xEE70] =	vst v0  }
0xb7: {  	[tilespmem:$0xEE80] =	vst v0  }
0xb8: {  	[tilespmem:$0xEE90] =	vst v0  }
0xb9: {  	[tilespmem:$0xEEA0] =	vst v0  }
0xba: {  	[tilespmem:$0xEEB0] =	vst v0  }
0xbb: {  	[tilespmem:$0xEEC0] =	vst v0  }
0xbc: {  	[tilespmem:$0xEED0] =	vst v0  }
0xbd: {  	[tilespmem:$0xEEE0] =	vst v0  }
0xbe: {  	[tilespmem:$0xEEF0] =	vst v0  }
0xbf: {  	[spmem:s9] =	stream.linear.scatter [tilespmem:s4], [sflag:$0x4], $0x200, $0x38;
	[tilespmem:$0x1B700] =	vst v63  }
0xc0: {  	_ =	swait.ge [sflag:s0], $0x200  }
0xc1: {  	[sflag:s0] =	ssyncset.done $0x0  }
0xc2: {  	s13 =	rddreg [dreg:$0x1e];
	[sflag:s0] =	ssyncadd.s32 $0xFFFFFE00  }
0xc3: {  	[spmem:s13] =	stream.linear.scatter [tilespmem:s4], [sflag:$0x4], $0x200, $0x38;
	[tilespmem:$0x1B700] =	vst v63  }
0xc4: {  	_ =	swait.ge [sflag:s0], $0x200  }
0xc5: {  	[sflag:s0] =	ssyncset.done $0x0  }
0xc6: {  	s17 =	rddreg [dreg:$0x1f];
	[sflag:s0] =	ssyncadd.s32 $0xFFFFFE00  }
0xc7: {  	[spmem:s17] =	stream.linear.scatter [tilespmem:s4], [sflag:$0x4], $0x200, $0x38;
	[tilespmem:$0x1B700] =	vst v63  }
0xc8: {  	_ =	swait.ge [sflag:s0], $0x200  }
0xc9: {  	s14 =	sld [smem:$0x7F6]  }
0xca: {  	[sflag:s0] =	ssyncset.done $0x0  }
0xcb: {  	[sflag:s0] =	ssyncadd.s32 $0xFFFFFE00  }
0xcc: {  	[spmem:s14] =	stream.linear.scatter [tilespmem:s4], [sflag:$0x4], $0x200, $0x38;
	[tilespmem:$0x1B700] =	vst v63  }
0xcd: {  	_ =	swait.ge [sflag:s0], $0x200  }
0xce: {  	s15 =	sld [smem:$0x7F7]  }
0xcf: {  	[sflag:s0] =	ssyncset.done $0x0  }
0xd0: {  	[sflag:s0] =	ssyncadd.s32 $0xFFFFFE00  }
0xd1: {  	[spmem:s15] =	stream.linear.scatter [tilespmem:s4], [sflag:$0x4], $0x200, $0x38;
	[tilespmem:$0x1B700] =	vst v63  }
0xd2: {  	_ =	swait.ge [sflag:s0], $0x200  }
0xd3: {  	s16 =	sld [smem:$0x7F8]  }
0xd4: {  	[sflag:s0] =	ssyncset.done $0x0  }
0xd5: {  	[sflag:s0] =	ssyncadd.s32 $0xFFFFFE00  }
0xd6: {  	[spmem:s16] =	stream.linear.scatter [tilespmem:s4], [sflag:$0x4], $0x200, $0x38;
	[tilespmem:$0x1B700] =	vst v63  }
0xd7: {  	_ =	swait.ge [sflag:s0], $0x200  }
0xd8: {  	s17 =	sld [smem:$0x7F9]  }
0xd9: {  	[sflag:s0] =	ssyncset.done $0x0  }
0xda: {  	[sflag:s0] =	ssyncadd.s32 $0xFFFFFE00  }
0xdb: {  	[spmem:s17] =	stream.linear.scatter [tilespmem:s4], [sflag:$0x4], $0x200, $0x38;
	[tilespmem:$0x1B700] =	vst v63  }
0xdc: {  	_ =	swait.ge [sflag:s0], $0x200  }
0xdd: {  	s14 =	sld [smem:$0x7FA]  }
0xde: {  	[sflag:s0] =	ssyncset.done $0x0  }
0xdf: {  	[sflag:s0] =	ssyncadd.s32 $0xFFFFFE00  }
0xe0: {  	[spmem:s14] =	stream.linear.scatter [tilespmem:s4], [sflag:$0x4], $0x200, $0x38;
	[tilespmem:$0x1B700] =	vst v63  }
0xe1: {  	_ =	swait.ge [sflag:s0], $0x200  }
0xe2: {  	s15 =	sld [smem:$0x7FB]  }
0xe3: {  	[sflag:s0] =	ssyncset.done $0x0  }
0xe4: {  	[sflag:s0] =	ssyncadd.s32 $0xFFFFFE00  }
0xe5: {  	[spmem:s15] =	stream.linear.scatter [tilespmem:s4], [sflag:$0x4], $0x200, $0x38;
	[tilespmem:$0x1B700] =	vst v63  }
0xe6: {  	_ =	swait.ge [sflag:s0], $0x200  }
0xe7: {  	s16 =	sld [smem:$0x7FC]  }
0xe8: {  	[sflag:s0] =	ssyncset.done $0x0  }
0xe9: {  	[sflag:s0] =	ssyncadd.s32 $0xFFFFFE00  }
0xea: {  	[spmem:s16] =	stream.linear.scatter [tilespmem:s4], [sflag:$0x4], $0x200, $0x38;
	[tilespmem:$0x1B700] =	vst v63  }
0xeb: {  	_ =	swait.ge [sflag:s0], $0x200  }
0xec: {  	s17 =	sld [smem:$0x7FD]  }
0xed: {  	[sflag:s0] =	ssyncset.done $0x0  }
0xee: {  	[sflag:s0] =	ssyncadd.s32 $0xFFFFFE00  }
0xef: {  	[spmem:s17] =	stream.linear.scatter [tilespmem:s4], [sflag:$0x4], $0x200, $0x38;
	[tilespmem:$0x1B700] =	vst v63  }
0xf0: {  	_ =	swait.ge [sflag:s0], $0x200  }
0xf1: {  	[sflag:s0] =	ssyncset.done $0x0  }
0xf2: {  	[sflag:s0] =	ssyncadd.s32 $0xFFFFFE00  }
0xf3: {  	[spmem:s18] =	stream.linear.scatter [tilespmem:s4], [sflag:$0x4], $0x200, $0x38;
	[tilespmem:$0x1B700] =	vst v63  }
0xf4: {  	_ =	swait.ge [sflag:s0], $0x200  }
0xf5: {  	[sflag:s0] =	ssyncset.done $0x0  }
0xf6: {  	[sflag:s0] =	ssyncadd.s32 $0xFFFFFE00  }
0xf7: {  	[spmem:s19] =	stream.linear.scatter [tilespmem:s4], [sflag:$0x4], $0x200, $0x38;
	[tilespmem:$0x1B700] =	vst v63  }
0xf8: {  	_ =	swait.ge [sflag:s0], $0x200  }
0xf9: {  	[sflag:s0] =	ssyncset.done $0x0  }
0xfa: {  	[sflag:s0] =	ssyncadd.s32 $0xFFFFFE00  }
0xfb: {  	[spmem:s20] =	stream.linear.scatter [tilespmem:s4], [sflag:$0x4], $0x200, $0x38;
	[tilespmem:$0x1B700] =	vst v63  }
0xfc: {  	_ =	swait.ge [sflag:s0], $0x200  }
0xfd: {  	[sflag:s0] =	ssyncset.done $0x0  }
0xfe: {  	[sflag:s0] =	ssyncadd.s32 $0xFFFFFE00  }
0xff: {  	[spmem:s21] =	stream.linear.scatter [tilespmem:s4], [sflag:$0x4], $0x200, $0x38;
	[tilespmem:$0x1B700] =	vst v63  }
0x100: {  	_ =	swait.ge [sflag:s0], $0x200  }
0x101: {  	[sflag:s0] =	ssyncset.done $0x0  }
0x102: {  	[sflag:s0] =	ssyncadd.s32 $0xFFFFFE00  }
0x103: {  	[spmem:s22] =	stream.linear.scatter [tilespmem:s4], [sflag:$0x4], $0x200, $0x38;
	[tilespmem:$0x1B700] =	vst v63  }
0x104: {  	_ =	swait.ge [sflag:s0], $0x200  }
0x105: {  	[sflag:s0] =	ssyncset.done $0x0  }
0x106: {  	[sflag:s0] =	ssyncadd.s32 $0xFFFFFE00  }
0x107: {  	[spmem:s23] =	stream.linear.scatter [tilespmem:s4], [sflag:$0x4], $0x200, $0x38;
	[tilespmem:$0x1B700] =	vst v63  }
0x108: {  	_ =	swait.ge [sflag:s0], $0x200  }
0x109: {  	[sflag:s0] =	ssyncset.done $0x0  }
0x10a: {  	[sflag:s0] =	ssyncadd.s32 $0xFFFFFE00  }
0x10b: {  	[spmem:s24] =	stream.linear.scatter [tilespmem:s4], [sflag:$0x4], $0x200, $0x38;
	[tilespmem:$0x1B700] =	vst v63  }
0x10c: {  	_ =	swait.ge [sflag:s0], $0x200  }
0x10d: {  	[sflag:s0] =	ssyncset.done $0x0  }
0x10e: {  	[sflag:s0] =	ssyncadd.s32 $0xFFFFFE00  }
0x10f: {  	[spmem:s25] =	stream.linear.scatter [tilespmem:s4], [sflag:$0x4], $0x200, $0x38;
	[tilespmem:$0x1B700] =	vst v63  }
0x110: {  	_ =	swait.ge [sflag:s0], $0x200  }
0x111: {  	[sflag:s0] =	ssyncset.done $0x0  }
0x112: {  	[sflag:s0] =	ssyncadd.s32 $0xFFFFFE00  }
0x113: {  	[spmem:s26] =	stream.linear.scatter [tilespmem:s4], [sflag:$0x4], $0x200, $0x38;
	[tilespmem:$0x1B700] =	vst v63  }
0x114: {  	_ =	swait.ge [sflag:s0], $0x200  }
0x115: {  	[sflag:s0] =	ssyncset.done $0x0  }
0x116: {  	[sflag:s0] =	ssyncadd.s32 $0xFFFFFE00  }
0x117: {  	s14 =	simm.s32 $0x80;
	[bflag:$0x0] =	sbarrier.arrive $0xFFFF  }
0x118: {  	[tilespmem:s6], [sflag:$0x2] =	stream.indirect.gather [hbm4b:s5+s30], $0x40, s14, s30, $0xb8;
	[tilespmem:$0x1B700] =	vst v63  }
0x119: {  	_ =	swait.ge [sflag:s28], $0x2000  }
0x11a: {  	[sflag:s28] =	ssyncset.done $0x0  }
0x11b: {  	s15 =	simm.s32 $0x4E80;
	[sflag:s28] =	ssyncadd.s32 $0xFFFFE000  }
0x11c: {  	[spmem:s3] =	stream.indirect.scatter.add.f32 [tilespmem:s7], [sflag:$0x3], $0x10, s15, s30, $0xb8;
	[tilespmem:$0x1B700] =	vst v63  }
0x11d: {  	_ = 	snop  }
0x11e: {  	[spmem:s2] =	stream.indirect.scatter.add.f32 [tilespmem:s31], [sflag:$0x4], $0x40, s15, s30, $0xb8;
	[tilespmem:$0x1B700] =	vst v63  }
0x11f: {  	_ =	swait.ge [sflag:s0], $0x2000  }
0x120: {  	[sflag:s0] =	ssyncset.done $0x0  }
0x121: {  	[sflag:s0] =	ssyncadd.s32 $0xFFFFE000  }
0x122: {  	_ =	swait.ge [sflag:s10], $0x800  }
0x123: {  	[sflag:s10] =	ssyncset.done $0x0  }
0x124: {  	s16 =	simm.s32 $0x100;
	[sflag:s10] =	ssyncadd.s32 $0xFFFFF800  }
0x125: {  	[tilespmem:s31], [sflag:$0x1] =	stream.indirect.gather [hbm4b:s5+s30], $0x40, s16, s30, $0xb8;
	[tilespmem:$0x1B700] =	vst v63  }
0x126: {  	_ =	swait.ge [sflag:s29], $0x2000  }
0x127: {  	[sflag:s29] =	ssyncset.done $0x0  }
0x128: {  	s17 =	simm.s32 $0x4F00;
	[sflag:s29] =	ssyncadd.s32 $0xFFFFE000  }
0x129: {  	[spmem:s3] =	stream.indirect.scatter.add.f32 [tilespmem:s7], [sflag:$0x3], $0x10, s17, s30, $0xb8;
	[tilespmem:$0x1B700] =	vst v63  }
0x12a: {  	_ = 	snop  }
0x12b: {  	[spmem:s2] =	stream.indirect.scatter.add.f32 [tilespmem:s6], [sflag:$0x4], $0x40, s17, s30, $0xb8;
	[tilespmem:$0x1B700] =	vst v63  }
0x12c: {  	_ =	swait.ge [sflag:s0], $0x2000  }
0x12d: {  	[sflag:s0] =	ssyncset.done $0x0  }
0x12e: {  	[sflag:s0] =	ssyncadd.s32 $0xFFFFE000  }
0x12f: {  	_ =	swait.ge [sflag:s10], $0x800  }
0x130: {  	s13 =	simm.s32 $0x100;
	s14 =	simm.s32 $0x800;
	[sflag:s10] =	ssyncset.done $0x0  }
.LBB2_6:
0x131: {  	s15 =	sadd.s32 $0x80, s13  }
0x132: {  	[sflag:s10] =	ssyncadd.s32 $0xFFFFF800;
	s16 =	smov.u32 s14;
	s17 =	sadd.s32 $0x400, s14  }
0x133: {  	[tilespmem:s6], [sflag:$0x2] =	stream.indirect.gather [hbm4b:s5+s30], $0x40, s15, s30, $0xb8;
	[tilespmem:$0x1B700] =	vst v63  }
0x134: {  	p0 =	sne.s32 s14, $0x13400;
	_ =	swait.ge [sflag:s28], $0x2000  }
0x135: {  	[sflag:s28] =	ssyncset.done $0x0  }
0x136: {  	s14 =	sadd.s32 $0x4E80, s13;
	[sflag:s28] =	ssyncadd.s32 $0xFFFFE000  }
0x137: {  	[spmem:s3] =	stream.indirect.scatter.add.f32 [tilespmem:s7], [sflag:$0x3], $0x10, s14, s30, $0xb8;
	[tilespmem:$0x1B700] =	vst v63  }
0x138: {  	_ = 	snop  }
0x139: {  	[spmem:s2] =	stream.indirect.scatter.add.f32 [tilespmem:s31], [sflag:$0x4], $0x40, s14, s30, $0xb8;
	[tilespmem:$0x1B700] =	vst v63  }
0x13a: {  	_ =	swait.ge [sflag:s0], $0x2000  }
0x13b: {  	[sflag:s0] =	ssyncset.done $0x0  }
0x13c: {  	[sflag:s0] =	ssyncadd.s32 $0xFFFFE000  }
0x13d: {  	_ =	swait.ge [sflag:s10], $0x800  }
0x13e: {  	[sflag:s10] =	ssyncset.done $0x0  }
0x13f: {  	s14 =	sadd.s32 $0x100, s13;
	[sflag:s10] =	ssyncadd.s32 $0xFFFFF800  }
0x140: {  	[tilespmem:s31], [sflag:$0x1] =	stream.indirect.gather [hbm4b:s5+s30], $0x40, s14, s30, $0xb8;
	[tilespmem:$0x1B700] =	vst v63  }
0x141: {  	_ =	swait.ge [sflag:s29], $0x2000  }
0x142: {  	[sflag:s29] =	ssyncset.done $0x0  }
0x143: {  	s13 =	sadd.s32 $0x4F00, s13;
	[sflag:s29] =	ssyncadd.s32 $0xFFFFE000  }
0x144: {  	[spmem:s3] =	stream.indirect.scatter.add.f32 [tilespmem:s7], [sflag:$0x3], $0x10, s13, s30, $0xb8;
	[tilespmem:$0x1B700] =	vst v63  }
0x145: {  	_ = 	snop  }
0x146: {  	[spmem:s2] =	stream.indirect.scatter.add.f32 [tilespmem:s6], [sflag:$0x4], $0x40, s13, s30, $0xb8;
	[tilespmem:$0x1B700] =	vst v63  }
.Ltmp2:
0x147: {  	_ =	swait.ge [sflag:s0], $0x2000;
	(pc) =	sbr.rel @p0 .LBB2_6-.Ltmp2, $4  }
0x148: {  	[sflag:s0] =	ssyncset.done $0x0  }
0x149: {  	[sflag:s0] =	ssyncadd.s32 $0xFFFFE000  }
0x14a: {  	_ =	swait.ge [sflag:s10], $0x800  }
0x14b: {  	s14 =	smov.u32 s17;
	s13 =	sshra.s32 s16, $0x2;
	[sflag:s10] =	ssyncset.done $0x0  }
0x14c: {  	s14 =	sadd.s32 $0x80, s13;
	[sflag:s10] =	ssyncadd.s32 $0xFFFFF800  }
0x14d: {  	[tilespmem:s6], [sflag:$0x2] =	stream.indirect.gather [hbm4b:s5+s30], $0x40, s14, s30, $0xb8;
	[tilespmem:$0x1B700] =	vst v63  }
0x14e: {  	_ =	swait.ge [sflag:s28], $0x2000  }
0x14f: {  	[sflag:s28] =	ssyncset.done $0x0  }
0x150: {  	s16 =	sadd.s32 $0x4E80, s13;
	[sflag:s28] =	ssyncadd.s32 $0xFFFFE000  }
0x151: {  	[spmem:s3] =	stream.indirect.scatter.add.f32 [tilespmem:s7], [sflag:$0x3], $0x10, s16, s30, $0xb8;
	[tilespmem:$0x1B700] =	vst v63  }
0x152: {  	_ = 	snop  }
0x153: {  	[spmem:s2] =	stream.indirect.scatter.add.f32 [tilespmem:s31], [sflag:$0x4], $0x40, s16, s30, $0xb8;
	[tilespmem:$0x1B700] =	vst v63  }
0x154: {  	_ =	swait.ge [sflag:s0], $0x2000  }
0x155: {  	[sflag:s0] =	ssyncset.done $0x0  }
0x156: {  	[sflag:s0] =	ssyncadd.s32 $0xFFFFE000  }
0x157: {  	_ =	swait.ge [sflag:s10], $0x800  }
0x158: {  	[sflag:s10] =	ssyncset.done $0x0  }
0x159: {  	s17 =	sadd.s32 $0x100, s13;
	[sflag:s10] =	ssyncadd.s32 $0xFFFFF800  }
0x15a: {  	[tilespmem:s31], [sflag:$0x1] =	stream.indirect.gather [hbm4b:s5+s30], $0x40, s17, s30, $0xb8;
	[tilespmem:$0x1B700] =	vst v63  }
0x15b: {  	_ =	swait.ge [sflag:s29], $0x2000  }
0x15c: {  	[sflag:s29] =	ssyncset.done $0x0  }
0x15d: {  	s15 =	sadd.s32 $0x4F00, s13;
	[sflag:s29] =	ssyncadd.s32 $0xFFFFE000  }
0x15e: {  	[spmem:s3] =	stream.indirect.scatter.add.f32 [tilespmem:s7], [sflag:$0x3], $0x10, s15, s30, $0xb8;
	[tilespmem:$0x1B700] =	vst v63  }
0x15f: {  	_ = 	snop  }
0x160: {  	[spmem:s2] =	stream.indirect.scatter.add.f32 [tilespmem:s6], [sflag:$0x4], $0x40, s15, s30, $0xb8;
	[tilespmem:$0x1B700] =	vst v63  }
0x161: {  	_ =	swait.ge [sflag:s0], $0x2000  }
0x162: {  	[sflag:s0] =	ssyncset.done $0x0  }
0x163: {  	[sflag:s0] =	ssyncadd.s32 $0xFFFFE000  }
0x164: {  	_ =	swait.ge [sflag:s10], $0x800  }
0x165: {  	[sflag:s10] =	ssyncset.done $0x0  }
0x166: {  	[sflag:s10] =	ssyncadd.s32 $0xFFFFF800  }
0x167: {  	_ =	swait.ge [sflag:s28], $0x2000  }
0x168: {  	[sflag:s28] =	ssyncset.done $0x0  }
0x169: {  	[sflag:s28] =	ssyncadd.s32 $0xFFFFE000  }
0x16a: {  	[spmem:s3] =	stream.indirect.scatter.add.f32 [tilespmem:s7], [sflag:$0x3], $0x10, s11, s30, $0xb8;
	[tilespmem:$0x1B700] =	vst v63  }
0x16b: {  	_ = 	snop  }
0x16c: {  	[spmem:s2] =	stream.indirect.scatter.add.f32 [tilespmem:s31], [sflag:$0x4], $0x40, s11, s30, $0xb8;
	[tilespmem:$0x1B700] =	vst v63  }
0x16d: {  	_ =	swait.ge [sflag:s0], $0x2000  }
0x16e: {  	[sflag:s0] =	ssyncset.done $0x0  }
0x16f: {  	[sflag:s0] =	ssyncadd.s32 $0xFFFFE000  }
0x170: {  	_ =	swait.ge [sflag:s10], $0x800  }
0x171: {  	[sflag:s10] =	ssyncset.done $0x0  }
0x172: {  	[sflag:s10] =	ssyncadd.s32 $0xFFFFF800  }
0x173: {  	s16 =	stileid.u32;
	[bflag:$0x0] =	sbarrier.arrive $0xFFFF  }
0x174: {  	s13 =	sshll.u32 s16, $0x6;
	s17 =	rddreg [dreg:$0x6]  }
0x175: {  	s13 =	sor.u32 $0x1C04, s13;
	s15 =	rddreg [dreg:$0x14]  }
0x176: {  	[hbm:s17], [sflag:s13] =	dma.local [spmem:s15], $0x500  }
0x177: {  	_ =	swait.ge [sflag:s0], $0x500  }
0x178: {  	[sflag:s0] =	ssyncset.done $0x0;
	s15 =	rddreg [dreg:$0x7]  }
0x179: {  	s16 =	rddreg [dreg:$0x15];
	[sflag:s0] =	ssyncadd.s32 $0xFFFFFB00  }
0x17a: {  	[hbm:s15], [sflag:s13] =	dma.local [spmem:s16], $0x1400  }
0x17b: {  	_ =	swait.ge [sflag:s0], $0x1400  }
0x17c: {  	s12 =	sadd.s32 $0x1, s12;
	s17 =	rddreg [dreg:$0x8]  }
0x17d: {  	p0 =	sne.s32 s12, s17  }
.Ltmp3:
0x17e: {  	_ = 	snop;
	(pc) =	sbr.rel @p0 .LBB2_1-.Ltmp3, $3  }
0x17f: {  	_ =	sdelay $0x1  }
0x180: {  	[sflag:s0] =	ssyncset.done $0x0  }
0x181: {  	[sflag:s0] =	ssyncadd.s32 $0xFFFFEC00  }
0x182: {  	_ =	sfence.sel $0x180000  }
0x183: {  	[bflag:$0x0] =	sbarrier.arrive $0xFFFF  }
0x184: {  	_ =	strace $0x90000047  }
0x185: {  	s0 =	stileid.u32;
	[bflag:$0x2] =	sbarrier.arrive $0xFFFF  }
0x186: {  	p0 =	sne.s32 s0, $0x0;
	s0 =	rddreg [dreg:$0x3]  }
0x187: {  	s0 =	sadd.s32 @!p0 $0x100000, s0  }
0x188: {  	[sflag:s0] =	ssyncadd.tile.s32 @!p0 $0x1;
	_ =	shalt  }
.Lfunc_end2:
_tile_overlayer_lowered:
.L_overlay_start_2:
0x189: {  	(tag) =	ssettag $0x2  }
0x18a: {  	s0 =	rddreg [dreg:$0x0];
	s2 =	stileid.u32  }
0x18b: {  	s1 =	rddreg [dreg:$0x1];
	p0 =	sne.s32 s2, $0x0  }
0x18c: {  	s3 =	rddreg [dreg:$0x2];
	[bflag:$0x3] =	sbarrier.arrive $0xFFFF;
	s2 =	simm.s32 @!p0 $0x1C04  }
0x18d: {  	[timem:s3], [sflag:s2] =	dma.local @!p0 [hbm:s0], s1  }
0x18e: {  	s0 =	simm.s32 @!p0 $0x4  }
0x18f: {  	_ =	swait.ge @!p0 [sflag:s0], s1  }
0x190: {  	s1 =	ssub.s32 @!p0 $0x0, s1;
	[sflag:s0] =	ssyncset.done @!p0 $0x0  }
0x191: {  	[sflag:s0] =	ssyncadd.s32 @!p0 s1  }
0x192: {  	[bflag:$0x3] =	sbarrier.arrive $0xFFFF  }
0x193: {  	_ =	shalt  }

// kernel: kernel.13.cloned.1.call-start
scs
__scs_entry_jumppad:
0x0: {  	(pc) =	sbr.rel $0x88, $3  }
0x1: {  	(tag) =	ssettag $0x0;
	lr =	simm.s32 $0x1  }
0x2: {  	[smem:$0x3F76] =	sst lr;
	_ =	strace $0xD0000000  }
0x3: {  	_ = 	snop  }
0x4: {  	_ = 	snop  }
0x5: {  	_ = 	snop  }
0x6: {  	_ = 	snop  }
0x7: {  	_ = 	snop  }
__scs_overlays_trampoline_lowered:
0x8: {  	[smem:$0x3F85] =	sst s0  }
0x9: {  	[smem:$0x3F86] =	sst s1  }
0xa: {  	[smem:$0x3F87] =	sst s2  }
0xb: {  	[smem:$0x3F88] =	sst s3  }
0xc: {  	[smem:$0x3F89] =	sst s4  }
0xd: {  	[smem:$0x3F8A] =	sst s5  }
0xe: {  	[smem:$0x3F8B] =	sst s6  }
0xf: {  	[smem:$0x3F8C] =	sst s7  }
0x10: {  	[smem:$0x3F8D] =	sst s8  }
0x11: {  	[smem:$0x3F8E] =	sst s9;
	s0 =	simm.s32 @!p0 $0x0  }
0x12: {  	s1 =	sld [smem:$0x3F74];
	s0 =	simm.s32 @p0 $0x1  }
0x13: {  	[smem:$0x3F8F] =	sst s0;
	s0 =	simm.s32 @!p1 $0x0  }
0x14: {  	s2 =	sld [smem:$0x3F73];
	s0 =	simm.s32 @p1 $0x1  }
0x15: {  	[smem:$0x3F90] =	sst s0;
	s0 =	simm.s32 @!p2 $0x0  }
0x16: {  	s3 =	sld [smem:$0x3FDB];
	s0 =	simm.s32 @p2 $0x1  }
0x17: {  	s4 =	simm.s32 $0x1BF5;
	[smem:$0x3F92] =	sst s0  }
0x18: {  	s0 =	sld [smem:$0x3F75];
	_ =	swait.ge [sflag:s4], $0x0  }
0x19: {  	s7 =	sld [smem:$0x3F76]  }
0x1a: {  	s8 =	sadd.s32 $0xFFFFE003, lr  }
0x1b: {  	s9 =	sadd.s32 $0xFFFFFEF7, lr;
	s5 =	simm.s32 $0xFFFFFFFF;
	p2 =	slt.u32 s8, $0xFFFFF086  }
0x1c: {  	p1 =	slt.u32 s9, $0xF7A;
	s5 =	simm.s32 @!p2 $0x0  }
0x1d: {  	s5 =	simm.s32 @p1 $0x1;
	p0 =	seq.s32 s7, s2  }
0x1e: {  	s7 =	smul.u32 @!p0 $0xF7A, s2;
	p2 =	seq.s32 @!p0 s5, $0x0  }
0x1f: {  	s9 =	smul.u32 $0xF7A, s1;
	s8 =	simm.s32 @!p0 $0x1BF5;
	p2 =	por !p2, p0  }
0x20: {  	[sflag:s8] =	ssyncset.s32 @!p0 $0xFFFFF086;
	s6 =	sadd.s32 @!p0 s3, s7;
	s7 =	simm.s32 @!p0 $0x108  }
0x21: {  	s3 =	sadd.s32 s3, s9;
	s6 =	sadd.s32 @!p0 $0x88, s6;
	s7 =	simm.s32 @p2 $0x1082  }
0x22: {  	[simem:s7], [sflag:s8] =	dma.local @!p0 [hbm:s6], $0xF7A  }
0x23: {  	s9 =	sor.u32 $0xD0000000, s2;
	s6 =	simm.s32 $0x108;
	_ =	swait.ge @!p0 [sflag:s8], $0x0  }
0x24: {  	s3 =	sadd.s32 $0x88, s3;
	s6 =	simm.s32 @!p1 $0x1082;
	[sflag:s4] =	ssyncset.s32 $0xFFFFF086  }
0x25: {  	[simem:s6], [sflag:s4] =	dma.local [hbm:s3], $0xF7A  }
0x26: {  	[smem:$0x3F76] =	sst s1;
	(tag) =	ssettag s2;
	_ =	strace s9  }
0x27: {  	s1 =	sld [smem:$0x3F86]  }
0x28: {  	s2 =	sld [smem:$0x3F87]  }
0x29: {  	s4 =	sld [smem:$0x3F89]  }
0x2a: {  	p0 =	seq.s32 s5, $0x0;
	s5 =	sld [smem:$0x3F8A]  }
0x2b: {  	s6 =	sld [smem:$0x3F8B]  }
0x2c: {  	s7 =	sld [smem:$0x3F8C]  }
0x2d: {  	s3 =	simm.s32 $0x108;
	s8 =	sld [smem:$0x3F8D]  }
0x2e: {  	s3 =	simm.s32 @!p0 $0x1082;
	s9 =	sld [smem:$0x3F8E]  }
0x2f: {  	lr =	sadd.s32 s0, s3;
	s0 =	sld [smem:$0x3F85]  }
0x30: {  	s3 =	sld [smem:$0x3F88]  }
0x31: {  	[smem:$0x3F91] =	sst s10  }
0x32: {  	s10 =	sld [smem:$0x3F8F];
	_ =	sdelay $0x3  }
0x33: {  	p0 =	seq.s32 s10, $0x1;
	s10 =	sld [smem:$0x3F91];
	_ =	sdelay $0x3  }
0x34: {  	[smem:$0x3F91] =	sst s10  }
0x35: {  	s10 =	sld [smem:$0x3F90];
	_ =	sdelay $0x3  }
0x36: {  	p1 =	seq.s32 s10, $0x1;
	s10 =	sld [smem:$0x3F91];
	_ =	sdelay $0x3  }
0x37: {  	[smem:$0x3F91] =	sst s10  }
0x38: {  	s10 =	sld [smem:$0x3F92]  }
0x39: {  	_ = 	snop;
	(pc) =	sbr.ind lr, $3  }
0x3a: {  	_ = 	snop  }
0x3b: {  	_ = 	snop  }
0x3c: {  	p2 =	seq.s32 s10, $0x1;
	s10 =	sld [smem:$0x3F91]  }
0x3d: {  	_ =	shalt  }
0x3e: {  	_ =	shalt  }
0x3f: {  	_ =	shalt  }
0x40: {  	_ =	shalt  }
0x41: {  	_ =	shalt  }
0x42: {  	_ =	shalt  }
0x43: {  	_ =	shalt  }
0x44: {  	_ =	shalt  }
0x45: {  	_ =	shalt  }
0x46: {  	_ =	shalt  }
0x47: {  	_ =	shalt  }
0x48: {  	_ =	shalt  }
0x49: {  	_ =	shalt  }
0x4a: {  	_ =	shalt  }
0x4b: {  	_ =	shalt  }
0x4c: {  	_ =	shalt  }
0x4d: {  	_ =	shalt  }
0x4e: {  	_ =	shalt  }
0x4f: {  	_ =	shalt  }
0x50: {  	_ =	shalt  }
0x51: {  	_ =	shalt  }
0x52: {  	_ =	shalt  }
0x53: {  	_ =	shalt  }
0x54: {  	_ =	shalt  }
0x55: {  	_ =	shalt  }
0x56: {  	_ =	shalt  }
0x57: {  	_ =	shalt  }
0x58: {  	_ =	shalt  }
0x59: {  	_ =	shalt  }
0x5a: {  	_ =	shalt  }
0x5b: {  	_ =	shalt  }
0x5c: {  	_ =	shalt  }
0x5d: {  	_ =	shalt  }
0x5e: {  	_ =	shalt  }
0x5f: {  	_ =	shalt  }
0x60: {  	_ =	shalt  }
0x61: {  	_ =	shalt  }
0x62: {  	_ =	shalt  }
0x63: {  	_ =	shalt  }
0x64: {  	_ =	shalt  }
0x65: {  	_ =	shalt  }
0x66: {  	_ =	shalt  }
0x67: {  	_ =	shalt  }
0x68: {  	_ =	shalt  }
0x69: {  	_ =	shalt  }
0x6a: {  	_ =	shalt  }
0x6b: {  	_ =	shalt  }
0x6c: {  	_ =	shalt  }
0x6d: {  	_ =	shalt  }
0x6e: {  	_ =	shalt  }
0x6f: {  	_ =	shalt  }
0x70: {  	_ =	shalt  }
0x71: {  	_ =	shalt  }
0x72: {  	_ =	shalt  }
0x73: {  	_ =	shalt  }
0x74: {  	_ =	shalt  }
0x75: {  	_ =	shalt  }
0x76: {  	_ =	shalt  }
0x77: {  	_ =	shalt  }
0x78: {  	_ =	shalt  }
0x79: {  	_ =	shalt  }
0x7a: {  	_ =	shalt  }
0x7b: {  	_ =	shalt  }
0x7c: {  	_ =	shalt  }
0x7d: {  	_ =	shalt  }
0x7e: {  	_ =	shalt  }
0x7f: {  	_ =	shalt  }
0x80: {  	_ =	shalt  }
0x81: {  	_ =	shalt  }
0x82: {  	_ =	shalt  }
0x83: {  	_ =	shalt  }
0x84: {  	_ =	shalt  }
0x85: {  	_ =	shalt  }
0x86: {  	_ =	shalt  }
0x87: {  	_ =	shalt  }
.Lfunc_end0:
.L_simem_size_0:
called_computation.1_lowered:
.L_overlay_start_0:
0x88: {  	s2 =	sld [smem:$0x3FD9]  }
0x89: {  	s3 =	sld [smem:$0x3FFE];
	_ =	sdelay $0x1  }
0x8a: {  	s1 =	srdreg.scid  }
0x8b: {  	s0 =	sand.u32 $0x1, s1  }
0x8c: {  	s16 =	sshll.u32 s0, $0xA;
	s2 =	sadd.s32 s3, s2  }
0x8d: {  	s2 =	sadd.s32 s2, s16  }
0x8e: {  	[smem:$0x3F9D] =	sst s2  }
0x8f: {  	_ = 	snop  }
0x90: {  	(tm) =	ssettm $0x1  }
0x91: {  	s17 =	sld [smem:$0x3FFB];
	_ =	sdelay $0x3  }
0x92: {  	_ =	strace s17  }
0x93: {  	s2 =	sld [smem:$0x3FFC];
	_ =	sdelay $0x3  }
0x94: {  	_ =	strace s2  }
0x95: {  	s2 =	sld [smem:$0x3FFD];
	_ =	sdelay $0x3  }
0x96: {  	_ =	strace s2  }
0x97: {  	_ =	strace $0x8FFFFFFF  }
0x98: {  	s18 =	sld [smem:$0x3FDB];
	_ =	sdelay $0x1  }
0x99: {  	s19 =	simm.s32 $_scs_section_size  }
0x9a: {  	s4 =	simm.s32 $_size__tile_overlayer_lowered;
	s5 =	simm.s32 $_tile_overlayer_lowered  }
0x9b: {  	s22 =	simm.s32 $0x1BFF;
	s21 =	sshll.u32 s5, $0x1;
	s2 =	sadd.s32 s19, s18  }
0x9c: {  	s6 =	simm.s32 $0x0;
	s20 =	sshll.u32 s4, $0x1;
	s4 =	sadd.s32 s21, s2  }
0x9d: {  	[timem:s6], [sflag:s22] =	dma.local [hbm:s4], s20  }
0x9e: {  	_ =	swait.ge [sflag:s22], s20  }
0x9f: {  	s3 =	ssub.s32 $0x0, s20;
	[sflag:s22] =	ssyncset.done $0x0  }
0xa0: {  	[sflag:s22] =	ssyncadd.s32 s3;
	_ =	sdelay $0x1  }
0xa1: {  	s23 =	simm.s32 $0x1B8B  }
0xa2: {  	_ =	swait.ge [sflag:s23], $0x1  }
0xa3: {  	[sflag:s23] =	ssyncset.done $0x0  }
0xa4: {  	s25 =	simm.s32 $0x1B8E;
	s24 =	sld [smem:$0x3FFE];
	[sflag:s23] =	ssyncadd.s32 $0xFFFFFFFF  }
0xa5: {  	s26 =	simm.s32 $execute0_lowered;
	[smem:$0x3FD2] =	sst s25  }
0xa6: {  	s4 =	sshll.u32 s26, $0x1;
	_ =	strace $0x80000049;
	[dreg:$0x1] =	wrdreg $0xFFFFFFFF  }
0xa7: {  	s28 =	simm.s32 $_size_execute0_lowered;
	s2 =	sadd.s32 s2, s4;
	[dreg:$0x0] =	wrdreg $0x0  }
0xa8: {  	s4 =	sshll.u32 s28, $0x1;
	[dreg:$0x2] =	wrdreg s2  }
0xa9: {  	[dreg:$0x3] =	wrdreg s4  }
0xaa: {  	[dreg:$0x4] =	wrdreg $0xC0  }
0xab: {  	_ =	task [dreg:s6], $0x5FFFF  }
0xac: {  	[dreg:$0x1] =	wrdreg $0xFFFFFFFF  }
0xad: {  	[dreg:$0x0] =	wrdreg $0x60  }
0xae: {  	[dreg:$0x2] =	wrdreg s24  }
0xaf: {  	[dreg:$0x3] =	wrdreg $0xE5000  }
0xb0: {  	[dreg:$0x4] =	wrdreg $0x9  }
0xb1: {  	_ =	task.clear_ibuf [dreg:s6], $0x5FFFF;
	_ =	strace $0x90000049  }
0xb2: {  	s29 =	simm.s32 $0x9;
	_ =	strace $0x8000004B  }
0xb3: {  	_ =	swait.ge [sflag:s29], $0x1  }
0xb4: {  	[sflag:s29] =	ssyncadd.s32 $0xFFFFFFFF  }
0xb5: {  	_ =	strace $0x9000004B  }
0xb6: {  	_ =	sfence  }
0xb7: {  	s30 =	sld [smem:$0x0];
	_ =	sdelay $0x2  }
0xb8: {  	s31 =	sshll.u32 s1, $0xD;
	s1 =	sshrl.u32 s1, $0x2  }
0xb9: {  	s3 =	sand.u32 $0x4000, s31;
	s1 =	sadd.s32 s1, s30  }
0xba: {  	s0 =	sor.u32 s3, s0;
	s1 =	sshll.u32 s1, $0x11  }
0xbb: {  	s0 =	sor.u32 s1, s0  }
0xbc: {  	s0 =	sadd.s32 $0x8F2B, s0  }
0xbd: {  	[sflag:s0] =	ssyncadd.remote.s32 $0x1  }
0xbe: {  	_ =	sfence.sel $0xFFFF  }
0xbf: {  	[dreg:$0x0] =	wrdreg $0xFFFFFFFF;
	(pc) =	sbr.abs _section_cstart, $3  }
0xc0: {  	[dreg:$0x1] =	wrdreg $0xFFFFFFFF  }
0xc1: {  	_ =	task.clear_ibuf [dreg:s6], $0x2FFFF;
	_ =	strace $0x9FFFFFFF  }
0xc2: {  	(tm) =	ssettm $0x7FFFFFFF  }
0xc3: {  	_ =	shalt  }
tec
execute0_lowered:
.L_overlay_start_1:
0x0: {  	(tag) =	ssettag $0x1  }
0x1: {  	s0 =	srdreg.scid;
	s7 =	stileid.u32  }
0x2: {  	s1 =	rddreg [dreg:$0x0];
	s4 =	smul.u32 $0x4E80, s7  }
0x3: {  	s2 =	rddreg [dreg:$0x1];
	s6 =	simm.s32 $0x0;
	s11 =	smul.u32 $0xA000, s7  }
0x4: {  	s31 =	simm.s32 $0x80;
	s0 =	sand.u32 $0x1, s0;
	s7 =	smul.u32 $0x28000, s7  }
0x5: {  	s9 =	simm.s32 $0x0;
	[smem:$0x7FF] =	sst s6;
	s3 =	smul.u32 $0x4E800, s0  }
0x6: {  	s6 =	simm.s32 $0x3;
	s5 =	smul.u32 $0xA0000, s0;
	s0 =	ssub.s32 $0x2, s0  }
0x7: {  	_ =	strace $0x8000004A;
	s8 =	sshrl.u32 s0, $0x1;
	s12 =	sshrl.u32 s7, $0x2  }
0x8: {  	s14 =	sadd.s32 s11, s2;
	s3 =	sadd.s32 s4, s3;
	s4 =	sadd.s32 $0x7C400, s1  }
0x9: {  	s5 =	sadd.s32 s11, s5;
	s0 =	ssub.s32 s0, s8;
	s7 =	sadd.s32 s12, s2  }
0xa: {  	s8 =	simm.s32 $0xBD00;
	s3 =	sshrl.u32 s3, $0x3;
	s5 =	sshrl.u32 s5, $0x3  }
0xb: {  	s0 =	smax.u32 s0, $0x1;
	s22 =	sadd.s32 $0x800, s7;
	s23 =	sadd.s32 $0x1000, s7  }
0xc: {  	s24 =	sadd.s32 $0x1800, s7;
	s25 =	sadd.s32 $0x2000, s7;
	s26 =	sadd.s32 $0x2800, s7  }
0xd: {  	s15 =	sadd.s32 $0x3000, s7;
	s16 =	sadd.s32 $0x3800, s7;
	[dreg:$0x6] =	wrdreg s0  }
0xe: {  	s17 =	sadd.s32 $0x4000, s7;
	s18 =	sadd.s32 $0x4800, s7;
	[dreg:$0x7] =	wrdreg s22  }
0xf: {  	s19 =	sadd.s32 $0x5000, s7;
	s20 =	sadd.s32 $0x5800, s7;
	[dreg:$0x8] =	wrdreg s23  }
0x10: {  	s21 =	sadd.s32 $0x6000, s7;
	s28 =	sadd.s32 $0x8800, s7;
	[dreg:$0x9] =	wrdreg s24  }
0x11: {  	s29 =	sadd.s32 $0x9000, s7;
	s30 =	sadd.s32 $0x9800, s7;
	[dreg:$0xa] =	wrdreg s25  }
0x12: {  	s3 =	sadd.s32 s3, s1;
	s1 =	sadd.s32 s5, s1;
	[dreg:$0xb] =	wrdreg s26  }
0x13: {  	s22 =	sadd.s32 $0x6800, s7;
	s23 =	sadd.s32 $0x7000, s7;
	s24 =	sadd.s32 $0x7800, s7  }
0x14: {  	s25 =	sshrl.u32 s14, $0x3;
	s26 =	sadd.s32 $0x8000, s7;
	s13 =	sadd.s32 $0x1A800, s3  }
0x15: {  	s0 =	simm.s32 $0x2;
	s3 =	sadd.s32 $0x6E00, s3;
	[dreg:$0x3] =	wrdreg s13  }
0x16: {  	s5 =	simm.s32 $0xDD00;
	s1 =	sadd.s32 $0xA3600, s1;
	[dreg:$0x4] =	wrdreg s3  }
0x17: {  	v0 =	vimm.f32 $0.0e+00;
	[dreg:$0x5] =	wrdreg s1;
	s1 =	simm.s32 $0x1;
	s3 =	simm.s32 $0x9D00  }
.LBB2_1:
0x18: {  	s10 =	simm.s32 $0x0;
	s11 =	rddreg [dreg:$0x3]  }
0x19: {  	[tilespmem:s10], [sflag:$0x1] =	stream.linear.gather [hbm4b:s11+s10], $0x4E80, $0x38;
	[tilespmem:$0x18500] =	vst v63  }
0x1a: {  	s14 =	rddreg [dreg:$0x4];
	s12 =	simm.s32 $0x4E80  }
0x1b: {  	[tilespmem:s12], [sflag:$0x2] =	stream.linear.gather [hbm4b:s14+s10], $0x4E80, $0x38;
	[tilespmem:$0x18500] =	vst v63  }
0x1c: {  	s11 =	simm.s32 $0x100;
	s10 =	simm.s32 $0x0  }
.LBB2_2:
0x1d: {  	p0 =	sne.s32 s11, $0x1F00;
	[tilespmem:s10+$0xDD30] =	vst v0;
	s12 =	smov.u32 s11;
	s11 =	sadd.s32 $0x100, s11  }
.Ltmp0:
0x1e: {  	[tilespmem:s10+$0xDD20] =	vst v0;
	(pc) =	sbr.rel @p0 .LBB2_2-.Ltmp0, $3  }
0x1f: {  	[tilespmem:s10+$0xDD00] =	vst v0  }
0x20: {  	[tilespmem:s10+$0xDD10] =	vst v0;
	_ =	sdelay $0x1  }
0x21: {  	s10 =	sshra.s32 s12, $0x2  }
0x22: {  	[tilespmem:s10+$0xDD30] =	vst v0  }
0x23: {  	[tilespmem:s10+$0xDD20] =	vst v0  }
0x24: {  	[tilespmem:s10+$0xDD00] =	vst v0  }
0x25: {  	[tilespmem:s10+$0xDD10] =	vst v0  }
0x26: {  	_ =	swait.ge [sflag:s1], $0x4E80  }
0x27: {  	[sflag:s1] =	ssyncset.done $0x0  }
0x28: {  	[sflag:s1] =	ssyncadd.s32 $0xFFFFB180  }
0x29: {  	_ =	swait.ge [sflag:s0], $0x4E80  }
0x2a: {  	[sflag:s0] =	ssyncset.done $0x0  }
0x2b: {  	s13 =	simm.s32 $0x0;
	[sflag:s0] =	ssyncadd.s32 $0xFFFFB180  }
0x2c: {  	[tilespmem:s3], [sflag:$0x1] =	stream.indirect.gather [hbm4b:s4+s31], $0x40, s13, s31, $0xb8;
	[tilespmem:$0x18500] =	vst v63  }
0x2d: {  	_ = 	snop  }
0x2e: {  	[spmem:s7] =	stream.linear.scatter [tilespmem:s5], [sflag:$0x3], $0x800, $0x38;
	[tilespmem:$0x18500] =	vst v63  }
0x2f: {  	_ =	swait.ge [sflag:s6], $0x800  }
0x30: {  	[sflag:s6] =	ssyncset.done $0x0  }
0x31: {  	s14 =	rddreg [dreg:$0x7];
	[sflag:s6] =	ssyncadd.s32 $0xFFFFF800  }
0x32: {  	[spmem:s14] =	stream.linear.scatter [tilespmem:s5], [sflag:$0x3], $0x800, $0x38;
	[tilespmem:$0x18500] =	vst v63  }
0x33: {  	_ =	swait.ge [sflag:s6], $0x800  }
0x34: {  	[sflag:s6] =	ssyncset.done $0x0  }
0x35: {  	s11 =	rddreg [dreg:$0x8];
	[sflag:s6] =	ssyncadd.s32 $0xFFFFF800  }
0x36: {  	[spmem:s11] =	stream.linear.scatter [tilespmem:s5], [sflag:$0x3], $0x800, $0x38;
	[tilespmem:$0x18500] =	vst v63  }
0x37: {  	_ =	swait.ge [sflag:s6], $0x800  }
0x38: {  	[sflag:s6] =	ssyncset.done $0x0  }
0x39: {  	s12 =	rddreg [dreg:$0x9];
	[sflag:s6] =	ssyncadd.s32 $0xFFFFF800  }
0x3a: {  	[spmem:s12] =	stream.linear.scatter [tilespmem:s5], [sflag:$0x3], $0x800, $0x38;
	[tilespmem:$0x18500] =	vst v63  }
0x3b: {  	_ =	swait.ge [sflag:s6], $0x800  }
0x3c: {  	[sflag:s6] =	ssyncset.done $0x0  }
0x3d: {  	s13 =	rddreg [dreg:$0xa];
	[sflag:s6] =	ssyncadd.s32 $0xFFFFF800  }
0x3e: {  	[spmem:s13] =	stream.linear.scatter [tilespmem:s5], [sflag:$0x3], $0x800, $0x38;
	[tilespmem:$0x18500] =	vst v63  }
0x3f: {  	_ =	swait.ge [sflag:s6], $0x800  }
0x40: {  	[sflag:s6] =	ssyncset.done $0x0  }
0x41: {  	s14 =	rddreg [dreg:$0xb];
	[sflag:s6] =	ssyncadd.s32 $0xFFFFF800  }
0x42: {  	[spmem:s14] =	stream.linear.scatter [tilespmem:s5], [sflag:$0x3], $0x800, $0x38;
	[tilespmem:$0x18500] =	vst v63  }
0x43: {  	_ =	swait.ge [sflag:s6], $0x800  }
0x44: {  	[sflag:s6] =	ssyncset.done $0x0  }
0x45: {  	[sflag:s6] =	ssyncadd.s32 $0xFFFFF800  }
0x46: {  	[spmem:s15] =	stream.linear.scatter [tilespmem:s5], [sflag:$0x3], $0x800, $0x38;
	[tilespmem:$0x18500] =	vst v63  }
0x47: {  	_ =	swait.ge [sflag:s6], $0x800  }
0x48: {  	[sflag:s6] =	ssyncset.done $0x0  }
0x49: {  	[sflag:s6] =	ssyncadd.s32 $0xFFFFF800  }
0x4a: {  	[spmem:s16] =	stream.linear.scatter [tilespmem:s5], [sflag:$0x3], $0x800, $0x38;
	[tilespmem:$0x18500] =	vst v63  }
0x4b: {  	_ =	swait.ge [sflag:s6], $0x800  }
0x4c: {  	[sflag:s6] =	ssyncset.done $0x0  }
0x4d: {  	[sflag:s6] =	ssyncadd.s32 $0xFFFFF800  }
0x4e: {  	[spmem:s17] =	stream.linear.scatter [tilespmem:s5], [sflag:$0x3], $0x800, $0x38;
	[tilespmem:$0x18500] =	vst v63  }
0x4f: {  	_ =	swait.ge [sflag:s6], $0x800  }
0x50: {  	[sflag:s6] =	ssyncset.done $0x0  }
0x51: {  	[sflag:s6] =	ssyncadd.s32 $0xFFFFF800  }
0x52: {  	[spmem:s18] =	stream.linear.scatter [tilespmem:s5], [sflag:$0x3], $0x800, $0x38;
	[tilespmem:$0x18500] =	vst v63  }
0x53: {  	_ =	swait.ge [sflag:s6], $0x800  }
0x54: {  	[sflag:s6] =	ssyncset.done $0x0  }
0x55: {  	[sflag:s6] =	ssyncadd.s32 $0xFFFFF800  }
0x56: {  	[spmem:s19] =	stream.linear.scatter [tilespmem:s5], [sflag:$0x3], $0x800, $0x38;
	[tilespmem:$0x18500] =	vst v63  }
0x57: {  	_ =	swait.ge [sflag:s6], $0x800  }
0x58: {  	[sflag:s6] =	ssyncset.done $0x0  }
0x59: {  	[sflag:s6] =	ssyncadd.s32 $0xFFFFF800  }
0x5a: {  	[spmem:s20] =	stream.linear.scatter [tilespmem:s5], [sflag:$0x3], $0x800, $0x38;
	[tilespmem:$0x18500] =	vst v63  }
0x5b: {  	_ =	swait.ge [sflag:s6], $0x800  }
0x5c: {  	[sflag:s6] =	ssyncset.done $0x0  }
0x5d: {  	[sflag:s6] =	ssyncadd.s32 $0xFFFFF800  }
0x5e: {  	[spmem:s21] =	stream.linear.scatter [tilespmem:s5], [sflag:$0x3], $0x800, $0x38;
	[tilespmem:$0x18500] =	vst v63  }
0x5f: {  	_ =	swait.ge [sflag:s6], $0x800  }
0x60: {  	[sflag:s6] =	ssyncset.done $0x0  }
0x61: {  	[sflag:s6] =	ssyncadd.s32 $0xFFFFF800  }
0x62: {  	[spmem:s22] =	stream.linear.scatter [tilespmem:s5], [sflag:$0x3], $0x800, $0x38;
	[tilespmem:$0x18500] =	vst v63  }
0x63: {  	_ =	swait.ge [sflag:s6], $0x800  }
0x64: {  	[sflag:s6] =	ssyncset.done $0x0  }
0x65: {  	[sflag:s6] =	ssyncadd.s32 $0xFFFFF800  }
0x66: {  	[spmem:s23] =	stream.linear.scatter [tilespmem:s5], [sflag:$0x3], $0x800, $0x38;
	[tilespmem:$0x18500] =	vst v63  }
0x67: {  	_ =	swait.ge [sflag:s6], $0x800  }
0x68: {  	[sflag:s6] =	ssyncset.done $0x0  }
0x69: {  	[sflag:s6] =	ssyncadd.s32 $0xFFFFF800  }
0x6a: {  	[spmem:s24] =	stream.linear.scatter [tilespmem:s5], [sflag:$0x3], $0x800, $0x38;
	[tilespmem:$0x18500] =	vst v63  }
0x6b: {  	_ =	swait.ge [sflag:s6], $0x800  }
0x6c: {  	[sflag:s6] =	ssyncset.done $0x0  }
0x6d: {  	[sflag:s6] =	ssyncadd.s32 $0xFFFFF800  }
0x6e: {  	[spmem:s26] =	stream.linear.scatter [tilespmem:s5], [sflag:$0x3], $0x800, $0x38;
	[tilespmem:$0x18500] =	vst v63  }
0x6f: {  	_ =	swait.ge [sflag:s6], $0x800  }
0x70: {  	[sflag:s6] =	ssyncset.done $0x0  }
0x71: {  	[sflag:s6] =	ssyncadd.s32 $0xFFFFF800  }
0x72: {  	[spmem:s28] =	stream.linear.scatter [tilespmem:s5], [sflag:$0x3], $0x800, $0x38;
	[tilespmem:$0x18500] =	vst v63  }
0x73: {  	_ =	swait.ge [sflag:s6], $0x800  }
0x74: {  	[sflag:s6] =	ssyncset.done $0x0  }
0x75: {  	[sflag:s6] =	ssyncadd.s32 $0xFFFFF800  }
0x76: {  	[spmem:s29] =	stream.linear.scatter [tilespmem:s5], [sflag:$0x3], $0x800, $0x38;
	[tilespmem:$0x18500] =	vst v63  }
0x77: {  	_ =	swait.ge [sflag:s6], $0x800  }
0x78: {  	[sflag:s6] =	ssyncset.done $0x0  }
0x79: {  	[sflag:s6] =	ssyncadd.s32 $0xFFFFF800  }
0x7a: {  	[spmem:s30] =	stream.linear.scatter [tilespmem:s5], [sflag:$0x3], $0x800, $0x38;
	[tilespmem:$0x18500] =	vst v63  }
0x7b: {  	_ =	swait.ge [sflag:s6], $0x800  }
0x7c: {  	[sflag:s6] =	ssyncset.done $0x0  }
0x7d: {  	[sflag:s6] =	ssyncadd.s32 $0xFFFFF800  }
0x7e: {  	s11 =	simm.s32 $0x80;
	[bflag:$0x0] =	sbarrier.arrive $0xFFFF  }
0x7f: {  	[tilespmem:s8], [sflag:$0x2] =	stream.indirect.gather [hbm4b:s4+s31], $0x40, s11, s31, $0xb8;
	[tilespmem:$0x18500] =	vst v63  }
0x80: {  	_ =	swait.ge [sflag:s1], $0x2000  }
0x81: {  	[sflag:s1] =	ssyncset.done $0x0  }
0x82: {  	s12 =	simm.s32 $0x4E80;
	[sflag:s1] =	ssyncadd.s32 $0xFFFFE000  }
0x83: {  	[spmem:s2] =	stream.indirect.scatter.add.f32 [tilespmem:s3], [sflag:$0x3], $0x40, s12, s31, $0xb8;
	[tilespmem:$0x18500] =	vst v63  }
0x84: {  	_ =	swait.ge [sflag:s6], $0x2000  }
0x85: {  	[sflag:s6] =	ssyncset.done $0x0  }
0x86: {  	s13 =	simm.s32 $0x100;
	[sflag:s6] =	ssyncadd.s32 $0xFFFFE000  }
0x87: {  	[tilespmem:s3], [sflag:$0x1] =	stream.indirect.gather [hbm4b:s4+s31], $0x40, s13, s31, $0xb8;
	[tilespmem:$0x18500] =	vst v63  }
0x88: {  	_ =	swait.ge [sflag:s0], $0x2000  }
0x89: {  	[sflag:s0] =	ssyncset.done $0x0  }
0x8a: {  	s14 =	simm.s32 $0x4F00;
	[sflag:s0] =	ssyncadd.s32 $0xFFFFE000  }
0x8b: {  	[spmem:s2] =	stream.indirect.scatter.add.f32 [tilespmem:s8], [sflag:$0x3], $0x40, s14, s31, $0xb8;
	[tilespmem:$0x18500] =	vst v63  }
0x8c: {  	_ =	swait.ge [sflag:s6], $0x2000  }
0x8d: {  	s10 =	simm.s32 $0x100;
	s11 =	simm.s32 $0x800;
	[sflag:s6] =	ssyncset.done $0x0  }
.LBB2_4:
0x8e: {  	s12 =	sadd.s32 $0x80, s10  }
0x8f: {  	[sflag:s6] =	ssyncadd.s32 $0xFFFFE000;
	s13 =	smov.u32 s11;
	s14 =	sadd.s32 $0x400, s11  }
0x90: {  	[tilespmem:s8], [sflag:$0x2] =	stream.indirect.gather [hbm4b:s4+s31], $0x40, s12, s31, $0xb8;
	[tilespmem:$0x18500] =	vst v63  }
0x91: {  	p0 =	sne.s32 s11, $0x13400;
	_ =	swait.ge [sflag:s1], $0x2000  }
0x92: {  	[sflag:s1] =	ssyncset.done $0x0  }
0x93: {  	s11 =	sadd.s32 $0x4E80, s10;
	[sflag:s1] =	ssyncadd.s32 $0xFFFFE000  }
0x94: {  	[spmem:s2] =	stream.indirect.scatter.add.f32 [tilespmem:s3], [sflag:$0x3], $0x40, s11, s31, $0xb8;
	[tilespmem:$0x18500] =	vst v63  }
0x95: {  	_ =	swait.ge [sflag:s6], $0x2000  }
0x96: {  	[sflag:s6] =	ssyncset.done $0x0  }
0x97: {  	s11 =	sadd.s32 $0x100, s10;
	[sflag:s6] =	ssyncadd.s32 $0xFFFFE000  }
0x98: {  	[tilespmem:s3], [sflag:$0x1] =	stream.indirect.gather [hbm4b:s4+s31], $0x40, s11, s31, $0xb8;
	[tilespmem:$0x18500] =	vst v63  }
0x99: {  	_ =	swait.ge [sflag:s0], $0x2000  }
.Ltmp1:
0x9a: {  	[sflag:s0] =	ssyncset.done $0x0;
	(pc) =	sbr.rel @p0 .LBB2_4-.Ltmp1, $4  }
0x9b: {  	s10 =	sadd.s32 $0x4F00, s10;
	[sflag:s0] =	ssyncadd.s32 $0xFFFFE000  }
0x9c: {  	[spmem:s2] =	stream.indirect.scatter.add.f32 [tilespmem:s8], [sflag:$0x3], $0x40, s10, s31, $0xb8;
	[tilespmem:$0x18500] =	vst v63  }
0x9d: {  	_ =	swait.ge [sflag:s6], $0x2000  }
0x9e: {  	s11 =	smov.u32 s14;
	s10 =	sshra.s32 s13, $0x2;
	[sflag:s6] =	ssyncset.done $0x0  }
0x9f: {  	s11 =	sadd.s32 $0x80, s10;
	[sflag:s6] =	ssyncadd.s32 $0xFFFFE000  }
0xa0: {  	[tilespmem:s8], [sflag:$0x2] =	stream.indirect.gather [hbm4b:s4+s31], $0x40, s11, s31, $0xb8;
	[tilespmem:$0x18500] =	vst v63  }
0xa1: {  	_ =	swait.ge [sflag:s1], $0x2000  }
0xa2: {  	[sflag:s1] =	ssyncset.done $0x0  }
0xa3: {  	s12 =	sadd.s32 $0x4E80, s10;
	[sflag:s1] =	ssyncadd.s32 $0xFFFFE000  }
0xa4: {  	[spmem:s2] =	stream.indirect.scatter.add.f32 [tilespmem:s3], [sflag:$0x3], $0x40, s12, s31, $0xb8;
	[tilespmem:$0x18500] =	vst v63  }
0xa5: {  	_ =	swait.ge [sflag:s6], $0x2000  }
0xa6: {  	[sflag:s6] =	ssyncset.done $0x0  }
0xa7: {  	s13 =	sadd.s32 $0x100, s10;
	[sflag:s6] =	ssyncadd.s32 $0xFFFFE000  }
0xa8: {  	[tilespmem:s3], [sflag:$0x1] =	stream.indirect.gather [hbm4b:s4+s31], $0x40, s13, s31, $0xb8;
	[tilespmem:$0x18500] =	vst v63  }
0xa9: {  	_ =	swait.ge [sflag:s0], $0x2000  }
0xaa: {  	[sflag:s0] =	ssyncset.done $0x0  }
0xab: {  	s14 =	sadd.s32 $0x4F00, s10;
	[sflag:s0] =	ssyncadd.s32 $0xFFFFE000  }
0xac: {  	[spmem:s2] =	stream.indirect.scatter.add.f32 [tilespmem:s8], [sflag:$0x3], $0x40, s14, s31, $0xb8;
	[tilespmem:$0x18500] =	vst v63  }
0xad: {  	_ =	swait.ge [sflag:s6], $0x2000  }
0xae: {  	[sflag:s6] =	ssyncset.done $0x0  }
0xaf: {  	[sflag:s6] =	ssyncadd.s32 $0xFFFFE000  }
0xb0: {  	_ =	swait.ge [sflag:s1], $0x2000  }
0xb1: {  	[sflag:s1] =	ssyncset.done $0x0  }
0xb2: {  	s11 =	simm.s32 $0x9C80;
	[sflag:s1] =	ssyncadd.s32 $0xFFFFE000  }
0xb3: {  	[spmem:s2] =	stream.indirect.scatter.add.f32 [tilespmem:s3], [sflag:$0x3], $0x40, s11, s31, $0xb8;
	[tilespmem:$0x18500] =	vst v63  }
0xb4: {  	_ =	swait.ge [sflag:s6], $0x2000  }
0xb5: {  	[sflag:s6] =	ssyncset.done $0x0  }
0xb6: {  	s12 =	stileid.u32;
	[sflag:s6] =	ssyncadd.s32 $0xFFFFE000  }
0xb7: {  	s10 =	sshll.u32 s12, $0x6;
	[bflag:$0x0] =	sbarrier.arrive $0xFFFF  }
0xb8: {  	s10 =	sor.u32 $0x1C03, s10;
	s13 =	rddreg [dreg:$0x5]  }
0xb9: {  	[hbm:s13], [sflag:s10] =	dma.local [spmem:s25], $0x1400  }
0xba: {  	_ =	swait.ge [sflag:s6], $0x1400  }
0xbb: {  	s9 =	sadd.s32 $0x1, s9;
	s14 =	rddreg [dreg:$0x6]  }
0xbc: {  	p0 =	sne.s32 s9, s14  }
.Ltmp2:
0xbd: {  	_ = 	snop;
	(pc) =	sbr.rel @p0 .LBB2_1-.Ltmp2, $3  }
0xbe: {  	_ =	sdelay $0x1  }
0xbf: {  	[sflag:s6] =	ssyncset.done $0x0  }
0xc0: {  	[sflag:s6] =	ssyncadd.s32 $0xFFFFEC00  }
0xc1: {  	_ =	sfence.sel $0x180000  }
0xc2: {  	[bflag:$0x0] =	sbarrier.arrive $0xFFFF  }
0xc3: {  	_ =	strace $0x9000004A  }
0xc4: {  	s0 =	stileid.u32;
	[bflag:$0x2] =	sbarrier.arrive $0xFFFF  }
0xc5: {  	p0 =	sne.s32 s0, $0x0;
	s0 =	rddreg [dreg:$0x2]  }
0xc6: {  	s0 =	sadd.s32 @!p0 $0x100000, s0  }
0xc7: {  	[sflag:s0] =	ssyncadd.tile.s32 @!p0 $0x1;
	_ =	shalt  }
.Lfunc_end2:
_tile_overlayer_lowered:
.L_overlay_start_2:
0xc8: {  	(tag) =	ssettag $0x2  }
0xc9: {  	s0 =	rddreg [dreg:$0x0];
	s2 =	stileid.u32  }
0xca: {  	s1 =	rddreg [dreg:$0x1];
	p0 =	sne.s32 s2, $0x0  }
0xcb: {  	s3 =	rddreg [dreg:$0x2];
	[bflag:$0x3] =	sbarrier.arrive $0xFFFF;
	s2 =	simm.s32 @!p0 $0x1C03  }
0xcc: {  	[timem:s3], [sflag:s2] =	dma.local @!p0 [hbm:s0], s1  }
0xcd: {  	s0 =	simm.s32 @!p0 $0x3  }
0xce: {  	_ =	swait.ge @!p0 [sflag:s0], s1  }
0xcf: {  	s1 =	ssub.s32 @!p0 $0x0, s1;
	[sflag:s0] =	ssyncset.done @!p0 $0x0  }
0xd0: {  	[sflag:s0] =	ssyncadd.s32 @!p0 s1  }
0xd1: {  	[bflag:$0x3] =	sbarrier.arrive $0xFFFF  }
0xd2: {  	_ =	shalt  }

// kernel: kernel.16.cloned.1.call-start
scs
__scs_entry_jumppad:
0x0: {  	(pc) =	sbr.rel $0x88, $3  }
0x1: {  	(tag) =	ssettag $0x0;
	lr =	simm.s32 $0x1  }
0x2: {  	[smem:$0x3F76] =	sst lr;
	_ =	strace $0xD0000000  }
0x3: {  	_ = 	snop  }
0x4: {  	_ = 	snop  }
0x5: {  	_ = 	snop  }
0x6: {  	_ = 	snop  }
0x7: {  	_ = 	snop  }
__scs_overlays_trampoline_lowered:
0x8: {  	[smem:$0x3F85] =	sst s0  }
0x9: {  	[smem:$0x3F86] =	sst s1  }
0xa: {  	[smem:$0x3F87] =	sst s2  }
0xb: {  	[smem:$0x3F88] =	sst s3  }
0xc: {  	[smem:$0x3F89] =	sst s4  }
0xd: {  	[smem:$0x3F8A] =	sst s5  }
0xe: {  	[smem:$0x3F8B] =	sst s6  }
0xf: {  	[smem:$0x3F8C] =	sst s7  }
0x10: {  	[smem:$0x3F8D] =	sst s8  }
0x11: {  	[smem:$0x3F8E] =	sst s9;
	s0 =	simm.s32 @!p0 $0x0  }
0x12: {  	s1 =	sld [smem:$0x3F74];
	s0 =	simm.s32 @p0 $0x1  }
0x13: {  	[smem:$0x3F8F] =	sst s0;
	s0 =	simm.s32 @!p1 $0x0  }
0x14: {  	s2 =	sld [smem:$0x3F73];
	s0 =	simm.s32 @p1 $0x1  }
0x15: {  	[smem:$0x3F90] =	sst s0;
	s0 =	simm.s32 @!p2 $0x0  }
0x16: {  	s3 =	sld [smem:$0x3FDB];
	s0 =	simm.s32 @p2 $0x1  }
0x17: {  	s4 =	simm.s32 $0x1BF5;
	[smem:$0x3F92] =	sst s0  }
0x18: {  	s0 =	sld [smem:$0x3F75];
	_ =	swait.ge [sflag:s4], $0x0  }
0x19: {  	s7 =	sld [smem:$0x3F76]  }
0x1a: {  	s8 =	sadd.s32 $0xFFFFE003, lr  }
0x1b: {  	s9 =	sadd.s32 $0xFFFFFEF7, lr;
	s5 =	simm.s32 $0xFFFFFFFF;
	p2 =	slt.u32 s8, $0xFFFFF086  }
0x1c: {  	p1 =	slt.u32 s9, $0xF7A;
	s5 =	simm.s32 @!p2 $0x0  }
0x1d: {  	s5 =	simm.s32 @p1 $0x1;
	p0 =	seq.s32 s7, s2  }
0x1e: {  	s7 =	smul.u32 @!p0 $0xF7A, s2;
	p2 =	seq.s32 @!p0 s5, $0x0  }
0x1f: {  	s9 =	smul.u32 $0xF7A, s1;
	s8 =	simm.s32 @!p0 $0x1BF5;
	p2 =	por !p2, p0  }
0x20: {  	[sflag:s8] =	ssyncset.s32 @!p0 $0xFFFFF086;
	s6 =	sadd.s32 @!p0 s3, s7;
	s7 =	simm.s32 @!p0 $0x108  }
0x21: {  	s3 =	sadd.s32 s3, s9;
	s6 =	sadd.s32 @!p0 $0x88, s6;
	s7 =	simm.s32 @p2 $0x1082  }
0x22: {  	[simem:s7], [sflag:s8] =	dma.local @!p0 [hbm:s6], $0xF7A  }
0x23: {  	s9 =	sor.u32 $0xD0000000, s2;
	s6 =	simm.s32 $0x108;
	_ =	swait.ge @!p0 [sflag:s8], $0x0  }
0x24: {  	s3 =	sadd.s32 $0x88, s3;
	s6 =	simm.s32 @!p1 $0x1082;
	[sflag:s4] =	ssyncset.s32 $0xFFFFF086  }
0x25: {  	[simem:s6], [sflag:s4] =	dma.local [hbm:s3], $0xF7A  }
0x26: {  	[smem:$0x3F76] =	sst s1;
	(tag) =	ssettag s2;
	_ =	strace s9  }
0x27: {  	s1 =	sld [smem:$0x3F86]  }
0x28: {  	s2 =	sld [smem:$0x3F87]  }
0x29: {  	s4 =	sld [smem:$0x3F89]  }
0x2a: {  	p0 =	seq.s32 s5, $0x0;
	s5 =	sld [smem:$0x3F8A]  }
0x2b: {  	s6 =	sld [smem:$0x3F8B]  }
0x2c: {  	s7 =	sld [smem:$0x3F8C]  }
0x2d: {  	s3 =	simm.s32 $0x108;
	s8 =	sld [smem:$0x3F8D]  }
0x2e: {  	s3 =	simm.s32 @!p0 $0x1082;
	s9 =	sld [smem:$0x3F8E]  }
0x2f: {  	lr =	sadd.s32 s0, s3;
	s0 =	sld [smem:$0x3F85]  }
0x30: {  	s3 =	sld [smem:$0x3F88]  }
0x31: {  	[smem:$0x3F91] =	sst s10  }
0x32: {  	s10 =	sld [smem:$0x3F8F];
	_ =	sdelay $0x3  }
0x33: {  	p0 =	seq.s32 s10, $0x1;
	s10 =	sld [smem:$0x3F91];
	_ =	sdelay $0x3  }
0x34: {  	[smem:$0x3F91] =	sst s10  }
0x35: {  	s10 =	sld [smem:$0x3F90];
	_ =	sdelay $0x3  }
0x36: {  	p1 =	seq.s32 s10, $0x1;
	s10 =	sld [smem:$0x3F91];
	_ =	sdelay $0x3  }
0x37: {  	[smem:$0x3F91] =	sst s10  }
0x38: {  	s10 =	sld [smem:$0x3F92]  }
0x39: {  	_ = 	snop;
	(pc) =	sbr.ind lr, $3  }
0x3a: {  	_ = 	snop  }
0x3b: {  	_ = 	snop  }
0x3c: {  	p2 =	seq.s32 s10, $0x1;
	s10 =	sld [smem:$0x3F91]  }
0x3d: {  	_ =	shalt  }
0x3e: {  	_ =	shalt  }
0x3f: {  	_ =	shalt  }
0x40: {  	_ =	shalt  }
0x41: {  	_ =	shalt  }
0x42: {  	_ =	shalt  }
0x43: {  	_ =	shalt  }
0x44: {  	_ =	shalt  }
0x45: {  	_ =	shalt  }
0x46: {  	_ =	shalt  }
0x47: {  	_ =	shalt  }
0x48: {  	_ =	shalt  }
0x49: {  	_ =	shalt  }
0x4a: {  	_ =	shalt  }
0x4b: {  	_ =	shalt  }
0x4c: {  	_ =	shalt  }
0x4d: {  	_ =	shalt  }
0x4e: {  	_ =	shalt  }
0x4f: {  	_ =	shalt  }
0x50: {  	_ =	shalt  }
0x51: {  	_ =	shalt  }
0x52: {  	_ =	shalt  }
0x53: {  	_ =	shalt  }
0x54: {  	_ =	shalt  }
0x55: {  	_ =	shalt  }
0x56: {  	_ =	shalt  }
0x57: {  	_ =	shalt  }
0x58: {  	_ =	shalt  }
0x59: {  	_ =	shalt  }
0x5a: {  	_ =	shalt  }
0x5b: {  	_ =	shalt  }
0x5c: {  	_ =	shalt  }
0x5d: {  	_ =	shalt  }
0x5e: {  	_ =	shalt  }
0x5f: {  	_ =	shalt  }
0x60: {  	_ =	shalt  }
0x61: {  	_ =	shalt  }
0x62: {  	_ =	shalt  }
0x63: {  	_ =	shalt  }
0x64: {  	_ =	shalt  }
0x65: {  	_ =	shalt  }
0x66: {  	_ =	shalt  }
0x67: {  	_ =	shalt  }
0x68: {  	_ =	shalt  }
0x69: {  	_ =	shalt  }
0x6a: {  	_ =	shalt  }
0x6b: {  	_ =	shalt  }
0x6c: {  	_ =	shalt  }
0x6d: {  	_ =	shalt  }
0x6e: {  	_ =	shalt  }
0x6f: {  	_ =	shalt  }
0x70: {  	_ =	shalt  }
0x71: {  	_ =	shalt  }
0x72: {  	_ =	shalt  }
0x73: {  	_ =	shalt  }
0x74: {  	_ =	shalt  }
0x75: {  	_ =	shalt  }
0x76: {  	_ =	shalt  }
0x77: {  	_ =	shalt  }
0x78: {  	_ =	shalt  }
0x79: {  	_ =	shalt  }
0x7a: {  	_ =	shalt  }
0x7b: {  	_ =	shalt  }
0x7c: {  	_ =	shalt  }
0x7d: {  	_ =	shalt  }
0x7e: {  	_ =	shalt  }
0x7f: {  	_ =	shalt  }
0x80: {  	_ =	shalt  }
0x81: {  	_ =	shalt  }
0x82: {  	_ =	shalt  }
0x83: {  	_ =	shalt  }
0x84: {  	_ =	shalt  }
0x85: {  	_ =	shalt  }
0x86: {  	_ =	shalt  }
0x87: {  	_ =	shalt  }
.Lfunc_end0:
.L_simem_size_0:
called_computation.2_lowered:
.L_overlay_start_0:
0x88: {  	s2 =	sld [smem:$0x3FD9]  }
0x89: {  	s3 =	sld [smem:$0x3FFE];
	_ =	sdelay $0x1  }
0x8a: {  	s1 =	srdreg.scid  }
0x8b: {  	s0 =	sand.u32 $0x1, s1  }
0x8c: {  	s16 =	sshll.u32 s0, $0xA;
	s2 =	sadd.s32 s3, s2  }
0x8d: {  	s2 =	sadd.s32 s2, s16  }
0x8e: {  	[smem:$0x3F9D] =	sst s2  }
0x8f: {  	_ = 	snop  }
0x90: {  	(tm) =	ssettm $0x1  }
0x91: {  	s17 =	sld [smem:$0x3FFB];
	_ =	sdelay $0x3  }
0x92: {  	_ =	strace s17  }
0x93: {  	s2 =	sld [smem:$0x3FFC];
	_ =	sdelay $0x3  }
0x94: {  	_ =	strace s2  }
0x95: {  	s2 =	sld [smem:$0x3FFD];
	_ =	sdelay $0x3  }
0x96: {  	_ =	strace s2  }
0x97: {  	_ =	strace $0x8FFFFFFF  }
0x98: {  	s18 =	sld [smem:$0x3FDB];
	_ =	sdelay $0x1  }
0x99: {  	s19 =	simm.s32 $_scs_section_size  }
0x9a: {  	s4 =	simm.s32 $_size__tile_overlayer_lowered;
	s5 =	simm.s32 $_tile_overlayer_lowered  }
0x9b: {  	s22 =	simm.s32 $0x1BFF;
	s21 =	sshll.u32 s5, $0x1;
	s2 =	sadd.s32 s19, s18  }
0x9c: {  	s6 =	simm.s32 $0x0;
	s20 =	sshll.u32 s4, $0x1;
	s4 =	sadd.s32 s21, s2  }
0x9d: {  	[timem:s6], [sflag:s22] =	dma.local [hbm:s4], s20  }
0x9e: {  	_ =	swait.ge [sflag:s22], s20  }
0x9f: {  	s3 =	ssub.s32 $0x0, s20;
	[sflag:s22] =	ssyncset.done $0x0  }
0xa0: {  	[sflag:s22] =	ssyncadd.s32 s3;
	_ =	sdelay $0x1  }
0xa1: {  	s23 =	simm.s32 $0x1B8B  }
0xa2: {  	_ =	swait.ge [sflag:s23], $0x1  }
0xa3: {  	[sflag:s23] =	ssyncset.done $0x0  }
0xa4: {  	s25 =	simm.s32 $0x1B8E;
	s24 =	sld [smem:$0x3FFE];
	[sflag:s23] =	ssyncadd.s32 $0xFFFFFFFF  }
0xa5: {  	s26 =	simm.s32 $execute0_lowered;
	[smem:$0x3FD2] =	sst s25  }
0xa6: {  	s4 =	sshll.u32 s26, $0x1;
	_ =	strace $0x8000004C;
	[dreg:$0x1] =	wrdreg $0xFFFFFFFF  }
0xa7: {  	s28 =	simm.s32 $_size_execute0_lowered;
	s2 =	sadd.s32 s2, s4;
	[dreg:$0x0] =	wrdreg $0x0  }
0xa8: {  	s4 =	sshll.u32 s28, $0x1;
	[dreg:$0x2] =	wrdreg s2  }
0xa9: {  	[dreg:$0x3] =	wrdreg s4  }
0xaa: {  	[dreg:$0x4] =	wrdreg $0xC0  }
0xab: {  	_ =	task [dreg:s6], $0x5FFFF  }
0xac: {  	[dreg:$0x1] =	wrdreg $0xFFFFFFFF  }
0xad: {  	[dreg:$0x0] =	wrdreg $0x60  }
0xae: {  	[dreg:$0x2] =	wrdreg s24  }
0xaf: {  	[dreg:$0x3] =	wrdreg $0xE5000  }
0xb0: {  	[dreg:$0x4] =	wrdreg $0x9  }
0xb1: {  	_ =	task.clear_ibuf [dreg:s6], $0x5FFFF;
	_ =	strace $0x9000004C  }
0xb2: {  	s29 =	simm.s32 $0x9;
	_ =	strace $0x8000004E  }
0xb3: {  	_ =	swait.ge [sflag:s29], $0x1  }
0xb4: {  	[sflag:s29] =	ssyncadd.s32 $0xFFFFFFFF  }
0xb5: {  	_ =	strace $0x9000004E  }
0xb6: {  	_ =	sfence  }
0xb7: {  	s30 =	sld [smem:$0x0];
	_ =	sdelay $0x2  }
0xb8: {  	s31 =	sshll.u32 s1, $0xD;
	s1 =	sshrl.u32 s1, $0x2  }
0xb9: {  	s3 =	sand.u32 $0x4000, s31;
	s1 =	sadd.s32 s1, s30  }
0xba: {  	s0 =	sor.u32 s3, s0;
	s1 =	sshll.u32 s1, $0x11  }
0xbb: {  	s0 =	sor.u32 s1, s0  }
0xbc: {  	s0 =	sadd.s32 $0x8F2B, s0  }
0xbd: {  	[sflag:s0] =	ssyncadd.remote.s32 $0x1  }
0xbe: {  	_ =	sfence.sel $0xFFFF  }
0xbf: {  	[dreg:$0x0] =	wrdreg $0xFFFFFFFF;
	(pc) =	sbr.abs _section_cstart, $3  }
0xc0: {  	[dreg:$0x1] =	wrdreg $0xFFFFFFFF  }
0xc1: {  	_ =	task.clear_ibuf [dreg:s6], $0x2FFFF;
	_ =	strace $0x9FFFFFFF  }
0xc2: {  	(tm) =	ssettm $0x7FFFFFFF  }
0xc3: {  	_ =	shalt  }
tec
execute0_lowered:
.L_overlay_start_1:
0x0: {  	(tag) =	ssettag $0x1  }
0x1: {  	s0 =	srdreg.scid;
	s7 =	stileid.u32  }
0x2: {  	s1 =	rddreg [dreg:$0x0];
	s4 =	smul.u32 $0x4E80, s7  }
0x3: {  	s2 =	rddreg [dreg:$0x1];
	s6 =	simm.s32 $0x0;
	s11 =	smul.u32 $0xA000, s7  }
0x4: {  	s31 =	simm.s32 $0x80;
	s0 =	sand.u32 $0x1, s0;
	s7 =	smul.u32 $0x28000, s7  }
0x5: {  	s9 =	simm.s32 $0x0;
	[smem:$0x7FF] =	sst s6;
	s3 =	smul.u32 $0x4E800, s0  }
0x6: {  	s6 =	simm.s32 $0x3;
	s5 =	smul.u32 $0xA0000, s0;
	s0 =	ssub.s32 $0x2, s0  }
0x7: {  	_ =	strace $0x8000004D;
	s8 =	sshrl.u32 s0, $0x1;
	s12 =	sshrl.u32 s7, $0x2  }
0x8: {  	s14 =	sadd.s32 s11, s2;
	s3 =	sadd.s32 s4, s3;
	s4 =	sadd.s32 $0x7C400, s1  }
0x9: {  	s5 =	sadd.s32 s11, s5;
	s0 =	ssub.s32 s0, s8;
	s7 =	sadd.s32 s12, s2  }
0xa: {  	s8 =	simm.s32 $0xBD00;
	s3 =	sshrl.u32 s3, $0x3;
	s5 =	sshrl.u32 s5, $0x3  }
0xb: {  	s0 =	smax.u32 s0, $0x1;
	s22 =	sadd.s32 $0x800, s7;
	s23 =	sadd.s32 $0x1000, s7  }
0xc: {  	s24 =	sadd.s32 $0x1800, s7;
	s25 =	sadd.s32 $0x2000, s7;
	s26 =	sadd.s32 $0x2800, s7  }
0xd: {  	s15 =	sadd.s32 $0x3000, s7;
	s16 =	sadd.s32 $0x3800, s7;
	[dreg:$0x6] =	wrdreg s0  }
0xe: {  	s17 =	sadd.s32 $0x4000, s7;
	s18 =	sadd.s32 $0x4800, s7;
	[dreg:$0x7] =	wrdreg s22  }
0xf: {  	s19 =	sadd.s32 $0x5000, s7;
	s20 =	sadd.s32 $0x5800, s7;
	[dreg:$0x8] =	wrdreg s23  }
0x10: {  	s21 =	sadd.s32 $0x6000, s7;
	s28 =	sadd.s32 $0x8800, s7;
	[dreg:$0x9] =	wrdreg s24  }
0x11: {  	s29 =	sadd.s32 $0x9000, s7;
	s30 =	sadd.s32 $0x9800, s7;
	[dreg:$0xa] =	wrdreg s25  }
0x12: {  	s3 =	sadd.s32 s3, s1;
	s1 =	sadd.s32 s5, s1;
	[dreg:$0xb] =	wrdreg s26  }
0x13: {  	s22 =	sadd.s32 $0x6800, s7;
	s23 =	sadd.s32 $0x7000, s7;
	s24 =	sadd.s32 $0x7800, s7  }
0x14: {  	s25 =	sshrl.u32 s14, $0x3;
	s26 =	sadd.s32 $0x8000, s7;
	s13 =	sadd.s32 $0x1A800, s3  }
0x15: {  	s0 =	simm.s32 $0x2;
	s3 =	sadd.s32 $0x6E00, s3;
	[dreg:$0x3] =	wrdreg s13  }
0x16: {  	s5 =	simm.s32 $0xDD00;
	s1 =	sadd.s32 $0xA3600, s1;
	[dreg:$0x4] =	wrdreg s3  }
0x17: {  	v0 =	vimm.f32 $0.0e+00;
	[dreg:$0x5] =	wrdreg s1;
	s1 =	simm.s32 $0x1;
	s3 =	simm.s32 $0x9D00  }
.LBB2_1:
0x18: {  	s10 =	simm.s32 $0x0;
	s11 =	rddreg [dreg:$0x3]  }
0x19: {  	[tilespmem:s10], [sflag:$0x1] =	stream.linear.gather [hbm4b:s11+s10], $0x4E80, $0x38;
	[tilespmem:$0x18500] =	vst v63  }
0x1a: {  	s14 =	rddreg [dreg:$0x4];
	s12 =	simm.s32 $0x4E80  }
0x1b: {  	[tilespmem:s12], [sflag:$0x2] =	stream.linear.gather [hbm4b:s14+s10], $0x4E80, $0x38;
	[tilespmem:$0x18500] =	vst v63  }
0x1c: {  	s11 =	simm.s32 $0x100;
	s10 =	simm.s32 $0x0  }
.LBB2_2:
0x1d: {  	p0 =	sne.s32 s11, $0x1F00;
	[tilespmem:s10+$0xDD30] =	vst v0;
	s12 =	smov.u32 s11;
	s11 =	sadd.s32 $0x100, s11  }
.Ltmp0:
0x1e: {  	[tilespmem:s10+$0xDD20] =	vst v0;
	(pc) =	sbr.rel @p0 .LBB2_2-.Ltmp0, $3  }
0x1f: {  	[tilespmem:s10+$0xDD00] =	vst v0  }
0x20: {  	[tilespmem:s10+$0xDD10] =	vst v0;
	_ =	sdelay $0x1  }
0x21: {  	s10 =	sshra.s32 s12, $0x2  }
0x22: {  	[tilespmem:s10+$0xDD30] =	vst v0  }
0x23: {  	[tilespmem:s10+$0xDD20] =	vst v0  }
0x24: {  	[tilespmem:s10+$0xDD00] =	vst v0  }
0x25: {  	[tilespmem:s10+$0xDD10] =	vst v0  }
0x26: {  	_ =	swait.ge [sflag:s1], $0x4E80  }
0x27: {  	[sflag:s1] =	ssyncset.done $0x0  }
0x28: {  	[sflag:s1] =	ssyncadd.s32 $0xFFFFB180  }
0x29: {  	_ =	swait.ge [sflag:s0], $0x4E80  }
0x2a: {  	[sflag:s0] =	ssyncset.done $0x0  }
0x2b: {  	s13 =	simm.s32 $0x0;
	[sflag:s0] =	ssyncadd.s32 $0xFFFFB180  }
0x2c: {  	[tilespmem:s3], [sflag:$0x1] =	stream.indirect.gather [hbm4b:s4+s31], $0x40, s13, s31, $0xb8;
	[tilespmem:$0x18500] =	vst v63  }
0x2d: {  	_ = 	snop  }
0x2e: {  	[spmem:s7] =	stream.linear.scatter [tilespmem:s5], [sflag:$0x3], $0x800, $0x38;
	[tilespmem:$0x18500] =	vst v63  }
0x2f: {  	_ =	swait.ge [sflag:s6], $0x800  }
0x30: {  	[sflag:s6] =	ssyncset.done $0x0  }
0x31: {  	s14 =	rddreg [dreg:$0x7];
	[sflag:s6] =	ssyncadd.s32 $0xFFFFF800  }
0x32: {  	[spmem:s14] =	stream.linear.scatter [tilespmem:s5], [sflag:$0x3], $0x800, $0x38;
	[tilespmem:$0x18500] =	vst v63  }
0x33: {  	_ =	swait.ge [sflag:s6], $0x800  }
0x34: {  	[sflag:s6] =	ssyncset.done $0x0  }
0x35: {  	s11 =	rddreg [dreg:$0x8];
	[sflag:s6] =	ssyncadd.s32 $0xFFFFF800  }
0x36: {  	[spmem:s11] =	stream.linear.scatter [tilespmem:s5], [sflag:$0x3], $0x800, $0x38;
	[tilespmem:$0x18500] =	vst v63  }
0x37: {  	_ =	swait.ge [sflag:s6], $0x800  }
0x38: {  	[sflag:s6] =	ssyncset.done $0x0  }
0x39: {  	s12 =	rddreg [dreg:$0x9];
	[sflag:s6] =	ssyncadd.s32 $0xFFFFF800  }
0x3a: {  	[spmem:s12] =	stream.linear.scatter [tilespmem:s5], [sflag:$0x3], $0x800, $0x38;
	[tilespmem:$0x18500] =	vst v63  }
0x3b: {  	_ =	swait.ge [sflag:s6], $0x800  }
0x3c: {  	[sflag:s6] =	ssyncset.done $0x0  }
0x3d: {  	s13 =	rddreg [dreg:$0xa];
	[sflag:s6] =	ssyncadd.s32 $0xFFFFF800  }
0x3e: {  	[spmem:s13] =	stream.linear.scatter [tilespmem:s5], [sflag:$0x3], $0x800, $0x38;
	[tilespmem:$0x18500] =	vst v63  }
0x3f: {  	_ =	swait.ge [sflag:s6], $0x800  }
0x40: {  	[sflag:s6] =	ssyncset.done $0x0  }
0x41: {  	s14 =	rddreg [dreg:$0xb];
	[sflag:s6] =	ssyncadd.s32 $0xFFFFF800  }
0x42: {  	[spmem:s14] =	stream.linear.scatter [tilespmem:s5], [sflag:$0x3], $0x800, $0x38;
	[tilespmem:$0x18500] =	vst v63  }
0x43: {  	_ =	swait.ge [sflag:s6], $0x800  }
0x44: {  	[sflag:s6] =	ssyncset.done $0x0  }
0x45: {  	[sflag:s6] =	ssyncadd.s32 $0xFFFFF800  }
0x46: {  	[spmem:s15] =	stream.linear.scatter [tilespmem:s5], [sflag:$0x3], $0x800, $0x38;
	[tilespmem:$0x18500] =	vst v63  }
0x47: {  	_ =	swait.ge [sflag:s6], $0x800  }
0x48: {  	[sflag:s6] =	ssyncset.done $0x0  }
0x49: {  	[sflag:s6] =	ssyncadd.s32 $0xFFFFF800  }
0x4a: {  	[spmem:s16] =	stream.linear.scatter [tilespmem:s5], [sflag:$0x3], $0x800, $0x38;
	[tilespmem:$0x18500] =	vst v63  }
0x4b: {  	_ =	swait.ge [sflag:s6], $0x800  }
0x4c: {  	[sflag:s6] =	ssyncset.done $0x0  }
0x4d: {  	[sflag:s6] =	ssyncadd.s32 $0xFFFFF800  }
0x4e: {  	[spmem:s17] =	stream.linear.scatter [tilespmem:s5], [sflag:$0x3], $0x800, $0x38;
	[tilespmem:$0x18500] =	vst v63  }
0x4f: {  	_ =	swait.ge [sflag:s6], $0x800  }
0x50: {  	[sflag:s6] =	ssyncset.done $0x0  }
0x51: {  	[sflag:s6] =	ssyncadd.s32 $0xFFFFF800  }
0x52: {  	[spmem:s18] =	stream.linear.scatter [tilespmem:s5], [sflag:$0x3], $0x800, $0x38;
	[tilespmem:$0x18500] =	vst v63  }
0x53: {  	_ =	swait.ge [sflag:s6], $0x800  }
0x54: {  	[sflag:s6] =	ssyncset.done $0x0  }
0x55: {  	[sflag:s6] =	ssyncadd.s32 $0xFFFFF800  }
0x56: {  	[spmem:s19] =	stream.linear.scatter [tilespmem:s5], [sflag:$0x3], $0x800, $0x38;
	[tilespmem:$0x18500] =	vst v63  }
0x57: {  	_ =	swait.ge [sflag:s6], $0x800  }
0x58: {  	[sflag:s6] =	ssyncset.done $0x0  }
0x59: {  	[sflag:s6] =	ssyncadd.s32 $0xFFFFF800  }
0x5a: {  	[spmem:s20] =	stream.linear.scatter [tilespmem:s5], [sflag:$0x3], $0x800, $0x38;
	[tilespmem:$0x18500] =	vst v63  }
0x5b: {  	_ =	swait.ge [sflag:s6], $0x800  }
0x5c: {  	[sflag:s6] =	ssyncset.done $0x0  }
0x5d: {  	[sflag:s6] =	ssyncadd.s32 $0xFFFFF800  }
0x5e: {  	[spmem:s21] =	stream.linear.scatter [tilespmem:s5], [sflag:$0x3], $0x800, $0x38;
	[tilespmem:$0x18500] =	vst v63  }
0x5f: {  	_ =	swait.ge [sflag:s6], $0x800  }
0x60: {  	[sflag:s6] =	ssyncset.done $0x0  }
0x61: {  	[sflag:s6] =	ssyncadd.s32 $0xFFFFF800  }
0x62: {  	[spmem:s22] =	stream.linear.scatter [tilespmem:s5], [sflag:$0x3], $0x800, $0x38;
	[tilespmem:$0x18500] =	vst v63  }
0x63: {  	_ =	swait.ge [sflag:s6], $0x800  }
0x64: {  	[sflag:s6] =	ssyncset.done $0x0  }
0x65: {  	[sflag:s6] =	ssyncadd.s32 $0xFFFFF800  }
0x66: {  	[spmem:s23] =	stream.linear.scatter [tilespmem:s5], [sflag:$0x3], $0x800, $0x38;
	[tilespmem:$0x18500] =	vst v63  }
0x67: {  	_ =	swait.ge [sflag:s6], $0x800  }
0x68: {  	[sflag:s6] =	ssyncset.done $0x0  }
0x69: {  	[sflag:s6] =	ssyncadd.s32 $0xFFFFF800  }
0x6a: {  	[spmem:s24] =	stream.linear.scatter [tilespmem:s5], [sflag:$0x3], $0x800, $0x38;
	[tilespmem:$0x18500] =	vst v63  }
0x6b: {  	_ =	swait.ge [sflag:s6], $0x800  }
0x6c: {  	[sflag:s6] =	ssyncset.done $0x0  }
0x6d: {  	[sflag:s6] =	ssyncadd.s32 $0xFFFFF800  }
0x6e: {  	[spmem:s26] =	stream.linear.scatter [tilespmem:s5], [sflag:$0x3], $0x800, $0x38;
	[tilespmem:$0x18500] =	vst v63  }
0x6f: {  	_ =	swait.ge [sflag:s6], $0x800  }
0x70: {  	[sflag:s6] =	ssyncset.done $0x0  }
0x71: {  	[sflag:s6] =	ssyncadd.s32 $0xFFFFF800  }
0x72: {  	[spmem:s28] =	stream.linear.scatter [tilespmem:s5], [sflag:$0x3], $0x800, $0x38;
	[tilespmem:$0x18500] =	vst v63  }
0x73: {  	_ =	swait.ge [sflag:s6], $0x800  }
0x74: {  	[sflag:s6] =	ssyncset.done $0x0  }
0x75: {  	[sflag:s6] =	ssyncadd.s32 $0xFFFFF800  }
0x76: {  	[spmem:s29] =	stream.linear.scatter [tilespmem:s5], [sflag:$0x3], $0x800, $0x38;
	[tilespmem:$0x18500] =	vst v63  }
0x77: {  	_ =	swait.ge [sflag:s6], $0x800  }
0x78: {  	[sflag:s6] =	ssyncset.done $0x0  }
0x79: {  	[sflag:s6] =	ssyncadd.s32 $0xFFFFF800  }
0x7a: {  	[spmem:s30] =	stream.linear.scatter [tilespmem:s5], [sflag:$0x3], $0x800, $0x38;
	[tilespmem:$0x18500] =	vst v63  }
0x7b: {  	_ =	swait.ge [sflag:s6], $0x800  }
0x7c: {  	[sflag:s6] =	ssyncset.done $0x0  }
0x7d: {  	[sflag:s6] =	ssyncadd.s32 $0xFFFFF800  }
0x7e: {  	s11 =	simm.s32 $0x80;
	[bflag:$0x0] =	sbarrier.arrive $0xFFFF  }
0x7f: {  	[tilespmem:s8], [sflag:$0x2] =	stream.indirect.gather [hbm4b:s4+s31], $0x40, s11, s31, $0xb8;
	[tilespmem:$0x18500] =	vst v63  }
0x80: {  	_ =	swait.ge [sflag:s1], $0x2000  }
0x81: {  	[sflag:s1] =	ssyncset.done $0x0  }
0x82: {  	s12 =	simm.s32 $0x4E80;
	[sflag:s1] =	ssyncadd.s32 $0xFFFFE000  }
0x83: {  	[spmem:s2] =	stream.indirect.scatter.add.f32 [tilespmem:s3], [sflag:$0x3], $0x40, s12, s31, $0xb8;
	[tilespmem:$0x18500] =	vst v63  }
0x84: {  	_ =	swait.ge [sflag:s6], $0x2000  }
0x85: {  	[sflag:s6] =	ssyncset.done $0x0  }
0x86: {  	s13 =	simm.s32 $0x100;
	[sflag:s6] =	ssyncadd.s32 $0xFFFFE000  }
0x87: {  	[tilespmem:s3], [sflag:$0x1] =	stream.indirect.gather [hbm4b:s4+s31], $0x40, s13, s31, $0xb8;
	[tilespmem:$0x18500] =	vst v63  }
0x88: {  	_ =	swait.ge [sflag:s0], $0x2000  }
0x89: {  	[sflag:s0] =	ssyncset.done $0x0  }
0x8a: {  	s14 =	simm.s32 $0x4F00;
	[sflag:s0] =	ssyncadd.s32 $0xFFFFE000  }
0x8b: {  	[spmem:s2] =	stream.indirect.scatter.add.f32 [tilespmem:s8], [sflag:$0x3], $0x40, s14, s31, $0xb8;
	[tilespmem:$0x18500] =	vst v63  }
0x8c: {  	_ =	swait.ge [sflag:s6], $0x2000  }
0x8d: {  	s10 =	simm.s32 $0x100;
	s11 =	simm.s32 $0x800;
	[sflag:s6] =	ssyncset.done $0x0  }
.LBB2_4:
0x8e: {  	s12 =	sadd.s32 $0x80, s10  }
0x8f: {  	[sflag:s6] =	ssyncadd.s32 $0xFFFFE000;
	s13 =	smov.u32 s11;
	s14 =	sadd.s32 $0x400, s11  }
0x90: {  	[tilespmem:s8], [sflag:$0x2] =	stream.indirect.gather [hbm4b:s4+s31], $0x40, s12, s31, $0xb8;
	[tilespmem:$0x18500] =	vst v63  }
0x91: {  	p0 =	sne.s32 s11, $0x13400;
	_ =	swait.ge [sflag:s1], $0x2000  }
0x92: {  	[sflag:s1] =	ssyncset.done $0x0  }
0x93: {  	s11 =	sadd.s32 $0x4E80, s10;
	[sflag:s1] =	ssyncadd.s32 $0xFFFFE000  }
0x94: {  	[spmem:s2] =	stream.indirect.scatter.add.f32 [tilespmem:s3], [sflag:$0x3], $0x40, s11, s31, $0xb8;
	[tilespmem:$0x18500] =	vst v63  }
0x95: {  	_ =	swait.ge [sflag:s6], $0x2000  }
0x96: {  	[sflag:s6] =	ssyncset.done $0x0  }
0x97: {  	s11 =	sadd.s32 $0x100, s10;
	[sflag:s6] =	ssyncadd.s32 $0xFFFFE000  }
0x98: {  	[tilespmem:s3], [sflag:$0x1] =	stream.indirect.gather [hbm4b:s4+s31], $0x40, s11, s31, $0xb8;
	[tilespmem:$0x18500] =	vst v63  }
0x99: {  	_ =	swait.ge [sflag:s0], $0x2000  }
.Ltmp1:
0x9a: {  	[sflag:s0] =	ssyncset.done $0x0;
	(pc) =	sbr.rel @p0 .LBB2_4-.Ltmp1, $4  }
0x9b: {  	s10 =	sadd.s32 $0x4F00, s10;
	[sflag:s0] =	ssyncadd.s32 $0xFFFFE000  }
0x9c: {  	[spmem:s2] =	stream.indirect.scatter.add.f32 [tilespmem:s8], [sflag:$0x3], $0x40, s10, s31, $0xb8;
	[tilespmem:$0x18500] =	vst v63  }
0x9d: {  	_ =	swait.ge [sflag:s6], $0x2000  }
0x9e: {  	s11 =	smov.u32 s14;
	s10 =	sshra.s32 s13, $0x2;
	[sflag:s6] =	ssyncset.done $0x0  }
0x9f: {  	s11 =	sadd.s32 $0x80, s10;
	[sflag:s6] =	ssyncadd.s32 $0xFFFFE000  }
0xa0: {  	[tilespmem:s8], [sflag:$0x2] =	stream.indirect.gather [hbm4b:s4+s31], $0x40, s11, s31, $0xb8;
	[tilespmem:$0x18500] =	vst v63  }
0xa1: {  	_ =	swait.ge [sflag:s1], $0x2000  }
0xa2: {  	[sflag:s1] =	ssyncset.done $0x0  }
0xa3: {  	s12 =	sadd.s32 $0x4E80, s10;
	[sflag:s1] =	ssyncadd.s32 $0xFFFFE000  }
0xa4: {  	[spmem:s2] =	stream.indirect.scatter.add.f32 [tilespmem:s3], [sflag:$0x3], $0x40, s12, s31, $0xb8;
	[tilespmem:$0x18500] =	vst v63  }
0xa5: {  	_ =	swait.ge [sflag:s6], $0x2000  }
0xa6: {  	[sflag:s6] =	ssyncset.done $0x0  }
0xa7: {  	s13 =	sadd.s32 $0x100, s10;
	[sflag:s6] =	ssyncadd.s32 $0xFFFFE000  }
0xa8: {  	[tilespmem:s3], [sflag:$0x1] =	stream.indirect.gather [hbm4b:s4+s31], $0x40, s13, s31, $0xb8;
	[tilespmem:$0x18500] =	vst v63  }
0xa9: {  	_ =	swait.ge [sflag:s0], $0x2000  }
0xaa: {  	[sflag:s0] =	ssyncset.done $0x0  }
0xab: {  	s14 =	sadd.s32 $0x4F00, s10;
	[sflag:s0] =	ssyncadd.s32 $0xFFFFE000  }
0xac: {  	[spmem:s2] =	stream.indirect.scatter.add.f32 [tilespmem:s8], [sflag:$0x3], $0x40, s14, s31, $0xb8;
	[tilespmem:$0x18500] =	vst v63  }
0xad: {  	_ =	swait.ge [sflag:s6], $0x2000  }
0xae: {  	[sflag:s6] =	ssyncset.done $0x0  }
0xaf: {  	[sflag:s6] =	ssyncadd.s32 $0xFFFFE000  }
0xb0: {  	_ =	swait.ge [sflag:s1], $0x2000  }
0xb1: {  	[sflag:s1] =	ssyncset.done $0x0  }
0xb2: {  	s11 =	simm.s32 $0x9C80;
	[sflag:s1] =	ssyncadd.s32 $0xFFFFE000  }
0xb3: {  	[spmem:s2] =	stream.indirect.scatter.add.f32 [tilespmem:s3], [sflag:$0x3], $0x40, s11, s31, $0xb8;
	[tilespmem:$0x18500] =	vst v63  }
0xb4: {  	_ =	swait.ge [sflag:s6], $0x2000  }
0xb5: {  	[sflag:s6] =	ssyncset.done $0x0  }
0xb6: {  	s12 =	stileid.u32;
	[sflag:s6] =	ssyncadd.s32 $0xFFFFE000  }
0xb7: {  	s10 =	sshll.u32 s12, $0x6;
	[bflag:$0x0] =	sbarrier.arrive $0xFFFF  }
0xb8: {  	s10 =	sor.u32 $0x1C03, s10;
	s13 =	rddreg [dreg:$0x5]  }
0xb9: {  	[hbm:s13], [sflag:s10] =	dma.local [spmem:s25], $0x1400  }
0xba: {  	_ =	swait.ge [sflag:s6], $0x1400  }
0xbb: {  	s9 =	sadd.s32 $0x1, s9;
	s14 =	rddreg [dreg:$0x6]  }
0xbc: {  	p0 =	sne.s32 s9, s14  }
.Ltmp2:
0xbd: {  	_ = 	snop;
	(pc) =	sbr.rel @p0 .LBB2_1-.Ltmp2, $3  }
0xbe: {  	_ =	sdelay $0x1  }
0xbf: {  	[sflag:s6] =	ssyncset.done $0x0  }
0xc0: {  	[sflag:s6] =	ssyncadd.s32 $0xFFFFEC00  }
0xc1: {  	_ =	sfence.sel $0x180000  }
0xc2: {  	[bflag:$0x0] =	sbarrier.arrive $0xFFFF  }
0xc3: {  	_ =	strace $0x9000004D  }
0xc4: {  	s0 =	stileid.u32;
	[bflag:$0x2] =	sbarrier.arrive $0xFFFF  }
0xc5: {  	p0 =	sne.s32 s0, $0x0;
	s0 =	rddreg [dreg:$0x2]  }
0xc6: {  	s0 =	sadd.s32 @!p0 $0x100000, s0  }
0xc7: {  	[sflag:s0] =	ssyncadd.tile.s32 @!p0 $0x1;
	_ =	shalt  }
.Lfunc_end2:
_tile_overlayer_lowered:
.L_overlay_start_2:
0xc8: {  	(tag) =	ssettag $0x2  }
0xc9: {  	s0 =	rddreg [dreg:$0x0];
	s2 =	stileid.u32  }
0xca: {  	s1 =	rddreg [dreg:$0x1];
	p0 =	sne.s32 s2, $0x0  }
0xcb: {  	s3 =	rddreg [dreg:$0x2];
	[bflag:$0x3] =	sbarrier.arrive $0xFFFF;
	s2 =	simm.s32 @!p0 $0x1C03  }
0xcc: {  	[timem:s3], [sflag:s2] =	dma.local @!p0 [hbm:s0], s1  }
0xcd: {  	s0 =	simm.s32 @!p0 $0x3  }
0xce: {  	_ =	swait.ge @!p0 [sflag:s0], s1  }
0xcf: {  	s1 =	ssub.s32 @!p0 $0x0, s1;
	[sflag:s0] =	ssyncset.done @!p0 $0x0  }
0xd0: {  	[sflag:s0] =	ssyncadd.s32 @!p0 s1  }
0xd1: {  	[bflag:$0x3] =	sbarrier.arrive $0xFFFF  }
0xd2: {  	_ =	shalt  }

</sc_bundles>
